<compile_context>
chip_gen: v7x
topology: tpu7x:2x2x1
jax: 0.10.2.dev20260603
libtpu: 0.0.44.dev20260713+nightly
codegen_flags: <defaults>
</compile_context>

<pallas_src>
import functools

import jax
import jax.numpy as jnp
import numpy as np
from jax import lax
from jax.experimental import pallas as pl
from jax.experimental.pallas import tpu as pltpu
from jax.experimental.pallas import tpu_sc as plsc

_SPATIAL_START = [45, 48, 87, 90]
_PATCH_SIZES = [3, 5, 7, 9]

_B, _T, _N, _D = 8, 16, 196, 768
_ROWS = _B * _T * _N
_NC, _NS = 2, 16
_SLAB = 4 * _N
_CHUNKS = [(0, 32), (32, 32), (64, 32), (96, 32), (128, 32), (160, 32), (192, 4)]


def _patch_indices(spatial_point, patch_size):
    sp = spatial_point - 15 * (_PATCH_SIZES.index(patch_size))
    gap = (patch_size + 1) // 2
    additional = [sp, sp + gap, sp + gap * 2,
                  sp + 14 * gap, sp + 14 * gap + gap * 2,
                  sp + 14 * gap * 2, sp + 14 * gap * 2 + gap,
                  sp + 14 * gap * 2 + gap * 2]
    center = [14 * i + sp + j + 1 for j in range(patch_size) for i in range(patch_size)]
    return np.asarray(sorted(additional + center), dtype=np.int64)


def _chunk_tables():
    slab_idx = []
    for sp in _SPATIAL_START:
        fr = np.concatenate([
            np.full(len(_patch_indices(sp, ps)), i, dtype=np.int64)
            for i, ps in enumerate(_PATCH_SIZES)])
        pid = np.concatenate([_patch_indices(sp, ps) for ps in _PATCH_SIZES])
        slab_idx.append(fr * _N + pid)
    slab_idx = np.stack(slab_idx).astype(np.int32)
    return [slab_idx[:, k0:k0 + ln].copy() for (k0, ln) in _CHUNKS]


_CHUNK_IDX = _chunk_tables()


@functools.cache
def _build_tube_gather():
    mesh = plsc.VectorSubcoreMesh(
        core_axis_name="c", subcore_axis_name="s",
        num_cores=_NC, num_subcores=_NS)

    idx_scratch = [pltpu.VMEM(a.shape, jnp.int32) for a in _CHUNK_IDX]
    buf_keys = ["A0", "A1", "A2", "A3", "A4", "C"]
    buf_scratch = [
        pltpu.VMEM((32, _D), jnp.float32),
        pltpu.VMEM((32, _D), jnp.float32),
        pltpu.VMEM((32, _D), jnp.float32),
        pltpu.VMEM((32, _D), jnp.float32),
        pltpu.VMEM((32, _D), jnp.float32),
        pltpu.VMEM((4, _D), jnp.float32),
    ]

    @functools.partial(
        pl.kernel,
        out_type=jax.ShapeDtypeStruct((_B, _T, _N, _D), jnp.float32),
        mesh=mesh,
        scratch_types=(idx_scratch + buf_scratch
                       + [pltpu.SemaphoreType.DMA] * (2 * len(buf_keys))),
    )
    def _tube_gather(x_hbm, *rest):
        nc = len(_CHUNK_IDX)
        idx_in = rest[:nc]
        out_hbm = rest[nc]
        sc = list(rest[nc + 1:])
        idx_v = sc[:nc]
        bufs = dict(zip(buf_keys, sc[nc:nc + len(buf_keys)]))
        sems = sc[nc + len(buf_keys):]
        gsem = dict(zip(buf_keys, sems[:len(buf_keys)]))
        ssem = dict(zip(buf_keys, sems[len(buf_keys):]))

        wid = lax.axis_index("s") * _NC + lax.axis_index("c")
        b = wid // 4
        blk = wid % 4
        t0 = 4 * blk
        slab0 = pl.multiple_of((16 * b + t0) * _N, _SLAB)
        slab = x_hbm.at[pl.ds(slab0, _SLAB)]

        idx_copies = [pltpu.async_copy(src, dst, gsem["C"])
                      for src, dst in zip(idx_in, idx_v)]
        for h in idx_copies:
            h.wait()

        units = []
        for j in range(4):
            for u, (k0, ln) in enumerate(_CHUNKS):
                key = "C" if ln == 4 else f"A{len(units) % 5}"

                def g_u(key=key, j=j, u=u, ln=ln):
                    dst = bufs[key]
                    return pltpu.async_copy(
                        slab.at[idx_v[u].at[j]], dst, gsem[key])

                def s_u(key=key, j=j, k0=k0, ln=ln):
                    src = bufs[key]
                    return pltpu.async_copy(
                        src, out_hbm.at[b, t0 + j, pl.ds(k0, ln), :],
                        ssem[key])

                units.append((key, g_u, s_u))

        last_store = {}
        gathers = [None] * len(units)

        def issue(i):
            key = units[i][0]
            h = last_store.pop(key, None)
            if h is not None:
                h.wait()
            gathers[i] = units[i][1]()

        la = 4
        for i in range(la):
            issue(i)
        for i, (key, _, store) in enumerate(units):
            if i + la < len(units):
                issue(i + la)
            gathers[i].wait()
            last_store[key] = store()
        for h in last_store.values():
            h.wait()

    return _tube_gather


def kernel(x):
    args = [jnp.asarray(a) for a in _CHUNK_IDX]
    return _build_tube_gather()(x.reshape(_ROWS, _D), *args)

# --- scband reference (transcript-rebuilt; emitter-appended) ---
"""Pipeline reference for scband-expand-tubevit-6047313953523 (READ-ONLY COPY).

The authoritative reference and input builder live on the scoring server;
editing this copy changes nothing except your own understanding.
"""

import jax, jax.numpy as jnp
import numpy as np

SPATIAL_START = [45, 48, 87, 90]
PATCH_SIZES = [3, 5, 7, 9]


def _patch_indices(spatial_point, patch_size):
    if patch_size == 3:
        sp = spatial_point
    elif patch_size == 5:
        sp = spatial_point - 15
    elif patch_size == 7:
        sp = spatial_point - 15 * 2
    elif patch_size == 9:
        sp = spatial_point - 15 * 3
    gap = (patch_size + 1) // 2
    additional = [sp, sp + gap, sp + gap * 2,
                  sp + 14 * gap, sp + 14 * gap + gap * 2,
                  sp + 14 * gap * 2, sp + 14 * gap * 2 + gap,
                  sp + 14 * gap * 2 + gap * 2]
    center = [14 * i + sp + j + 1 for j in range(patch_size) for i in range(patch_size)]
    idxs = sorted(additional + center)
    return np.asarray(idxs, dtype=np.int64)


def _tube_index_tables():
    # For each spatial start point, build flat gather tables over the 4-frame tube:
    # frame_offsets[196] (which frame within the block) and patch_ids[196] (token index).
    tables = []
    for sp in SPATIAL_START:
        frame_off = []
        patch_ids = []
        for i, ps in enumerate(PATCH_SIZES):
            idxs = _patch_indices(sp, ps)
            frame_off.append(np.full(len(idxs), i, dtype=np.int64))
            patch_ids.append(idxs)
        tables.append((jnp.asarray(np.concatenate(frame_off)), jnp.asarray(np.concatenate(patch_ids))))
    return tables


def setup_inputs(seed: int = 0) -> dict:
    key = jax.random.key(seed)
    x = jax.random.normal(key, (8, 16, 196, 768), dtype=jnp.float32)
    return {"x": x}


def reference(x):
    B, T, N, D = x.shape
    tables = _tube_index_tables()
    tubes = []
    # torch loop order: frame blocks (frame_idx % 4 == 0) outer, spatial points inner
    for b in range(T // 4):
        for (foff, pids) in tables:
            # gather 17+33+57+89 = 196 tokens spanning 4 consecutive frames
            tubes.append(x[:, 4 * b + foff, pids, :])
    return jnp.stack(tubes, axis=1)  # [B, T, 196, 768]

if __name__ == "__main__":
    import jax
    _d = setup_inputs()
    print(jax.jit(kernel)(*tuple(_d.values())))

</pallas_src>

<mosaic_0001>
#map = affine_map<(d0, d1) -> (0, 0)>
#map1 = affine_map<(d0, d1) -> (0, 0, 0, 0)>
module attributes {stable_mosaic.version = 14 : i64} {
  func.func @_tube_gather(%arg0: i32, %arg1: i32, %arg2: memref<25088x768xf32, #tpu.memory_space<hbm>>, %arg3: memref<4x32xi32, #tpu.memory_space<hbm>>, %arg4: memref<4x32xi32, #tpu.memory_space<hbm>>, %arg5: memref<4x32xi32, #tpu.memory_space<hbm>>, %arg6: memref<4x32xi32, #tpu.memory_space<hbm>>, %arg7: memref<4x32xi32, #tpu.memory_space<hbm>>, %arg8: memref<4x32xi32, #tpu.memory_space<hbm>>, %arg9: memref<4x4xi32, #tpu.memory_space<hbm>>, %arg10: memref<8x16x196x768xf32, #tpu.memory_space<hbm>>, %arg11: memref<4x32xi32, #tpu.memory_space<vmem>>, %arg12: memref<4x32xi32, #tpu.memory_space<vmem>>, %arg13: memref<4x32xi32, #tpu.memory_space<vmem>>, %arg14: memref<4x32xi32, #tpu.memory_space<vmem>>, %arg15: memref<4x32xi32, #tpu.memory_space<vmem>>, %arg16: memref<4x32xi32, #tpu.memory_space<vmem>>, %arg17: memref<4x4xi32, #tpu.memory_space<vmem>>, %arg18: memref<32x768xf32, #tpu.memory_space<vmem>>, %arg19: memref<32x768xf32, #tpu.memory_space<vmem>>, %arg20: memref<32x768xf32, #tpu.memory_space<vmem>>, %arg21: memref<32x768xf32, #tpu.memory_space<vmem>>, %arg22: memref<32x768xf32, #tpu.memory_space<vmem>>, %arg23: memref<4x768xf32, #tpu.memory_space<vmem>>, %arg24: memref<!tpu.dma_semaphore, #tpu.memory_space<semaphore_mem>>, %arg25: memref<!tpu.dma_semaphore, #tpu.memory_space<semaphore_mem>>, %arg26: memref<!tpu.dma_semaphore, #tpu.memory_space<semaphore_mem>>, %arg27: memref<!tpu.dma_semaphore, #tpu.memory_space<semaphore_mem>>, %arg28: memref<!tpu.dma_semaphore, #tpu.memory_space<semaphore_mem>>, %arg29: memref<!tpu.dma_semaphore, #tpu.memory_space<semaphore_mem>>, %arg30: memref<!tpu.dma_semaphore, #tpu.memory_space<semaphore_mem>>, %arg31: memref<!tpu.dma_semaphore, #tpu.memory_space<semaphore_mem>>, %arg32: memref<!tpu.dma_semaphore, #tpu.memory_space<semaphore_mem>>, %arg33: memref<!tpu.dma_semaphore, #tpu.memory_space<semaphore_mem>>, %arg34: memref<!tpu.dma_semaphore, #tpu.memory_space<semaphore_mem>>, %arg35: memref<!tpu.dma_semaphore, #tpu.memory_space<semaphore_mem>>) attributes {dimension_semantics = [#tpu.dimension_semantics<core_parallel>, #tpu.dimension_semantics<subcore_parallel>], iteration_bounds = array<i64: 2, 16>, scalar_prefetch = 0 : i64, scratch_operands = 25 : i64, tpu.core_type = #tpu.core_type<sc_vector_subcore>, window_params = [{transform_indices = #map}, {transform_indices = #map}, {transform_indices = #map}, {transform_indices = #map}, {transform_indices = #map}, {transform_indices = #map}, {transform_indices = #map}, {transform_indices = #map}, {transform_indices = #map1}]} {
    %mul3A = arith.constant 2 : i32
    %mul3A_0 = arith.muli %arg1, %mul3A : i32
    %add3A = arith.addi %mul3A_0, %arg0 : i32
    %jit3A = arith.constant 4 : i32
    %div3A = arith.divsi %add3A, %jit3A : i32
    %sign3A = arith.constant 0 : i32
    %sign3A_1 = arith.cmpi sgt, %add3A, %sign3A : i32
    %sign3A_2 = arith.extui %sign3A_1 : i1 to i32
    %sign3A_3 = arith.constant 0 : i32
    %sign3A_4 = arith.cmpi slt, %add3A, %sign3A_3 : i32
    %sign3A_5 = arith.extui %sign3A_4 : i1 to i32
    %sign3A_6 = arith.subi %sign3A_2, %sign3A_5 : i32
    %sign3A_7 = arith.constant 0 : i32
    %sign3A_8 = arith.cmpi sgt, %jit3A, %sign3A_7 : i32
    %sign3A_9 = arith.extui %sign3A_8 : i1 to i32
    %sign3A_10 = arith.constant 0 : i32
    %sign3A_11 = arith.cmpi slt, %jit3A, %sign3A_10 : i32
    %sign3A_12 = arith.extui %sign3A_11 : i1 to i32
    %sign3A_13 = arith.subi %sign3A_9, %sign3A_12 : i32
    %ne3A = arith.cmpi ne, %sign3A_6, %sign3A_13 : i32
    %rem3A = arith.remsi %add3A, %jit3A : i32
    %ne3A_14 = arith.constant 0 : i32
    %ne3A_15 = arith.cmpi ne, %rem3A, %ne3A_14 : i32
    %and3A = arith.andi %ne3A, %ne3A_15 : i1
    %sub3A = arith.constant 1 : i32
    %sub3A_16 = arith.subi %div3A, %sub3A : i32
    %select_n3A = arith.select %and3A, %sub3A_16, %div3A : i32
    %jit3A_17 = arith.constant 4 : i32
    %eq3A = arith.constant 0 : i32
    %eq3A_18 = arith.cmpi eq, %jit3A_17, %eq3A : i32
    %jit3A_19 = arith.constant 1 : i32
    %select_n3A_20 = arith.select %eq3A_18, %jit3A_19, %jit3A_17 : i32
    %rem3A_21 = arith.remsi %add3A, %select_n3A_20 : i32
    %ne3A_22 = arith.constant 0 : i32
    %ne3A_23 = arith.cmpi ne, %rem3A_21, %ne3A_22 : i32
    %lt3A = arith.constant 0 : i32
    %lt3A_24 = arith.cmpi slt, %rem3A_21, %lt3A : i32
    %lt3A_25 = arith.constant 0 : i32
    %lt3A_26 = arith.cmpi slt, %select_n3A_20, %lt3A_25 : i32
    %ne3A_27 = arith.xori %lt3A_24, %lt3A_26 : i1
    %and3A_28 = arith.andi %ne3A_27, %ne3A_23 : i1
    %add3A_29 = arith.addi %rem3A_21, %select_n3A_20 : i32
    %select_n3A_30 = arith.select %and3A_28, %add3A_29, %rem3A_21 : i32
    %mul3A_31 = arith.constant 4 : i32
    %mul3A_32 = arith.muli %mul3A_31, %select_n3A_30 : i32
    %mul3A_33 = arith.constant 16 : i32
    %mul3A_34 = arith.muli %mul3A_33, %select_n3A : i32
    %add3A_35 = arith.addi %mul3A_34, %mul3A_32 : i32
    %mul3A_36 = arith.constant 196 : i32
    %mul3A_37 = arith.muli %add3A_35, %mul3A_36 : i32
    %multiple_of3A = tpu.assume_multiple %mul3A_37, 784 : i32
    tpu.enqueue_dma source(%arg3 : memref<4x32xi32, #tpu.memory_space<hbm>>) target(%arg11 : memref<4x32xi32, #tpu.memory_space<vmem>>) target_semaphore(%arg29 : memref<!tpu.dma_semaphore, #tpu.memory_space<semaphore_mem>>)
    tpu.enqueue_dma source(%arg4 : memref<4x32xi32, #tpu.memory_space<hbm>>) target(%arg12 : memref<4x32xi32, #tpu.memory_space<vmem>>) target_semaphore(%arg29 : memref<!tpu.dma_semaphore, #tpu.memory_space<semaphore_mem>>)
    tpu.enqueue_dma source(%arg5 : memref<4x32xi32, #tpu.memory_space<hbm>>) target(%arg13 : memref<4x32xi32, #tpu.memory_space<vmem>>) target_semaphore(%arg29 : memref<!tpu.dma_semaphore, #tpu.memory_space<semaphore_mem>>)
    tpu.enqueue_dma source(%arg6 : memref<4x32xi32, #tpu.memory_space<hbm>>) target(%arg14 : memref<4x32xi32, #tpu.memory_space<vmem>>) target_semaphore(%arg29 : memref<!tpu.dma_semaphore, #tpu.memory_space<semaphore_mem>>)
    tpu.enqueue_dma source(%arg7 : memref<4x32xi32, #tpu.memory_space<hbm>>) target(%arg15 : memref<4x32xi32, #tpu.memory_space<vmem>>) target_semaphore(%arg29 : memref<!tpu.dma_semaphore, #tpu.memory_space<semaphore_mem>>)
    tpu.enqueue_dma source(%arg8 : memref<4x32xi32, #tpu.memory_space<hbm>>) target(%arg16 : memref<4x32xi32, #tpu.memory_space<vmem>>) target_semaphore(%arg29 : memref<!tpu.dma_semaphore, #tpu.memory_space<semaphore_mem>>)
    tpu.enqueue_dma source(%arg9 : memref<4x4xi32, #tpu.memory_space<hbm>>) target(%arg17 : memref<4x4xi32, #tpu.memory_space<vmem>>) target_semaphore(%arg29 : memref<!tpu.dma_semaphore, #tpu.memory_space<semaphore_mem>>)
    tpu.wait_dma2 semaphore(%arg29 : memref<!tpu.dma_semaphore, #tpu.memory_space<semaphore_mem>>) src(%arg3 : memref<4x32xi32, #tpu.memory_space<hbm>>) dst(%arg11 : memref<4x32xi32, #tpu.memory_space<vmem>>)
    tpu.wait_dma2 semaphore(%arg29 : memref<!tpu.dma_semaphore, #tpu.memory_space<semaphore_mem>>) src(%arg4 : memref<4x32xi32, #tpu.memory_space<hbm>>) dst(%arg12 : memref<4x32xi32, #tpu.memory_space<vmem>>)
    tpu.wait_dma2 semaphore(%arg29 : memref<!tpu.dma_semaphore, #tpu.memory_space<semaphore_mem>>) src(%arg5 : memref<4x32xi32, #tpu.memory_space<hbm>>) dst(%arg13 : memref<4x32xi32, #tpu.memory_space<vmem>>)
    tpu.wait_dma2 semaphore(%arg29 : memref<!tpu.dma_semaphore, #tpu.memory_space<semaphore_mem>>) src(%arg6 : memref<4x32xi32, #tpu.memory_space<hbm>>) dst(%arg14 : memref<4x32xi32, #tpu.memory_space<vmem>>)
    tpu.wait_dma2 semaphore(%arg29 : memref<!tpu.dma_semaphore, #tpu.memory_space<semaphore_mem>>) src(%arg7 : memref<4x32xi32, #tpu.memory_space<hbm>>) dst(%arg15 : memref<4x32xi32, #tpu.memory_space<vmem>>)
    tpu.wait_dma2 semaphore(%arg29 : memref<!tpu.dma_semaphore, #tpu.memory_space<semaphore_mem>>) src(%arg8 : memref<4x32xi32, #tpu.memory_space<hbm>>) dst(%arg16 : memref<4x32xi32, #tpu.memory_space<vmem>>)
    tpu.wait_dma2 semaphore(%arg29 : memref<!tpu.dma_semaphore, #tpu.memory_space<semaphore_mem>>) src(%arg9 : memref<4x4xi32, #tpu.memory_space<hbm>>) dst(%arg17 : memref<4x4xi32, #tpu.memory_space<vmem>>)
    %dma_start3A = arith.constant 0 : i32
    %dma_start3A_38 = arith.constant 0 : i32
    %dma_start3A_39 = tpu.memref_slice %arg11[%dma_start3A, %dma_start3A_38] : memref<4x32xi32, #tpu.memory_space<vmem>> -> memref<1x32xi32, #tpu.memory_space<vmem>>
    %dma_start3A_40 = tpu.memref_squeeze %dma_start3A_39 : memref<1x32xi32, #tpu.memory_space<vmem>> -> memref<32xi32, #tpu.memory_space<vmem>>
    %dma_start3A_41 = arith.constant 0 : i32
    %dma_start3A_42 = tpu.memref_slice %arg2[%multiple_of3A, %dma_start3A_41] : memref<25088x768xf32, #tpu.memory_space<hbm>> -> memref<784x768xf32, #tpu.memory_space<hbm>>
    %dma_start3A_43 = arith.constant 0 : i32
    %dma_start3A_44 = arith.constant 0 : i32
    %dma_start3A_45 = tpu.memref_slice %dma_start3A_42[%dma_start3A_43, %dma_start3A_44] : memref<784x768xf32, #tpu.memory_space<hbm>> -> memref<784x768xf32, #tpu.memory_space<hbm>>
    tpu.enqueue_indirect_dma source(%dma_start3A_45 : memref<784x768xf32, #tpu.memory_space<hbm>>) target(%arg18 : memref<32x768xf32, #tpu.memory_space<vmem>>) offsets(%dma_start3A_40 : memref<32xi32, #tpu.memory_space<vmem>>) semaphore(%arg24 : memref<!tpu.dma_semaphore, #tpu.memory_space<semaphore_mem>>)
    %dma_start3A_46 = arith.constant 0 : i32
    %dma_start3A_47 = arith.constant 0 : i32
    %dma_start3A_48 = tpu.memref_slice %arg12[%dma_start3A_46, %dma_start3A_47] : memref<4x32xi32, #tpu.memory_space<vmem>> -> memref<1x32xi32, #tpu.memory_space<vmem>>
    %dma_start3A_49 = tpu.memref_squeeze %dma_start3A_48 : memref<1x32xi32, #tpu.memory_space<vmem>> -> memref<32xi32, #tpu.memory_space<vmem>>
    %dma_start3A_50 = arith.constant 0 : i32
    %dma_start3A_51 = tpu.memref_slice %arg2[%multiple_of3A, %dma_start3A_50] : memref<25088x768xf32, #tpu.memory_space<hbm>> -> memref<784x768xf32, #tpu.memory_space<hbm>>
    %dma_start3A_52 = arith.constant 0 : i32
    %dma_start3A_53 = arith.constant 0 : i32
    %dma_start3A_54 = tpu.memref_slice %dma_start3A_51[%dma_start3A_52, %dma_start3A_53] : memref<784x768xf32, #tpu.memory_space<hbm>> -> memref<784x768xf32, #tpu.memory_space<hbm>>
    tpu.enqueue_indirect_dma source(%dma_start3A_54 : memref<784x768xf32, #tpu.memory_space<hbm>>) target(%arg19 : memref<32x768xf32, #tpu.memory_space<vmem>>) offsets(%dma_start3A_49 : memref<32xi32, #tpu.memory_space<vmem>>) semaphore(%arg25 : memref<!tpu.dma_semaphore, #tpu.memory_space<semaphore_mem>>)
    %dma_start3A_55 = arith.constant 0 : i32
    %dma_start3A_56 = arith.constant 0 : i32
    %dma_start3A_57 = tpu.memref_slice %arg13[%dma_start3A_55, %dma_start3A_56] : memref<4x32xi32, #tpu.memory_space<vmem>> -> memref<1x32xi32, #tpu.memory_space<vmem>>
    %dma_start3A_58 = tpu.memref_squeeze %dma_start3A_57 : memref<1x32xi32, #tpu.memory_space<vmem>> -> memref<32xi32, #tpu.memory_space<vmem>>
    %dma_start3A_59 = arith.constant 0 : i32
    %dma_start3A_60 = tpu.memref_slice %arg2[%multiple_of3A, %dma_start3A_59] : memref<25088x768xf32, #tpu.memory_space<hbm>> -> memref<784x768xf32, #tpu.memory_space<hbm>>
    %dma_start3A_61 = arith.constant 0 : i32
    %dma_start3A_62 = arith.constant 0 : i32
    %dma_start3A_63 = tpu.memref_slice %dma_start3A_60[%dma_start3A_61, %dma_start3A_62] : memref<784x768xf32, #tpu.memory_space<hbm>> -> memref<784x768xf32, #tpu.memory_space<hbm>>
    tpu.enqueue_indirect_dma source(%dma_start3A_63 : memref<784x768xf32, #tpu.memory_space<hbm>>) target(%arg20 : memref<32x768xf32, #tpu.memory_space<vmem>>) offsets(%dma_start3A_58 : memref<32xi32, #tpu.memory_space<vmem>>) semaphore(%arg26 : memref<!tpu.dma_semaphore, #tpu.memory_space<semaphore_mem>>)
    %dma_start3A_64 = arith.constant 0 : i32
    %dma_start3A_65 = arith.constant 0 : i32
    %dma_start3A_66 = tpu.memref_slice %arg14[%dma_start3A_64, %dma_start3A_65] : memref<4x32xi32, #tpu.memory_space<vmem>> -> memref<1x32xi32, #tpu.memory_space<vmem>>
    %dma_start3A_67 = tpu.memref_squeeze %dma_start3A_66 : memref<1x32xi32, #tpu.memory_space<vmem>> -> memref<32xi32, #tpu.memory_space<vmem>>
    %dma_start3A_68 = arith.constant 0 : i32
    %dma_start3A_69 = tpu.memref_slice %arg2[%multiple_of3A, %dma_start3A_68] : memref<25088x768xf32, #tpu.memory_space<hbm>> -> memref<784x768xf32, #tpu.memory_space<hbm>>
    %dma_start3A_70 = arith.constant 0 : i32
    %dma_start3A_71 = arith.constant 0 : i32
    %dma_start3A_72 = tpu.memref_slice %dma_start3A_69[%dma_start3A_70, %dma_start3A_71] : memref<784x768xf32, #tpu.memory_space<hbm>> -> memref<784x768xf32, #tpu.memory_space<hbm>>
    tpu.enqueue_indirect_dma source(%dma_start3A_72 : memref<784x768xf32, #tpu.memory_space<hbm>>) target(%arg21 : memref<32x768xf32, #tpu.memory_space<vmem>>) offsets(%dma_start3A_67 : memref<32xi32, #tpu.memory_space<vmem>>) semaphore(%arg27 : memref<!tpu.dma_semaphore, #tpu.memory_space<semaphore_mem>>)
    %dma_start3A_73 = arith.constant 0 : i32
    %dma_start3A_74 = arith.constant 0 : i32
    %dma_start3A_75 = tpu.memref_slice %arg15[%dma_start3A_73, %dma_start3A_74] : memref<4x32xi32, #tpu.memory_space<vmem>> -> memref<1x32xi32, #tpu.memory_space<vmem>>
    %dma_start3A_76 = tpu.memref_squeeze %dma_start3A_75 : memref<1x32xi32, #tpu.memory_space<vmem>> -> memref<32xi32, #tpu.memory_space<vmem>>
    %dma_start3A_77 = arith.constant 0 : i32
    %dma_start3A_78 = tpu.memref_slice %arg2[%multiple_of3A, %dma_start3A_77] : memref<25088x768xf32, #tpu.memory_space<hbm>> -> memref<784x768xf32, #tpu.memory_space<hbm>>
    %dma_start3A_79 = arith.constant 0 : i32
    %dma_start3A_80 = arith.constant 0 : i32
    %dma_start3A_81 = tpu.memref_slice %dma_start3A_78[%dma_start3A_79, %dma_start3A_80] : memref<784x768xf32, #tpu.memory_space<hbm>> -> memref<784x768xf32, #tpu.memory_space<hbm>>
    tpu.enqueue_indirect_dma source(%dma_start3A_81 : memref<784x768xf32, #tpu.memory_space<hbm>>) target(%arg22 : memref<32x768xf32, #tpu.memory_space<vmem>>) offsets(%dma_start3A_76 : memref<32xi32, #tpu.memory_space<vmem>>) semaphore(%arg28 : memref<!tpu.dma_semaphore, #tpu.memory_space<semaphore_mem>>)
    %dma_wait3A = arith.constant 0 : i32
    %dma_wait3A_82 = arith.constant 0 : i32
    %dma_wait3A_83 = tpu.memref_slice %arg11[%dma_wait3A, %dma_wait3A_82] : memref<4x32xi32, #tpu.memory_space<vmem>> -> memref<1x32xi32, #tpu.memory_space<vmem>>
    %dma_wait3A_84 = tpu.memref_squeeze %dma_wait3A_83 : memref<1x32xi32, #tpu.memory_space<vmem>> -> memref<32xi32, #tpu.memory_space<vmem>>
    %dma_wait3A_85 = arith.constant 0 : i32
    %dma_wait3A_86 = tpu.memref_slice %arg2[%multiple_of3A, %dma_wait3A_85] : memref<25088x768xf32, #tpu.memory_space<hbm>> -> memref<784x768xf32, #tpu.memory_space<hbm>>
    %dma_wait3A_87 = arith.constant 0 : i32
    %dma_wait3A_88 = arith.constant 0 : i32
    %dma_wait3A_89 = tpu.memref_slice %dma_wait3A_86[%dma_wait3A_87, %dma_wait3A_88] : memref<784x768xf32, #tpu.memory_space<hbm>> -> memref<784x768xf32, #tpu.memory_space<hbm>>
    tpu.wait_indirect_dma semaphore(%arg24 : memref<!tpu.dma_semaphore, #tpu.memory_space<semaphore_mem>>) src(%dma_wait3A_89 : memref<784x768xf32, #tpu.memory_space<hbm>>) dst(%arg18 : memref<32x768xf32, #tpu.memory_space<vmem>>)
    %add3A_90 = arith.constant 0 : i32
    %add3A_91 = arith.addi %mul3A_32, %add3A_90 : i32
    %dma_start3A_92 = arith.constant 0 : i32
    %dma_start3A_93 = arith.constant 0 : i32
    %dma_start3A_94 = tpu.memref_slice %arg10[%select_n3A, %add3A_91, %dma_start3A_92, %dma_start3A_93] : memref<8x16x196x768xf32, #tpu.memory_space<hbm>> -> memref<1x1x32x768xf32, #tpu.memory_space<hbm>>
    %dma_start3A_95 = tpu.memref_squeeze %dma_start3A_94 : memref<1x1x32x768xf32, #tpu.memory_space<hbm>> -> memref<32x768xf32, #tpu.memory_space<hbm>>
    %dma_start3A_96 = arith.constant 0 : i32
    %dma_start3A_97 = arith.constant 0 : i32
    %dma_start3A_98 = tpu.memref_slice %arg10[%select_n3A, %add3A_91, %dma_start3A_96, %dma_start3A_97] : memref<8x16x196x768xf32, #tpu.memory_space<hbm>> -> memref<1x1x32x768xf32, #tpu.memory_space<hbm>>
    %dma_start3A_99 = tpu.memref_squeeze %dma_start3A_98 : memref<1x1x32x768xf32, #tpu.memory_space<hbm>> -> memref<32x768xf32, #tpu.memory_space<hbm>>
    tpu.enqueue_dma source(%arg18 : memref<32x768xf32, #tpu.memory_space<vmem>>) target(%dma_start3A_99 : memref<32x768xf32, #tpu.memory_space<hbm>>) target_semaphore(%arg30 : memref<!tpu.dma_semaphore, #tpu.memory_space<semaphore_mem>>)
    %dma_wait3A_100 = arith.constant 0 : i32
    %dma_wait3A_101 = arith.constant 0 : i32
    %dma_wait3A_102 = tpu.memref_slice %arg10[%select_n3A, %add3A_91, %dma_wait3A_100, %dma_wait3A_101] : memref<8x16x196x768xf32, #tpu.memory_space<hbm>> -> memref<1x1x32x768xf32, #tpu.memory_space<hbm>>
    %dma_wait3A_103 = tpu.memref_squeeze %dma_wait3A_102 : memref<1x1x32x768xf32, #tpu.memory_space<hbm>> -> memref<32x768xf32, #tpu.memory_space<hbm>>
    %dma_wait3A_104 = arith.constant 0 : i32
    %dma_wait3A_105 = arith.constant 0 : i32
    %dma_wait3A_106 = tpu.memref_slice %arg10[%select_n3A, %add3A_91, %dma_wait3A_104, %dma_wait3A_105] : memref<8x16x196x768xf32, #tpu.memory_space<hbm>> -> memref<1x1x32x768xf32, #tpu.memory_space<hbm>>
    %dma_wait3A_107 = tpu.memref_squeeze %dma_wait3A_106 : memref<1x1x32x768xf32, #tpu.memory_space<hbm>> -> memref<32x768xf32, #tpu.memory_space<hbm>>
    tpu.wait_dma2 semaphore(%arg30 : memref<!tpu.dma_semaphore, #tpu.memory_space<semaphore_mem>>) src(%arg18 : memref<32x768xf32, #tpu.memory_space<vmem>>) dst(%dma_wait3A_107 : memref<32x768xf32, #tpu.memory_space<hbm>>)
    %dma_start3A_108 = arith.constant 0 : i32
    %dma_start3A_109 = arith.constant 0 : i32
    %dma_start3A_110 = tpu.memref_slice %arg16[%dma_start3A_108, %dma_start3A_109] : memref<4x32xi32, #tpu.memory_space<vmem>> -> memref<1x32xi32, #tpu.memory_space<vmem>>
    %dma_start3A_111 = tpu.memref_squeeze %dma_start3A_110 : memref<1x32xi32, #tpu.memory_space<vmem>> -> memref<32xi32, #tpu.memory_space<vmem>>
    %dma_start3A_112 = arith.constant 0 : i32
    %dma_start3A_113 = tpu.memref_slice %arg2[%multiple_of3A, %dma_start3A_112] : memref<25088x768xf32, #tpu.memory_space<hbm>> -> memref<784x768xf32, #tpu.memory_space<hbm>>
    %dma_start3A_114 = arith.constant 0 : i32
    %dma_start3A_115 = arith.constant 0 : i32
    %dma_start3A_116 = tpu.memref_slice %dma_start3A_113[%dma_start3A_114, %dma_start3A_115] : memref<784x768xf32, #tpu.memory_space<hbm>> -> memref<784x768xf32, #tpu.memory_space<hbm>>
    tpu.enqueue_indirect_dma source(%dma_start3A_116 : memref<784x768xf32, #tpu.memory_space<hbm>>) target(%arg18 : memref<32x768xf32, #tpu.memory_space<vmem>>) offsets(%dma_start3A_111 : memref<32xi32, #tpu.memory_space<vmem>>) semaphore(%arg24 : memref<!tpu.dma_semaphore, #tpu.memory_space<semaphore_mem>>)
    %dma_wait3A_117 = arith.constant 0 : i32
    %dma_wait3A_118 = arith.constant 0 : i32
    %dma_wait3A_119 = tpu.memref_slice %arg12[%dma_wait3A_117, %dma_wait3A_118] : memref<4x32xi32, #tpu.memory_space<vmem>> -> memref<1x32xi32, #tpu.memory_space<vmem>>
    %dma_wait3A_120 = tpu.memref_squeeze %dma_wait3A_119 : memref<1x32xi32, #tpu.memory_space<vmem>> -> memref<32xi32, #tpu.memory_space<vmem>>
    %dma_wait3A_121 = arith.constant 0 : i32
    %dma_wait3A_122 = tpu.memref_slice %arg2[%multiple_of3A, %dma_wait3A_121] : memref<25088x768xf32, #tpu.memory_space<hbm>> -> memref<784x768xf32, #tpu.memory_space<hbm>>
    %dma_wait3A_123 = arith.constant 0 : i32
    %dma_wait3A_124 = arith.constant 0 : i32
    %dma_wait3A_125 = tpu.memref_slice %dma_wait3A_122[%dma_wait3A_123, %dma_wait3A_124] : memref<784x768xf32, #tpu.memory_space<hbm>> -> memref<784x768xf32, #tpu.memory_space<hbm>>
    tpu.wait_indirect_dma semaphore(%arg25 : memref<!tpu.dma_semaphore, #tpu.memory_space<semaphore_mem>>) src(%dma_wait3A_125 : memref<784x768xf32, #tpu.memory_space<hbm>>) dst(%arg19 : memref<32x768xf32, #tpu.memory_space<vmem>>)
    %add3A_126 = arith.constant 0 : i32
    %add3A_127 = arith.addi %mul3A_32, %add3A_126 : i32
    %dma_start3A_128 = arith.constant 32 : i32
    %dma_start3A_129 = arith.constant 0 : i32
    %dma_start3A_130 = tpu.memref_slice %arg10[%select_n3A, %add3A_127, %dma_start3A_128, %dma_start3A_129] : memref<8x16x196x768xf32, #tpu.memory_space<hbm>> -> memref<1x1x32x768xf32, #tpu.memory_space<hbm>>
    %dma_start3A_131 = tpu.memref_squeeze %dma_start3A_130 : memref<1x1x32x768xf32, #tpu.memory_space<hbm>> -> memref<32x768xf32, #tpu.memory_space<hbm>>
    %dma_start3A_132 = arith.constant 32 : i32
    %dma_start3A_133 = arith.constant 0 : i32
    %dma_start3A_134 = tpu.memref_slice %arg10[%select_n3A, %add3A_127, %dma_start3A_132, %dma_start3A_133] : memref<8x16x196x768xf32, #tpu.memory_space<hbm>> -> memref<1x1x32x768xf32, #tpu.memory_space<hbm>>
    %dma_start3A_135 = tpu.memref_squeeze %dma_start3A_134 : memref<1x1x32x768xf32, #tpu.memory_space<hbm>> -> memref<32x768xf32, #tpu.memory_space<hbm>>
    tpu.enqueue_dma source(%arg19 : memref<32x768xf32, #tpu.memory_space<vmem>>) target(%dma_start3A_135 : memref<32x768xf32, #tpu.memory_space<hbm>>) target_semaphore(%arg31 : memref<!tpu.dma_semaphore, #tpu.memory_space<semaphore_mem>>)
    %dma_start3A_136 = arith.constant 0 : i32
    %dma_start3A_137 = arith.constant 0 : i32
    %dma_start3A_138 = tpu.memref_slice %arg17[%dma_start3A_136, %dma_start3A_137] : memref<4x4xi32, #tpu.memory_space<vmem>> -> memref<1x4xi32, #tpu.memory_space<vmem>>
    %dma_start3A_139 = tpu.memref_squeeze %dma_start3A_138 : memref<1x4xi32, #tpu.memory_space<vmem>> -> memref<4xi32, #tpu.memory_space<vmem>>
    %dma_start3A_140 = arith.constant 0 : i32
    %dma_start3A_141 = tpu.memref_slice %arg2[%multiple_of3A, %dma_start3A_140] : memref<25088x768xf32, #tpu.memory_space<hbm>> -> memref<784x768xf32, #tpu.memory_space<hbm>>
    %dma_start3A_142 = arith.constant 0 : i32
    %dma_start3A_143 = arith.constant 0 : i32
    %dma_start3A_144 = tpu.memref_slice %dma_start3A_141[%dma_start3A_142, %dma_start3A_143] : memref<784x768xf32, #tpu.memory_space<hbm>> -> memref<784x768xf32, #tpu.memory_space<hbm>>
    tpu.enqueue_indirect_dma source(%dma_start3A_144 : memref<784x768xf32, #tpu.memory_space<hbm>>) target(%arg23 : memref<4x768xf32, #tpu.memory_space<vmem>>) offsets(%dma_start3A_139 : memref<4xi32, #tpu.memory_space<vmem>>) semaphore(%arg29 : memref<!tpu.dma_semaphore, #tpu.memory_space<semaphore_mem>>)
    %dma_wait3A_145 = arith.constant 0 : i32
    %dma_wait3A_146 = arith.constant 0 : i32
    %dma_wait3A_147 = tpu.memref_slice %arg13[%dma_wait3A_145, %dma_wait3A_146] : memref<4x32xi32, #tpu.memory_space<vmem>> -> memref<1x32xi32, #tpu.memory_space<vmem>>
    %dma_wait3A_148 = tpu.memref_squeeze %dma_wait3A_147 : memref<1x32xi32, #tpu.memory_space<vmem>> -> memref<32xi32, #tpu.memory_space<vmem>>
    %dma_wait3A_149 = arith.constant 0 : i32
    %dma_wait3A_150 = tpu.memref_slice %arg2[%multiple_of3A, %dma_wait3A_149] : memref<25088x768xf32, #tpu.memory_space<hbm>> -> memref<784x768xf32, #tpu.memory_space<hbm>>
    %dma_wait3A_151 = arith.constant 0 : i32
    %dma_wait3A_152 = arith.constant 0 : i32
    %dma_wait3A_153 = tpu.memref_slice %dma_wait3A_150[%dma_wait3A_151, %dma_wait3A_152] : memref<784x768xf32, #tpu.memory_space<hbm>> -> memref<784x768xf32, #tpu.memory_space<hbm>>
    tpu.wait_indirect_dma semaphore(%arg26 : memref<!tpu.dma_semaphore, #tpu.memory_space<semaphore_mem>>) src(%dma_wait3A_153 : memref<784x768xf32, #tpu.memory_space<hbm>>) dst(%arg20 : memref<32x768xf32, #tpu.memory_space<vmem>>)
    %add3A_154 = arith.constant 0 : i32
    %add3A_155 = arith.addi %mul3A_32, %add3A_154 : i32
    %dma_start3A_156 = arith.constant 64 : i32
    %dma_start3A_157 = arith.constant 0 : i32
    %dma_start3A_158 = tpu.memref_slice %arg10[%select_n3A, %add3A_155, %dma_start3A_156, %dma_start3A_157] : memref<8x16x196x768xf32, #tpu.memory_space<hbm>> -> memref<1x1x32x768xf32, #tpu.memory_space<hbm>>
    %dma_start3A_159 = tpu.memref_squeeze %dma_start3A_158 : memref<1x1x32x768xf32, #tpu.memory_space<hbm>> -> memref<32x768xf32, #tpu.memory_space<hbm>>
    %dma_start3A_160 = arith.constant 64 : i32
    %dma_start3A_161 = arith.constant 0 : i32
    %dma_start3A_162 = tpu.memref_slice %arg10[%select_n3A, %add3A_155, %dma_start3A_160, %dma_start3A_161] : memref<8x16x196x768xf32, #tpu.memory_space<hbm>> -> memref<1x1x32x768xf32, #tpu.memory_space<hbm>>
    %dma_start3A_163 = tpu.memref_squeeze %dma_start3A_162 : memref<1x1x32x768xf32, #tpu.memory_space<hbm>> -> memref<32x768xf32, #tpu.memory_space<hbm>>
    tpu.enqueue_dma source(%arg20 : memref<32x768xf32, #tpu.memory_space<vmem>>) target(%dma_start3A_163 : memref<32x768xf32, #tpu.memory_space<hbm>>) target_semaphore(%arg32 : memref<!tpu.dma_semaphore, #tpu.memory_space<semaphore_mem>>)
    %dma_wait3A_164 = arith.constant 64 : i32
    %dma_wait3A_165 = arith.constant 0 : i32
    %dma_wait3A_166 = tpu.memref_slice %arg10[%select_n3A, %add3A_155, %dma_wait3A_164, %dma_wait3A_165] : memref<8x16x196x768xf32, #tpu.memory_space<hbm>> -> memref<1x1x32x768xf32, #tpu.memory_space<hbm>>
    %dma_wait3A_167 = tpu.memref_squeeze %dma_wait3A_166 : memref<1x1x32x768xf32, #tpu.memory_space<hbm>> -> memref<32x768xf32, #tpu.memory_space<hbm>>
    %dma_wait3A_168 = arith.constant 64 : i32
    %dma_wait3A_169 = arith.constant 0 : i32
    %dma_wait3A_170 = tpu.memref_slice %arg10[%select_n3A, %add3A_155, %dma_wait3A_168, %dma_wait3A_169] : memref<8x16x196x768xf32, #tpu.memory_space<hbm>> -> memref<1x1x32x768xf32, #tpu.memory_space<hbm>>
    %dma_wait3A_171 = tpu.memref_squeeze %dma_wait3A_170 : memref<1x1x32x768xf32, #tpu.memory_space<hbm>> -> memref<32x768xf32, #tpu.memory_space<hbm>>
    tpu.wait_dma2 semaphore(%arg32 : memref<!tpu.dma_semaphore, #tpu.memory_space<semaphore_mem>>) src(%arg20 : memref<32x768xf32, #tpu.memory_space<vmem>>) dst(%dma_wait3A_171 : memref<32x768xf32, #tpu.memory_space<hbm>>)
    %dma_start3A_172 = arith.constant 1 : i32
    %dma_start3A_173 = arith.constant 0 : i32
    %dma_start3A_174 = tpu.memref_slice %arg11[%dma_start3A_172, %dma_start3A_173] : memref<4x32xi32, #tpu.memory_space<vmem>> -> memref<1x32xi32, #tpu.memory_space<vmem>>
    %dma_start3A_175 = tpu.memref_squeeze %dma_start3A_174 : memref<1x32xi32, #tpu.memory_space<vmem>> -> memref<32xi32, #tpu.memory_space<vmem>>
    %dma_start3A_176 = arith.constant 0 : i32
    %dma_start3A_177 = tpu.memref_slice %arg2[%multiple_of3A, %dma_start3A_176] : memref<25088x768xf32, #tpu.memory_space<hbm>> -> memref<784x768xf32, #tpu.memory_space<hbm>>
    %dma_start3A_178 = arith.constant 0 : i32
    %dma_start3A_179 = arith.constant 0 : i32
    %dma_start3A_180 = tpu.memref_slice %dma_start3A_177[%dma_start3A_178, %dma_start3A_179] : memref<784x768xf32, #tpu.memory_space<hbm>> -> memref<784x768xf32, #tpu.memory_space<hbm>>
    tpu.enqueue_indirect_dma source(%dma_start3A_180 : memref<784x768xf32, #tpu.memory_space<hbm>>) target(%arg20 : memref<32x768xf32, #tpu.memory_space<vmem>>) offsets(%dma_start3A_175 : memref<32xi32, #tpu.memory_space<vmem>>) semaphore(%arg26 : memref<!tpu.dma_semaphore, #tpu.memory_space<semaphore_mem>>)
    %dma_wait3A_181 = arith.constant 0 : i32
    %dma_wait3A_182 = arith.constant 0 : i32
    %dma_wait3A_183 = tpu.memref_slice %arg14[%dma_wait3A_181, %dma_wait3A_182] : memref<4x32xi32, #tpu.memory_space<vmem>> -> memref<1x32xi32, #tpu.memory_space<vmem>>
    %dma_wait3A_184 = tpu.memref_squeeze %dma_wait3A_183 : memref<1x32xi32, #tpu.memory_space<vmem>> -> memref<32xi32, #tpu.memory_space<vmem>>
    %dma_wait3A_185 = arith.constant 0 : i32
    %dma_wait3A_186 = tpu.memref_slice %arg2[%multiple_of3A, %dma_wait3A_185] : memref<25088x768xf32, #tpu.memory_space<hbm>> -> memref<784x768xf32, #tpu.memory_space<hbm>>
    %dma_wait3A_187 = arith.constant 0 : i32
    %dma_wait3A_188 = arith.constant 0 : i32
    %dma_wait3A_189 = tpu.memref_slice %dma_wait3A_186[%dma_wait3A_187, %dma_wait3A_188] : memref<784x768xf32, #tpu.memory_space<hbm>> -> memref<784x768xf32, #tpu.memory_space<hbm>>
    tpu.wait_indirect_dma semaphore(%arg27 : memref<!tpu.dma_semaphore, #tpu.memory_space<semaphore_mem>>) src(%dma_wait3A_189 : memref<784x768xf32, #tpu.memory_space<hbm>>) dst(%arg21 : memref<32x768xf32, #tpu.memory_space<vmem>>)
    %add3A_190 = arith.constant 0 : i32
    %add3A_191 = arith.addi %mul3A_32, %add3A_190 : i32
    %dma_start3A_192 = arith.constant 96 : i32
    %dma_start3A_193 = arith.constant 0 : i32
    %dma_start3A_194 = tpu.memref_slice %arg10[%select_n3A, %add3A_191, %dma_start3A_192, %dma_start3A_193] : memref<8x16x196x768xf32, #tpu.memory_space<hbm>> -> memref<1x1x32x768xf32, #tpu.memory_space<hbm>>
    %dma_start3A_195 = tpu.memref_squeeze %dma_start3A_194 : memref<1x1x32x768xf32, #tpu.memory_space<hbm>> -> memref<32x768xf32, #tpu.memory_space<hbm>>
    %dma_start3A_196 = arith.constant 96 : i32
    %dma_start3A_197 = arith.constant 0 : i32
    %dma_start3A_198 = tpu.memref_slice %arg10[%select_n3A, %add3A_191, %dma_start3A_196, %dma_start3A_197] : memref<8x16x196x768xf32, #tpu.memory_space<hbm>> -> memref<1x1x32x768xf32, #tpu.memory_space<hbm>>
    %dma_start3A_199 = tpu.memref_squeeze %dma_start3A_198 : memref<1x1x32x768xf32, #tpu.memory_space<hbm>> -> memref<32x768xf32, #tpu.memory_space<hbm>>
    tpu.enqueue_dma source(%arg21 : memref<32x768xf32, #tpu.memory_space<vmem>>) target(%dma_start3A_199 : memref<32x768xf32, #tpu.memory_space<hbm>>) target_semaphore(%arg33 : memref<!tpu.dma_semaphore, #tpu.memory_space<semaphore_mem>>)
    %dma_wait3A_200 = arith.constant 96 : i32
    %dma_wait3A_201 = arith.constant 0 : i32
    %dma_wait3A_202 = tpu.memref_slice %arg10[%select_n3A, %add3A_191, %dma_wait3A_200, %dma_wait3A_201] : memref<8x16x196x768xf32, #tpu.memory_space<hbm>> -> memref<1x1x32x768xf32, #tpu.memory_space<hbm>>
    %dma_wait3A_203 = tpu.memref_squeeze %dma_wait3A_202 : memref<1x1x32x768xf32, #tpu.memory_space<hbm>> -> memref<32x768xf32, #tpu.memory_space<hbm>>
    %dma_wait3A_204 = arith.constant 96 : i32
    %dma_wait3A_205 = arith.constant 0 : i32
    %dma_wait3A_206 = tpu.memref_slice %arg10[%select_n3A, %add3A_191, %dma_wait3A_204, %dma_wait3A_205] : memref<8x16x196x768xf32, #tpu.memory_space<hbm>> -> memref<1x1x32x768xf32, #tpu.memory_space<hbm>>
    %dma_wait3A_207 = tpu.memref_squeeze %dma_wait3A_206 : memref<1x1x32x768xf32, #tpu.memory_space<hbm>> -> memref<32x768xf32, #tpu.memory_space<hbm>>
    tpu.wait_dma2 semaphore(%arg33 : memref<!tpu.dma_semaphore, #tpu.memory_space<semaphore_mem>>) src(%arg21 : memref<32x768xf32, #tpu.memory_space<vmem>>) dst(%dma_wait3A_207 : memref<32x768xf32, #tpu.memory_space<hbm>>)
    %dma_start3A_208 = arith.constant 1 : i32
    %dma_start3A_209 = arith.constant 0 : i32
    %dma_start3A_210 = tpu.memref_slice %arg12[%dma_start3A_208, %dma_start3A_209] : memref<4x32xi32, #tpu.memory_space<vmem>> -> memref<1x32xi32, #tpu.memory_space<vmem>>
    %dma_start3A_211 = tpu.memref_squeeze %dma_start3A_210 : memref<1x32xi32, #tpu.memory_space<vmem>> -> memref<32xi32, #tpu.memory_space<vmem>>
    %dma_start3A_212 = arith.constant 0 : i32
    %dma_start3A_213 = tpu.memref_slice %arg2[%multiple_of3A, %dma_start3A_212] : memref<25088x768xf32, #tpu.memory_space<hbm>> -> memref<784x768xf32, #tpu.memory_space<hbm>>
    %dma_start3A_214 = arith.constant 0 : i32
    %dma_start3A_215 = arith.constant 0 : i32
    %dma_start3A_216 = tpu.memref_slice %dma_start3A_213[%dma_start3A_214, %dma_start3A_215] : memref<784x768xf32, #tpu.memory_space<hbm>> -> memref<784x768xf32, #tpu.memory_space<hbm>>
    tpu.enqueue_indirect_dma source(%dma_start3A_216 : memref<784x768xf32, #tpu.memory_space<hbm>>) target(%arg21 : memref<32x768xf32, #tpu.memory_space<vmem>>) offsets(%dma_start3A_211 : memref<32xi32, #tpu.memory_space<vmem>>) semaphore(%arg27 : memref<!tpu.dma_semaphore, #tpu.memory_space<semaphore_mem>>)
    %dma_wait3A_217 = arith.constant 0 : i32
    %dma_wait3A_218 = arith.constant 0 : i32
    %dma_wait3A_219 = tpu.memref_slice %arg15[%dma_wait3A_217, %dma_wait3A_218] : memref<4x32xi32, #tpu.memory_space<vmem>> -> memref<1x32xi32, #tpu.memory_space<vmem>>
    %dma_wait3A_220 = tpu.memref_squeeze %dma_wait3A_219 : memref<1x32xi32, #tpu.memory_space<vmem>> -> memref<32xi32, #tpu.memory_space<vmem>>
    %dma_wait3A_221 = arith.constant 0 : i32
    %dma_wait3A_222 = tpu.memref_slice %arg2[%multiple_of3A, %dma_wait3A_221] : memref<25088x768xf32, #tpu.memory_space<hbm>> -> memref<784x768xf32, #tpu.memory_space<hbm>>
    %dma_wait3A_223 = arith.constant 0 : i32
    %dma_wait3A_224 = arith.constant 0 : i32
    %dma_wait3A_225 = tpu.memref_slice %dma_wait3A_222[%dma_wait3A_223, %dma_wait3A_224] : memref<784x768xf32, #tpu.memory_space<hbm>> -> memref<784x768xf32, #tpu.memory_space<hbm>>
    tpu.wait_indirect_dma semaphore(%arg28 : memref<!tpu.dma_semaphore, #tpu.memory_space<semaphore_mem>>) src(%dma_wait3A_225 : memref<784x768xf32, #tpu.memory_space<hbm>>) dst(%arg22 : memref<32x768xf32, #tpu.memory_space<vmem>>)
    %add3A_226 = arith.constant 0 : i32
    %add3A_227 = arith.addi %mul3A_32, %add3A_226 : i32
    %dma_start3A_228 = arith.constant 128 : i32
    %dma_start3A_229 = arith.constant 0 : i32
    %dma_start3A_230 = tpu.memref_slice %arg10[%select_n3A, %add3A_227, %dma_start3A_228, %dma_start3A_229] : memref<8x16x196x768xf32, #tpu.memory_space<hbm>> -> memref<1x1x32x768xf32, #tpu.memory_space<hbm>>
    %dma_start3A_231 = tpu.memref_squeeze %dma_start3A_230 : memref<1x1x32x768xf32, #tpu.memory_space<hbm>> -> memref<32x768xf32, #tpu.memory_space<hbm>>
    %dma_start3A_232 = arith.constant 128 : i32
    %dma_start3A_233 = arith.constant 0 : i32
    %dma_start3A_234 = tpu.memref_slice %arg10[%select_n3A, %add3A_227, %dma_start3A_232, %dma_start3A_233] : memref<8x16x196x768xf32, #tpu.memory_space<hbm>> -> memref<1x1x32x768xf32, #tpu.memory_space<hbm>>
    %dma_start3A_235 = tpu.memref_squeeze %dma_start3A_234 : memref<1x1x32x768xf32, #tpu.memory_space<hbm>> -> memref<32x768xf32, #tpu.memory_space<hbm>>
    tpu.enqueue_dma source(%arg22 : memref<32x768xf32, #tpu.memory_space<vmem>>) target(%dma_start3A_235 : memref<32x768xf32, #tpu.memory_space<hbm>>) target_semaphore(%arg34 : memref<!tpu.dma_semaphore, #tpu.memory_space<semaphore_mem>>)
    %dma_wait3A_236 = arith.constant 128 : i32
    %dma_wait3A_237 = arith.constant 0 : i32
    %dma_wait3A_238 = tpu.memref_slice %arg10[%select_n3A, %add3A_227, %dma_wait3A_236, %dma_wait3A_237] : memref<8x16x196x768xf32, #tpu.memory_space<hbm>> -> memref<1x1x32x768xf32, #tpu.memory_space<hbm>>
    %dma_wait3A_239 = tpu.memref_squeeze %dma_wait3A_238 : memref<1x1x32x768xf32, #tpu.memory_space<hbm>> -> memref<32x768xf32, #tpu.memory_space<hbm>>
    %dma_wait3A_240 = arith.constant 128 : i32
    %dma_wait3A_241 = arith.constant 0 : i32
    %dma_wait3A_242 = tpu.memref_slice %arg10[%select_n3A, %add3A_227, %dma_wait3A_240, %dma_wait3A_241] : memref<8x16x196x768xf32, #tpu.memory_space<hbm>> -> memref<1x1x32x768xf32, #tpu.memory_space<hbm>>
    %dma_wait3A_243 = tpu.memref_squeeze %dma_wait3A_242 : memref<1x1x32x768xf32, #tpu.memory_space<hbm>> -> memref<32x768xf32, #tpu.memory_space<hbm>>
    tpu.wait_dma2 semaphore(%arg34 : memref<!tpu.dma_semaphore, #tpu.memory_space<semaphore_mem>>) src(%arg22 : memref<32x768xf32, #tpu.memory_space<vmem>>) dst(%dma_wait3A_243 : memref<32x768xf32, #tpu.memory_space<hbm>>)
    %dma_start3A_244 = arith.constant 1 : i32
    %dma_start3A_245 = arith.constant 0 : i32
    %dma_start3A_246 = tpu.memref_slice %arg13[%dma_start3A_244, %dma_start3A_245] : memref<4x32xi32, #tpu.memory_space<vmem>> -> memref<1x32xi32, #tpu.memory_space<vmem>>
    %dma_start3A_247 = tpu.memref_squeeze %dma_start3A_246 : memref<1x32xi32, #tpu.memory_space<vmem>> -> memref<32xi32, #tpu.memory_space<vmem>>
    %dma_start3A_248 = arith.constant 0 : i32
    %dma_start3A_249 = tpu.memref_slice %arg2[%multiple_of3A, %dma_start3A_248] : memref<25088x768xf32, #tpu.memory_space<hbm>> -> memref<784x768xf32, #tpu.memory_space<hbm>>
    %dma_start3A_250 = arith.constant 0 : i32
    %dma_start3A_251 = arith.constant 0 : i32
    %dma_start3A_252 = tpu.memref_slice %dma_start3A_249[%dma_start3A_250, %dma_start3A_251] : memref<784x768xf32, #tpu.memory_space<hbm>> -> memref<784x768xf32, #tpu.memory_space<hbm>>
    tpu.enqueue_indirect_dma source(%dma_start3A_252 : memref<784x768xf32, #tpu.memory_space<hbm>>) target(%arg22 : memref<32x768xf32, #tpu.memory_space<vmem>>) offsets(%dma_start3A_247 : memref<32xi32, #tpu.memory_space<vmem>>) semaphore(%arg28 : memref<!tpu.dma_semaphore, #tpu.memory_space<semaphore_mem>>)
    %dma_wait3A_253 = arith.constant 0 : i32
    %dma_wait3A_254 = arith.constant 0 : i32
    %dma_wait3A_255 = tpu.memref_slice %arg16[%dma_wait3A_253, %dma_wait3A_254] : memref<4x32xi32, #tpu.memory_space<vmem>> -> memref<1x32xi32, #tpu.memory_space<vmem>>
    %dma_wait3A_256 = tpu.memref_squeeze %dma_wait3A_255 : memref<1x32xi32, #tpu.memory_space<vmem>> -> memref<32xi32, #tpu.memory_space<vmem>>
    %dma_wait3A_257 = arith.constant 0 : i32
    %dma_wait3A_258 = tpu.memref_slice %arg2[%multiple_of3A, %dma_wait3A_257] : memref<25088x768xf32, #tpu.memory_space<hbm>> -> memref<784x768xf32, #tpu.memory_space<hbm>>
    %dma_wait3A_259 = arith.constant 0 : i32
    %dma_wait3A_260 = arith.constant 0 : i32
    %dma_wait3A_261 = tpu.memref_slice %dma_wait3A_258[%dma_wait3A_259, %dma_wait3A_260] : memref<784x768xf32, #tpu.memory_space<hbm>> -> memref<784x768xf32, #tpu.memory_space<hbm>>
    tpu.wait_indirect_dma semaphore(%arg24 : memref<!tpu.dma_semaphore, #tpu.memory_space<semaphore_mem>>) src(%dma_wait3A_261 : memref<784x768xf32, #tpu.memory_space<hbm>>) dst(%arg18 : memref<32x768xf32, #tpu.memory_space<vmem>>)
    %add3A_262 = arith.constant 0 : i32
    %add3A_263 = arith.addi %mul3A_32, %add3A_262 : i32
    %dma_start3A_264 = arith.constant 160 : i32
    %dma_start3A_265 = arith.constant 0 : i32
    %dma_start3A_266 = tpu.memref_slice %arg10[%select_n3A, %add3A_263, %dma_start3A_264, %dma_start3A_265] : memref<8x16x196x768xf32, #tpu.memory_space<hbm>> -> memref<1x1x32x768xf32, #tpu.memory_space<hbm>>
    %dma_start3A_267 = tpu.memref_squeeze %dma_start3A_266 : memref<1x1x32x768xf32, #tpu.memory_space<hbm>> -> memref<32x768xf32, #tpu.memory_space<hbm>>
    %dma_start3A_268 = arith.constant 160 : i32
    %dma_start3A_269 = arith.constant 0 : i32
    %dma_start3A_270 = tpu.memref_slice %arg10[%select_n3A, %add3A_263, %dma_start3A_268, %dma_start3A_269] : memref<8x16x196x768xf32, #tpu.memory_space<hbm>> -> memref<1x1x32x768xf32, #tpu.memory_space<hbm>>
    %dma_start3A_271 = tpu.memref_squeeze %dma_start3A_270 : memref<1x1x32x768xf32, #tpu.memory_space<hbm>> -> memref<32x768xf32, #tpu.memory_space<hbm>>
    tpu.enqueue_dma source(%arg18 : memref<32x768xf32, #tpu.memory_space<vmem>>) target(%dma_start3A_271 : memref<32x768xf32, #tpu.memory_space<hbm>>) target_semaphore(%arg30 : memref<!tpu.dma_semaphore, #tpu.memory_space<semaphore_mem>>)
    %dma_wait3A_272 = arith.constant 160 : i32
    %dma_wait3A_273 = arith.constant 0 : i32
    %dma_wait3A_274 = tpu.memref_slice %arg10[%select_n3A, %add3A_263, %dma_wait3A_272, %dma_wait3A_273] : memref<8x16x196x768xf32, #tpu.memory_space<hbm>> -> memref<1x1x32x768xf32, #tpu.memory_space<hbm>>
    %dma_wait3A_275 = tpu.memref_squeeze %dma_wait3A_274 : memref<1x1x32x768xf32, #tpu.memory_space<hbm>> -> memref<32x768xf32, #tpu.memory_space<hbm>>
    %dma_wait3A_276 = arith.constant 160 : i32
    %dma_wait3A_277 = arith.constant 0 : i32
    %dma_wait3A_278 = tpu.memref_slice %arg10[%select_n3A, %add3A_263, %dma_wait3A_276, %dma_wait3A_277] : memref<8x16x196x768xf32, #tpu.memory_space<hbm>> -> memref<1x1x32x768xf32, #tpu.memory_space<hbm>>
    %dma_wait3A_279 = tpu.memref_squeeze %dma_wait3A_278 : memref<1x1x32x768xf32, #tpu.memory_space<hbm>> -> memref<32x768xf32, #tpu.memory_space<hbm>>
    tpu.wait_dma2 semaphore(%arg30 : memref<!tpu.dma_semaphore, #tpu.memory_space<semaphore_mem>>) src(%arg18 : memref<32x768xf32, #tpu.memory_space<vmem>>) dst(%dma_wait3A_279 : memref<32x768xf32, #tpu.memory_space<hbm>>)
    %dma_start3A_280 = arith.constant 1 : i32
    %dma_start3A_281 = arith.constant 0 : i32
    %dma_start3A_282 = tpu.memref_slice %arg14[%dma_start3A_280, %dma_start3A_281] : memref<4x32xi32, #tpu.memory_space<vmem>> -> memref<1x32xi32, #tpu.memory_space<vmem>>
    %dma_start3A_283 = tpu.memref_squeeze %dma_start3A_282 : memref<1x32xi32, #tpu.memory_space<vmem>> -> memref<32xi32, #tpu.memory_space<vmem>>
    %dma_start3A_284 = arith.constant 0 : i32
    %dma_start3A_285 = tpu.memref_slice %arg2[%multiple_of3A, %dma_start3A_284] : memref<25088x768xf32, #tpu.memory_space<hbm>> -> memref<784x768xf32, #tpu.memory_space<hbm>>
    %dma_start3A_286 = arith.constant 0 : i32
    %dma_start3A_287 = arith.constant 0 : i32
    %dma_start3A_288 = tpu.memref_slice %dma_start3A_285[%dma_start3A_286, %dma_start3A_287] : memref<784x768xf32, #tpu.memory_space<hbm>> -> memref<784x768xf32, #tpu.memory_space<hbm>>
    tpu.enqueue_indirect_dma source(%dma_start3A_288 : memref<784x768xf32, #tpu.memory_space<hbm>>) target(%arg18 : memref<32x768xf32, #tpu.memory_space<vmem>>) offsets(%dma_start3A_283 : memref<32xi32, #tpu.memory_space<vmem>>) semaphore(%arg24 : memref<!tpu.dma_semaphore, #tpu.memory_space<semaphore_mem>>)
    %dma_wait3A_289 = arith.constant 0 : i32
    %dma_wait3A_290 = arith.constant 0 : i32
    %dma_wait3A_291 = tpu.memref_slice %arg17[%dma_wait3A_289, %dma_wait3A_290] : memref<4x4xi32, #tpu.memory_space<vmem>> -> memref<1x4xi32, #tpu.memory_space<vmem>>
    %dma_wait3A_292 = tpu.memref_squeeze %dma_wait3A_291 : memref<1x4xi32, #tpu.memory_space<vmem>> -> memref<4xi32, #tpu.memory_space<vmem>>
    %dma_wait3A_293 = arith.constant 0 : i32
    %dma_wait3A_294 = tpu.memref_slice %arg2[%multiple_of3A, %dma_wait3A_293] : memref<25088x768xf32, #tpu.memory_space<hbm>> -> memref<784x768xf32, #tpu.memory_space<hbm>>
    %dma_wait3A_295 = arith.constant 0 : i32
    %dma_wait3A_296 = arith.constant 0 : i32
    %dma_wait3A_297 = tpu.memref_slice %dma_wait3A_294[%dma_wait3A_295, %dma_wait3A_296] : memref<784x768xf32, #tpu.memory_space<hbm>> -> memref<784x768xf32, #tpu.memory_space<hbm>>
    tpu.wait_indirect_dma semaphore(%arg29 : memref<!tpu.dma_semaphore, #tpu.memory_space<semaphore_mem>>) src(%dma_wait3A_297 : memref<784x768xf32, #tpu.memory_space<hbm>>) dst(%arg23 : memref<4x768xf32, #tpu.memory_space<vmem>>)
    %add3A_298 = arith.constant 0 : i32
    %add3A_299 = arith.addi %mul3A_32, %add3A_298 : i32
    %dma_start3A_300 = arith.constant 192 : i32
    %dma_start3A_301 = arith.constant 0 : i32
    %dma_start3A_302 = tpu.memref_slice %arg10[%select_n3A, %add3A_299, %dma_start3A_300, %dma_start3A_301] : memref<8x16x196x768xf32, #tpu.memory_space<hbm>> -> memref<1x1x4x768xf32, #tpu.memory_space<hbm>>
    %dma_start3A_303 = tpu.memref_squeeze %dma_start3A_302 : memref<1x1x4x768xf32, #tpu.memory_space<hbm>> -> memref<4x768xf32, #tpu.memory_space<hbm>>
    %dma_start3A_304 = arith.constant 192 : i32
    %dma_start3A_305 = arith.constant 0 : i32
    %dma_start3A_306 = tpu.memref_slice %arg10[%select_n3A, %add3A_299, %dma_start3A_304, %dma_start3A_305] : memref<8x16x196x768xf32, #tpu.memory_space<hbm>> -> memref<1x1x4x768xf32, #tpu.memory_space<hbm>>
    %dma_start3A_307 = tpu.memref_squeeze %dma_start3A_306 : memref<1x1x4x768xf32, #tpu.memory_space<hbm>> -> memref<4x768xf32, #tpu.memory_space<hbm>>
    tpu.enqueue_dma source(%arg23 : memref<4x768xf32, #tpu.memory_space<vmem>>) target(%dma_start3A_307 : memref<4x768xf32, #tpu.memory_space<hbm>>) target_semaphore(%arg35 : memref<!tpu.dma_semaphore, #tpu.memory_space<semaphore_mem>>)
    %dma_wait3A_308 = arith.constant 32 : i32
    %dma_wait3A_309 = arith.constant 0 : i32
    %dma_wait3A_310 = tpu.memref_slice %arg10[%select_n3A, %add3A_127, %dma_wait3A_308, %dma_wait3A_309] : memref<8x16x196x768xf32, #tpu.memory_space<hbm>> -> memref<1x1x32x768xf32, #tpu.memory_space<hbm>>
    %dma_wait3A_311 = tpu.memref_squeeze %dma_wait3A_310 : memref<1x1x32x768xf32, #tpu.memory_space<hbm>> -> memref<32x768xf32, #tpu.memory_space<hbm>>
    %dma_wait3A_312 = arith.constant 32 : i32
    %dma_wait3A_313 = arith.constant 0 : i32
    %dma_wait3A_314 = tpu.memref_slice %arg10[%select_n3A, %add3A_127, %dma_wait3A_312, %dma_wait3A_313] : memref<8x16x196x768xf32, #tpu.memory_space<hbm>> -> memref<1x1x32x768xf32, #tpu.memory_space<hbm>>
    %dma_wait3A_315 = tpu.memref_squeeze %dma_wait3A_314 : memref<1x1x32x768xf32, #tpu.memory_space<hbm>> -> memref<32x768xf32, #tpu.memory_space<hbm>>
    tpu.wait_dma2 semaphore(%arg31 : memref<!tpu.dma_semaphore, #tpu.memory_space<semaphore_mem>>) src(%arg19 : memref<32x768xf32, #tpu.memory_space<vmem>>) dst(%dma_wait3A_315 : memref<32x768xf32, #tpu.memory_space<hbm>>)
    %dma_start3A_316 = arith.constant 1 : i32
    %dma_start3A_317 = arith.constant 0 : i32
    %dma_start3A_318 = tpu.memref_slice %arg15[%dma_start3A_316, %dma_start3A_317] : memref<4x32xi32, #tpu.memory_space<vmem>> -> memref<1x32xi32, #tpu.memory_space<vmem>>
    %dma_start3A_319 = tpu.memref_squeeze %dma_start3A_318 : memref<1x32xi32, #tpu.memory_space<vmem>> -> memref<32xi32, #tpu.memory_space<vmem>>
    %dma_start3A_320 = arith.constant 0 : i32
    %dma_start3A_321 = tpu.memref_slice %arg2[%multiple_of3A, %dma_start3A_320] : memref<25088x768xf32, #tpu.memory_space<hbm>> -> memref<784x768xf32, #tpu.memory_space<hbm>>
    %dma_start3A_322 = arith.constant 0 : i32
    %dma_start3A_323 = arith.constant 0 : i32
    %dma_start3A_324 = tpu.memref_slice %dma_start3A_321[%dma_start3A_322, %dma_start3A_323] : memref<784x768xf32, #tpu.memory_space<hbm>> -> memref<784x768xf32, #tpu.memory_space<hbm>>
    tpu.enqueue_indirect_dma source(%dma_start3A_324 : memref<784x768xf32, #tpu.memory_space<hbm>>) target(%arg19 : memref<32x768xf32, #tpu.memory_space<vmem>>) offsets(%dma_start3A_319 : memref<32xi32, #tpu.memory_space<vmem>>) semaphore(%arg25 : memref<!tpu.dma_semaphore, #tpu.memory_space<semaphore_mem>>)
    %dma_wait3A_325 = arith.constant 1 : i32
    %dma_wait3A_326 = arith.constant 0 : i32
    %dma_wait3A_327 = tpu.memref_slice %arg11[%dma_wait3A_325, %dma_wait3A_326] : memref<4x32xi32, #tpu.memory_space<vmem>> -> memref<1x32xi32, #tpu.memory_space<vmem>>
    %dma_wait3A_328 = tpu.memref_squeeze %dma_wait3A_327 : memref<1x32xi32, #tpu.memory_space<vmem>> -> memref<32xi32, #tpu.memory_space<vmem>>
    %dma_wait3A_329 = arith.constant 0 : i32
    %dma_wait3A_330 = tpu.memref_slice %arg2[%multiple_of3A, %dma_wait3A_329] : memref<25088x768xf32, #tpu.memory_space<hbm>> -> memref<784x768xf32, #tpu.memory_space<hbm>>
    %dma_wait3A_331 = arith.constant 0 : i32
    %dma_wait3A_332 = arith.constant 0 : i32
    %dma_wait3A_333 = tpu.memref_slice %dma_wait3A_330[%dma_wait3A_331, %dma_wait3A_332] : memref<784x768xf32, #tpu.memory_space<hbm>> -> memref<784x768xf32, #tpu.memory_space<hbm>>
    tpu.wait_indirect_dma semaphore(%arg26 : memref<!tpu.dma_semaphore, #tpu.memory_space<semaphore_mem>>) src(%dma_wait3A_333 : memref<784x768xf32, #tpu.memory_space<hbm>>) dst(%arg20 : memref<32x768xf32, #tpu.memory_space<vmem>>)
    %add3A_334 = arith.constant 1 : i32
    %add3A_335 = arith.addi %mul3A_32, %add3A_334 : i32
    %dma_start3A_336 = arith.constant 0 : i32
    %dma_start3A_337 = arith.constant 0 : i32
    %dma_start3A_338 = tpu.memref_slice %arg10[%select_n3A, %add3A_335, %dma_start3A_336, %dma_start3A_337] : memref<8x16x196x768xf32, #tpu.memory_space<hbm>> -> memref<1x1x32x768xf32, #tpu.memory_space<hbm>>
    %dma_start3A_339 = tpu.memref_squeeze %dma_start3A_338 : memref<1x1x32x768xf32, #tpu.memory_space<hbm>> -> memref<32x768xf32, #tpu.memory_space<hbm>>
    %dma_start3A_340 = arith.constant 0 : i32
    %dma_start3A_341 = arith.constant 0 : i32
    %dma_start3A_342 = tpu.memref_slice %arg10[%select_n3A, %add3A_335, %dma_start3A_340, %dma_start3A_341] : memref<8x16x196x768xf32, #tpu.memory_space<hbm>> -> memref<1x1x32x768xf32, #tpu.memory_space<hbm>>
    %dma_start3A_343 = tpu.memref_squeeze %dma_start3A_342 : memref<1x1x32x768xf32, #tpu.memory_space<hbm>> -> memref<32x768xf32, #tpu.memory_space<hbm>>
    tpu.enqueue_dma source(%arg20 : memref<32x768xf32, #tpu.memory_space<vmem>>) target(%dma_start3A_343 : memref<32x768xf32, #tpu.memory_space<hbm>>) target_semaphore(%arg32 : memref<!tpu.dma_semaphore, #tpu.memory_space<semaphore_mem>>)
    %dma_wait3A_344 = arith.constant 0 : i32
    %dma_wait3A_345 = arith.constant 0 : i32
    %dma_wait3A_346 = tpu.memref_slice %arg10[%select_n3A, %add3A_335, %dma_wait3A_344, %dma_wait3A_345] : memref<8x16x196x768xf32, #tpu.memory_space<hbm>> -> memref<1x1x32x768xf32, #tpu.memory_space<hbm>>
    %dma_wait3A_347 = tpu.memref_squeeze %dma_wait3A_346 : memref<1x1x32x768xf32, #tpu.memory_space<hbm>> -> memref<32x768xf32, #tpu.memory_space<hbm>>
    %dma_wait3A_348 = arith.constant 0 : i32
    %dma_wait3A_349 = arith.constant 0 : i32
    %dma_wait3A_350 = tpu.memref_slice %arg10[%select_n3A, %add3A_335, %dma_wait3A_348, %dma_wait3A_349] : memref<8x16x196x768xf32, #tpu.memory_space<hbm>> -> memref<1x1x32x768xf32, #tpu.memory_space<hbm>>
    %dma_wait3A_351 = tpu.memref_squeeze %dma_wait3A_350 : memref<1x1x32x768xf32, #tpu.memory_space<hbm>> -> memref<32x768xf32, #tpu.memory_space<hbm>>
    tpu.wait_dma2 semaphore(%arg32 : memref<!tpu.dma_semaphore, #tpu.memory_space<semaphore_mem>>) src(%arg20 : memref<32x768xf32, #tpu.memory_space<vmem>>) dst(%dma_wait3A_351 : memref<32x768xf32, #tpu.memory_space<hbm>>)
    %dma_start3A_352 = arith.constant 1 : i32
    %dma_start3A_353 = arith.constant 0 : i32
    %dma_start3A_354 = tpu.memref_slice %arg16[%dma_start3A_352, %dma_start3A_353] : memref<4x32xi32, #tpu.memory_space<vmem>> -> memref<1x32xi32, #tpu.memory_space<vmem>>
    %dma_start3A_355 = tpu.memref_squeeze %dma_start3A_354 : memref<1x32xi32, #tpu.memory_space<vmem>> -> memref<32xi32, #tpu.memory_space<vmem>>
    %dma_start3A_356 = arith.constant 0 : i32
    %dma_start3A_357 = tpu.memref_slice %arg2[%multiple_of3A, %dma_start3A_356] : memref<25088x768xf32, #tpu.memory_space<hbm>> -> memref<784x768xf32, #tpu.memory_space<hbm>>
    %dma_start3A_358 = arith.constant 0 : i32
    %dma_start3A_359 = arith.constant 0 : i32
    %dma_start3A_360 = tpu.memref_slice %dma_start3A_357[%dma_start3A_358, %dma_start3A_359] : memref<784x768xf32, #tpu.memory_space<hbm>> -> memref<784x768xf32, #tpu.memory_space<hbm>>
    tpu.enqueue_indirect_dma source(%dma_start3A_360 : memref<784x768xf32, #tpu.memory_space<hbm>>) target(%arg20 : memref<32x768xf32, #tpu.memory_space<vmem>>) offsets(%dma_start3A_355 : memref<32xi32, #tpu.memory_space<vmem>>) semaphore(%arg26 : memref<!tpu.dma_semaphore, #tpu.memory_space<semaphore_mem>>)
    %dma_wait3A_361 = arith.constant 1 : i32
    %dma_wait3A_362 = arith.constant 0 : i32
    %dma_wait3A_363 = tpu.memref_slice %arg12[%dma_wait3A_361, %dma_wait3A_362] : memref<4x32xi32, #tpu.memory_space<vmem>> -> memref<1x32xi32, #tpu.memory_space<vmem>>
    %dma_wait3A_364 = tpu.memref_squeeze %dma_wait3A_363 : memref<1x32xi32, #tpu.memory_space<vmem>> -> memref<32xi32, #tpu.memory_space<vmem>>
    %dma_wait3A_365 = arith.constant 0 : i32
    %dma_wait3A_366 = tpu.memref_slice %arg2[%multiple_of3A, %dma_wait3A_365] : memref<25088x768xf32, #tpu.memory_space<hbm>> -> memref<784x768xf32, #tpu.memory_space<hbm>>
    %dma_wait3A_367 = arith.constant 0 : i32
    %dma_wait3A_368 = arith.constant 0 : i32
    %dma_wait3A_369 = tpu.memref_slice %dma_wait3A_366[%dma_wait3A_367, %dma_wait3A_368] : memref<784x768xf32, #tpu.memory_space<hbm>> -> memref<784x768xf32, #tpu.memory_space<hbm>>
    tpu.wait_indirect_dma semaphore(%arg27 : memref<!tpu.dma_semaphore, #tpu.memory_space<semaphore_mem>>) src(%dma_wait3A_369 : memref<784x768xf32, #tpu.memory_space<hbm>>) dst(%arg21 : memref<32x768xf32, #tpu.memory_space<vmem>>)
    %add3A_370 = arith.constant 1 : i32
    %add3A_371 = arith.addi %mul3A_32, %add3A_370 : i32
    %dma_start3A_372 = arith.constant 32 : i32
    %dma_start3A_373 = arith.constant 0 : i32
    %dma_start3A_374 = tpu.memref_slice %arg10[%select_n3A, %add3A_371, %dma_start3A_372, %dma_start3A_373] : memref<8x16x196x768xf32, #tpu.memory_space<hbm>> -> memref<1x1x32x768xf32, #tpu.memory_space<hbm>>
    %dma_start3A_375 = tpu.memref_squeeze %dma_start3A_374 : memref<1x1x32x768xf32, #tpu.memory_space<hbm>> -> memref<32x768xf32, #tpu.memory_space<hbm>>
    %dma_start3A_376 = arith.constant 32 : i32
    %dma_start3A_377 = arith.constant 0 : i32
    %dma_start3A_378 = tpu.memref_slice %arg10[%select_n3A, %add3A_371, %dma_start3A_376, %dma_start3A_377] : memref<8x16x196x768xf32, #tpu.memory_space<hbm>> -> memref<1x1x32x768xf32, #tpu.memory_space<hbm>>
    %dma_start3A_379 = tpu.memref_squeeze %dma_start3A_378 : memref<1x1x32x768xf32, #tpu.memory_space<hbm>> -> memref<32x768xf32, #tpu.memory_space<hbm>>
    tpu.enqueue_dma source(%arg21 : memref<32x768xf32, #tpu.memory_space<vmem>>) target(%dma_start3A_379 : memref<32x768xf32, #tpu.memory_space<hbm>>) target_semaphore(%arg33 : memref<!tpu.dma_semaphore, #tpu.memory_space<semaphore_mem>>)
    %dma_wait3A_380 = arith.constant 192 : i32
    %dma_wait3A_381 = arith.constant 0 : i32
    %dma_wait3A_382 = tpu.memref_slice %arg10[%select_n3A, %add3A_299, %dma_wait3A_380, %dma_wait3A_381] : memref<8x16x196x768xf32, #tpu.memory_space<hbm>> -> memref<1x1x4x768xf32, #tpu.memory_space<hbm>>
    %dma_wait3A_383 = tpu.memref_squeeze %dma_wait3A_382 : memref<1x1x4x768xf32, #tpu.memory_space<hbm>> -> memref<4x768xf32, #tpu.memory_space<hbm>>
    %dma_wait3A_384 = arith.constant 192 : i32
    %dma_wait3A_385 = arith.constant 0 : i32
    %dma_wait3A_386 = tpu.memref_slice %arg10[%select_n3A, %add3A_299, %dma_wait3A_384, %dma_wait3A_385] : memref<8x16x196x768xf32, #tpu.memory_space<hbm>> -> memref<1x1x4x768xf32, #tpu.memory_space<hbm>>
    %dma_wait3A_387 = tpu.memref_squeeze %dma_wait3A_386 : memref<1x1x4x768xf32, #tpu.memory_space<hbm>> -> memref<4x768xf32, #tpu.memory_space<hbm>>
    tpu.wait_dma2 semaphore(%arg35 : memref<!tpu.dma_semaphore, #tpu.memory_space<semaphore_mem>>) src(%arg23 : memref<4x768xf32, #tpu.memory_space<vmem>>) dst(%dma_wait3A_387 : memref<4x768xf32, #tpu.memory_space<hbm>>)
    %dma_start3A_388 = arith.constant 1 : i32
    %dma_start3A_389 = arith.constant 0 : i32
    %dma_start3A_390 = tpu.memref_slice %arg17[%dma_start3A_388, %dma_start3A_389] : memref<4x4xi32, #tpu.memory_space<vmem>> -> memref<1x4xi32, #tpu.memory_space<vmem>>
    %dma_start3A_391 = tpu.memref_squeeze %dma_start3A_390 : memref<1x4xi32, #tpu.memory_space<vmem>> -> memref<4xi32, #tpu.memory_space<vmem>>
    %dma_start3A_392 = arith.constant 0 : i32
    %dma_start3A_393 = tpu.memref_slice %arg2[%multiple_of3A, %dma_start3A_392] : memref<25088x768xf32, #tpu.memory_space<hbm>> -> memref<784x768xf32, #tpu.memory_space<hbm>>
    %dma_start3A_394 = arith.constant 0 : i32
    %dma_start3A_395 = arith.constant 0 : i32
    %dma_start3A_396 = tpu.memref_slice %dma_start3A_393[%dma_start3A_394, %dma_start3A_395] : memref<784x768xf32, #tpu.memory_space<hbm>> -> memref<784x768xf32, #tpu.memory_space<hbm>>
    tpu.enqueue_indirect_dma source(%dma_start3A_396 : memref<784x768xf32, #tpu.memory_space<hbm>>) target(%arg23 : memref<4x768xf32, #tpu.memory_space<vmem>>) offsets(%dma_start3A_391 : memref<4xi32, #tpu.memory_space<vmem>>) semaphore(%arg29 : memref<!tpu.dma_semaphore, #tpu.memory_space<semaphore_mem>>)
    %dma_wait3A_397 = arith.constant 1 : i32
    %dma_wait3A_398 = arith.constant 0 : i32
    %dma_wait3A_399 = tpu.memref_slice %arg13[%dma_wait3A_397, %dma_wait3A_398] : memref<4x32xi32, #tpu.memory_space<vmem>> -> memref<1x32xi32, #tpu.memory_space<vmem>>
    %dma_wait3A_400 = tpu.memref_squeeze %dma_wait3A_399 : memref<1x32xi32, #tpu.memory_space<vmem>> -> memref<32xi32, #tpu.memory_space<vmem>>
    %dma_wait3A_401 = arith.constant 0 : i32
    %dma_wait3A_402 = tpu.memref_slice %arg2[%multiple_of3A, %dma_wait3A_401] : memref<25088x768xf32, #tpu.memory_space<hbm>> -> memref<784x768xf32, #tpu.memory_space<hbm>>
    %dma_wait3A_403 = arith.constant 0 : i32
    %dma_wait3A_404 = arith.constant 0 : i32
    %dma_wait3A_405 = tpu.memref_slice %dma_wait3A_402[%dma_wait3A_403, %dma_wait3A_404] : memref<784x768xf32, #tpu.memory_space<hbm>> -> memref<784x768xf32, #tpu.memory_space<hbm>>
    tpu.wait_indirect_dma semaphore(%arg28 : memref<!tpu.dma_semaphore, #tpu.memory_space<semaphore_mem>>) src(%dma_wait3A_405 : memref<784x768xf32, #tpu.memory_space<hbm>>) dst(%arg22 : memref<32x768xf32, #tpu.memory_space<vmem>>)
    %add3A_406 = arith.constant 1 : i32
    %add3A_407 = arith.addi %mul3A_32, %add3A_406 : i32
    %dma_start3A_408 = arith.constant 64 : i32
    %dma_start3A_409 = arith.constant 0 : i32
    %dma_start3A_410 = tpu.memref_slice %arg10[%select_n3A, %add3A_407, %dma_start3A_408, %dma_start3A_409] : memref<8x16x196x768xf32, #tpu.memory_space<hbm>> -> memref<1x1x32x768xf32, #tpu.memory_space<hbm>>
    %dma_start3A_411 = tpu.memref_squeeze %dma_start3A_410 : memref<1x1x32x768xf32, #tpu.memory_space<hbm>> -> memref<32x768xf32, #tpu.memory_space<hbm>>
    %dma_start3A_412 = arith.constant 64 : i32
    %dma_start3A_413 = arith.constant 0 : i32
    %dma_start3A_414 = tpu.memref_slice %arg10[%select_n3A, %add3A_407, %dma_start3A_412, %dma_start3A_413] : memref<8x16x196x768xf32, #tpu.memory_space<hbm>> -> memref<1x1x32x768xf32, #tpu.memory_space<hbm>>
    %dma_start3A_415 = tpu.memref_squeeze %dma_start3A_414 : memref<1x1x32x768xf32, #tpu.memory_space<hbm>> -> memref<32x768xf32, #tpu.memory_space<hbm>>
    tpu.enqueue_dma source(%arg22 : memref<32x768xf32, #tpu.memory_space<vmem>>) target(%dma_start3A_415 : memref<32x768xf32, #tpu.memory_space<hbm>>) target_semaphore(%arg34 : memref<!tpu.dma_semaphore, #tpu.memory_space<semaphore_mem>>)
    %dma_wait3A_416 = arith.constant 64 : i32
    %dma_wait3A_417 = arith.constant 0 : i32
    %dma_wait3A_418 = tpu.memref_slice %arg10[%select_n3A, %add3A_407, %dma_wait3A_416, %dma_wait3A_417] : memref<8x16x196x768xf32, #tpu.memory_space<hbm>> -> memref<1x1x32x768xf32, #tpu.memory_space<hbm>>
    %dma_wait3A_419 = tpu.memref_squeeze %dma_wait3A_418 : memref<1x1x32x768xf32, #tpu.memory_space<hbm>> -> memref<32x768xf32, #tpu.memory_space<hbm>>
    %dma_wait3A_420 = arith.constant 64 : i32
    %dma_wait3A_421 = arith.constant 0 : i32
    %dma_wait3A_422 = tpu.memref_slice %arg10[%select_n3A, %add3A_407, %dma_wait3A_420, %dma_wait3A_421] : memref<8x16x196x768xf32, #tpu.memory_space<hbm>> -> memref<1x1x32x768xf32, #tpu.memory_space<hbm>>
    %dma_wait3A_423 = tpu.memref_squeeze %dma_wait3A_422 : memref<1x1x32x768xf32, #tpu.memory_space<hbm>> -> memref<32x768xf32, #tpu.memory_space<hbm>>
    tpu.wait_dma2 semaphore(%arg34 : memref<!tpu.dma_semaphore, #tpu.memory_space<semaphore_mem>>) src(%arg22 : memref<32x768xf32, #tpu.memory_space<vmem>>) dst(%dma_wait3A_423 : memref<32x768xf32, #tpu.memory_space<hbm>>)
    %dma_start3A_424 = arith.constant 2 : i32
    %dma_start3A_425 = arith.constant 0 : i32
    %dma_start3A_426 = tpu.memref_slice %arg11[%dma_start3A_424, %dma_start3A_425] : memref<4x32xi32, #tpu.memory_space<vmem>> -> memref<1x32xi32, #tpu.memory_space<vmem>>
    %dma_start3A_427 = tpu.memref_squeeze %dma_start3A_426 : memref<1x32xi32, #tpu.memory_space<vmem>> -> memref<32xi32, #tpu.memory_space<vmem>>
    %dma_start3A_428 = arith.constant 0 : i32
    %dma_start3A_429 = tpu.memref_slice %arg2[%multiple_of3A, %dma_start3A_428] : memref<25088x768xf32, #tpu.memory_space<hbm>> -> memref<784x768xf32, #tpu.memory_space<hbm>>
    %dma_start3A_430 = arith.constant 0 : i32
    %dma_start3A_431 = arith.constant 0 : i32
    %dma_start3A_432 = tpu.memref_slice %dma_start3A_429[%dma_start3A_430, %dma_start3A_431] : memref<784x768xf32, #tpu.memory_space<hbm>> -> memref<784x768xf32, #tpu.memory_space<hbm>>
    tpu.enqueue_indirect_dma source(%dma_start3A_432 : memref<784x768xf32, #tpu.memory_space<hbm>>) target(%arg22 : memref<32x768xf32, #tpu.memory_space<vmem>>) offsets(%dma_start3A_427 : memref<32xi32, #tpu.memory_space<vmem>>) semaphore(%arg28 : memref<!tpu.dma_semaphore, #tpu.memory_space<semaphore_mem>>)
    %dma_wait3A_433 = arith.constant 1 : i32
    %dma_wait3A_434 = arith.constant 0 : i32
    %dma_wait3A_435 = tpu.memref_slice %arg14[%dma_wait3A_433, %dma_wait3A_434] : memref<4x32xi32, #tpu.memory_space<vmem>> -> memref<1x32xi32, #tpu.memory_space<vmem>>
    %dma_wait3A_436 = tpu.memref_squeeze %dma_wait3A_435 : memref<1x32xi32, #tpu.memory_space<vmem>> -> memref<32xi32, #tpu.memory_space<vmem>>
    %dma_wait3A_437 = arith.constant 0 : i32
    %dma_wait3A_438 = tpu.memref_slice %arg2[%multiple_of3A, %dma_wait3A_437] : memref<25088x768xf32, #tpu.memory_space<hbm>> -> memref<784x768xf32, #tpu.memory_space<hbm>>
    %dma_wait3A_439 = arith.constant 0 : i32
    %dma_wait3A_440 = arith.constant 0 : i32
    %dma_wait3A_441 = tpu.memref_slice %dma_wait3A_438[%dma_wait3A_439, %dma_wait3A_440] : memref<784x768xf32, #tpu.memory_space<hbm>> -> memref<784x768xf32, #tpu.memory_space<hbm>>
    tpu.wait_indirect_dma semaphore(%arg24 : memref<!tpu.dma_semaphore, #tpu.memory_space<semaphore_mem>>) src(%dma_wait3A_441 : memref<784x768xf32, #tpu.memory_space<hbm>>) dst(%arg18 : memref<32x768xf32, #tpu.memory_space<vmem>>)
    %add3A_442 = arith.constant 1 : i32
    %add3A_443 = arith.addi %mul3A_32, %add3A_442 : i32
    %dma_start3A_444 = arith.constant 96 : i32
    %dma_start3A_445 = arith.constant 0 : i32
    %dma_start3A_446 = tpu.memref_slice %arg10[%select_n3A, %add3A_443, %dma_start3A_444, %dma_start3A_445] : memref<8x16x196x768xf32, #tpu.memory_space<hbm>> -> memref<1x1x32x768xf32, #tpu.memory_space<hbm>>
    %dma_start3A_447 = tpu.memref_squeeze %dma_start3A_446 : memref<1x1x32x768xf32, #tpu.memory_space<hbm>> -> memref<32x768xf32, #tpu.memory_space<hbm>>
    %dma_start3A_448 = arith.constant 96 : i32
    %dma_start3A_449 = arith.constant 0 : i32
    %dma_start3A_450 = tpu.memref_slice %arg10[%select_n3A, %add3A_443, %dma_start3A_448, %dma_start3A_449] : memref<8x16x196x768xf32, #tpu.memory_space<hbm>> -> memref<1x1x32x768xf32, #tpu.memory_space<hbm>>
    %dma_start3A_451 = tpu.memref_squeeze %dma_start3A_450 : memref<1x1x32x768xf32, #tpu.memory_space<hbm>> -> memref<32x768xf32, #tpu.memory_space<hbm>>
    tpu.enqueue_dma source(%arg18 : memref<32x768xf32, #tpu.memory_space<vmem>>) target(%dma_start3A_451 : memref<32x768xf32, #tpu.memory_space<hbm>>) target_semaphore(%arg30 : memref<!tpu.dma_semaphore, #tpu.memory_space<semaphore_mem>>)
    %dma_wait3A_452 = arith.constant 96 : i32
    %dma_wait3A_453 = arith.constant 0 : i32
    %dma_wait3A_454 = tpu.memref_slice %arg10[%select_n3A, %add3A_443, %dma_wait3A_452, %dma_wait3A_453] : memref<8x16x196x768xf32, #tpu.memory_space<hbm>> -> memref<1x1x32x768xf32, #tpu.memory_space<hbm>>
    %dma_wait3A_455 = tpu.memref_squeeze %dma_wait3A_454 : memref<1x1x32x768xf32, #tpu.memory_space<hbm>> -> memref<32x768xf32, #tpu.memory_space<hbm>>
    %dma_wait3A_456 = arith.constant 96 : i32
    %dma_wait3A_457 = arith.constant 0 : i32
    %dma_wait3A_458 = tpu.memref_slice %arg10[%select_n3A, %add3A_443, %dma_wait3A_456, %dma_wait3A_457] : memref<8x16x196x768xf32, #tpu.memory_space<hbm>> -> memref<1x1x32x768xf32, #tpu.memory_space<hbm>>
    %dma_wait3A_459 = tpu.memref_squeeze %dma_wait3A_458 : memref<1x1x32x768xf32, #tpu.memory_space<hbm>> -> memref<32x768xf32, #tpu.memory_space<hbm>>
    tpu.wait_dma2 semaphore(%arg30 : memref<!tpu.dma_semaphore, #tpu.memory_space<semaphore_mem>>) src(%arg18 : memref<32x768xf32, #tpu.memory_space<vmem>>) dst(%dma_wait3A_459 : memref<32x768xf32, #tpu.memory_space<hbm>>)
    %dma_start3A_460 = arith.constant 2 : i32
    %dma_start3A_461 = arith.constant 0 : i32
    %dma_start3A_462 = tpu.memref_slice %arg12[%dma_start3A_460, %dma_start3A_461] : memref<4x32xi32, #tpu.memory_space<vmem>> -> memref<1x32xi32, #tpu.memory_space<vmem>>
    %dma_start3A_463 = tpu.memref_squeeze %dma_start3A_462 : memref<1x32xi32, #tpu.memory_space<vmem>> -> memref<32xi32, #tpu.memory_space<vmem>>
    %dma_start3A_464 = arith.constant 0 : i32
    %dma_start3A_465 = tpu.memref_slice %arg2[%multiple_of3A, %dma_start3A_464] : memref<25088x768xf32, #tpu.memory_space<hbm>> -> memref<784x768xf32, #tpu.memory_space<hbm>>
    %dma_start3A_466 = arith.constant 0 : i32
    %dma_start3A_467 = arith.constant 0 : i32
    %dma_start3A_468 = tpu.memref_slice %dma_start3A_465[%dma_start3A_466, %dma_start3A_467] : memref<784x768xf32, #tpu.memory_space<hbm>> -> memref<784x768xf32, #tpu.memory_space<hbm>>
    tpu.enqueue_indirect_dma source(%dma_start3A_468 : memref<784x768xf32, #tpu.memory_space<hbm>>) target(%arg18 : memref<32x768xf32, #tpu.memory_space<vmem>>) offsets(%dma_start3A_463 : memref<32xi32, #tpu.memory_space<vmem>>) semaphore(%arg24 : memref<!tpu.dma_semaphore, #tpu.memory_space<semaphore_mem>>)
    %dma_wait3A_469 = arith.constant 1 : i32
    %dma_wait3A_470 = arith.constant 0 : i32
    %dma_wait3A_471 = tpu.memref_slice %arg15[%dma_wait3A_469, %dma_wait3A_470] : memref<4x32xi32, #tpu.memory_space<vmem>> -> memref<1x32xi32, #tpu.memory_space<vmem>>
    %dma_wait3A_472 = tpu.memref_squeeze %dma_wait3A_471 : memref<1x32xi32, #tpu.memory_space<vmem>> -> memref<32xi32, #tpu.memory_space<vmem>>
    %dma_wait3A_473 = arith.constant 0 : i32
    %dma_wait3A_474 = tpu.memref_slice %arg2[%multiple_of3A, %dma_wait3A_473] : memref<25088x768xf32, #tpu.memory_space<hbm>> -> memref<784x768xf32, #tpu.memory_space<hbm>>
    %dma_wait3A_475 = arith.constant 0 : i32
    %dma_wait3A_476 = arith.constant 0 : i32
    %dma_wait3A_477 = tpu.memref_slice %dma_wait3A_474[%dma_wait3A_475, %dma_wait3A_476] : memref<784x768xf32, #tpu.memory_space<hbm>> -> memref<784x768xf32, #tpu.memory_space<hbm>>
    tpu.wait_indirect_dma semaphore(%arg25 : memref<!tpu.dma_semaphore, #tpu.memory_space<semaphore_mem>>) src(%dma_wait3A_477 : memref<784x768xf32, #tpu.memory_space<hbm>>) dst(%arg19 : memref<32x768xf32, #tpu.memory_space<vmem>>)
    %add3A_478 = arith.constant 1 : i32
    %add3A_479 = arith.addi %mul3A_32, %add3A_478 : i32
    %dma_start3A_480 = arith.constant 128 : i32
    %dma_start3A_481 = arith.constant 0 : i32
    %dma_start3A_482 = tpu.memref_slice %arg10[%select_n3A, %add3A_479, %dma_start3A_480, %dma_start3A_481] : memref<8x16x196x768xf32, #tpu.memory_space<hbm>> -> memref<1x1x32x768xf32, #tpu.memory_space<hbm>>
    %dma_start3A_483 = tpu.memref_squeeze %dma_start3A_482 : memref<1x1x32x768xf32, #tpu.memory_space<hbm>> -> memref<32x768xf32, #tpu.memory_space<hbm>>
    %dma_start3A_484 = arith.constant 128 : i32
    %dma_start3A_485 = arith.constant 0 : i32
    %dma_start3A_486 = tpu.memref_slice %arg10[%select_n3A, %add3A_479, %dma_start3A_484, %dma_start3A_485] : memref<8x16x196x768xf32, #tpu.memory_space<hbm>> -> memref<1x1x32x768xf32, #tpu.memory_space<hbm>>
    %dma_start3A_487 = tpu.memref_squeeze %dma_start3A_486 : memref<1x1x32x768xf32, #tpu.memory_space<hbm>> -> memref<32x768xf32, #tpu.memory_space<hbm>>
    tpu.enqueue_dma source(%arg19 : memref<32x768xf32, #tpu.memory_space<vmem>>) target(%dma_start3A_487 : memref<32x768xf32, #tpu.memory_space<hbm>>) target_semaphore(%arg31 : memref<!tpu.dma_semaphore, #tpu.memory_space<semaphore_mem>>)
    %dma_wait3A_488 = arith.constant 128 : i32
    %dma_wait3A_489 = arith.constant 0 : i32
    %dma_wait3A_490 = tpu.memref_slice %arg10[%select_n3A, %add3A_479, %dma_wait3A_488, %dma_wait3A_489] : memref<8x16x196x768xf32, #tpu.memory_space<hbm>> -> memref<1x1x32x768xf32, #tpu.memory_space<hbm>>
    %dma_wait3A_491 = tpu.memref_squeeze %dma_wait3A_490 : memref<1x1x32x768xf32, #tpu.memory_space<hbm>> -> memref<32x768xf32, #tpu.memory_space<hbm>>
    %dma_wait3A_492 = arith.constant 128 : i32
    %dma_wait3A_493 = arith.constant 0 : i32
    %dma_wait3A_494 = tpu.memref_slice %arg10[%select_n3A, %add3A_479, %dma_wait3A_492, %dma_wait3A_493] : memref<8x16x196x768xf32, #tpu.memory_space<hbm>> -> memref<1x1x32x768xf32, #tpu.memory_space<hbm>>
    %dma_wait3A_495 = tpu.memref_squeeze %dma_wait3A_494 : memref<1x1x32x768xf32, #tpu.memory_space<hbm>> -> memref<32x768xf32, #tpu.memory_space<hbm>>
    tpu.wait_dma2 semaphore(%arg31 : memref<!tpu.dma_semaphore, #tpu.memory_space<semaphore_mem>>) src(%arg19 : memref<32x768xf32, #tpu.memory_space<vmem>>) dst(%dma_wait3A_495 : memref<32x768xf32, #tpu.memory_space<hbm>>)
    %dma_start3A_496 = arith.constant 2 : i32
    %dma_start3A_497 = arith.constant 0 : i32
    %dma_start3A_498 = tpu.memref_slice %arg13[%dma_start3A_496, %dma_start3A_497] : memref<4x32xi32, #tpu.memory_space<vmem>> -> memref<1x32xi32, #tpu.memory_space<vmem>>
    %dma_start3A_499 = tpu.memref_squeeze %dma_start3A_498 : memref<1x32xi32, #tpu.memory_space<vmem>> -> memref<32xi32, #tpu.memory_space<vmem>>
    %dma_start3A_500 = arith.constant 0 : i32
    %dma_start3A_501 = tpu.memref_slice %arg2[%multiple_of3A, %dma_start3A_500] : memref<25088x768xf32, #tpu.memory_space<hbm>> -> memref<784x768xf32, #tpu.memory_space<hbm>>
    %dma_start3A_502 = arith.constant 0 : i32
    %dma_start3A_503 = arith.constant 0 : i32
    %dma_start3A_504 = tpu.memref_slice %dma_start3A_501[%dma_start3A_502, %dma_start3A_503] : memref<784x768xf32, #tpu.memory_space<hbm>> -> memref<784x768xf32, #tpu.memory_space<hbm>>
    tpu.enqueue_indirect_dma source(%dma_start3A_504 : memref<784x768xf32, #tpu.memory_space<hbm>>) target(%arg19 : memref<32x768xf32, #tpu.memory_space<vmem>>) offsets(%dma_start3A_499 : memref<32xi32, #tpu.memory_space<vmem>>) semaphore(%arg25 : memref<!tpu.dma_semaphore, #tpu.memory_space<semaphore_mem>>)
    %dma_wait3A_505 = arith.constant 1 : i32
    %dma_wait3A_506 = arith.constant 0 : i32
    %dma_wait3A_507 = tpu.memref_slice %arg16[%dma_wait3A_505, %dma_wait3A_506] : memref<4x32xi32, #tpu.memory_space<vmem>> -> memref<1x32xi32, #tpu.memory_space<vmem>>
    %dma_wait3A_508 = tpu.memref_squeeze %dma_wait3A_507 : memref<1x32xi32, #tpu.memory_space<vmem>> -> memref<32xi32, #tpu.memory_space<vmem>>
    %dma_wait3A_509 = arith.constant 0 : i32
    %dma_wait3A_510 = tpu.memref_slice %arg2[%multiple_of3A, %dma_wait3A_509] : memref<25088x768xf32, #tpu.memory_space<hbm>> -> memref<784x768xf32, #tpu.memory_space<hbm>>
    %dma_wait3A_511 = arith.constant 0 : i32
    %dma_wait3A_512 = arith.constant 0 : i32
    %dma_wait3A_513 = tpu.memref_slice %dma_wait3A_510[%dma_wait3A_511, %dma_wait3A_512] : memref<784x768xf32, #tpu.memory_space<hbm>> -> memref<784x768xf32, #tpu.memory_space<hbm>>
    tpu.wait_indirect_dma semaphore(%arg26 : memref<!tpu.dma_semaphore, #tpu.memory_space<semaphore_mem>>) src(%dma_wait3A_513 : memref<784x768xf32, #tpu.memory_space<hbm>>) dst(%arg20 : memref<32x768xf32, #tpu.memory_space<vmem>>)
    %add3A_514 = arith.constant 1 : i32
    %add3A_515 = arith.addi %mul3A_32, %add3A_514 : i32
    %dma_start3A_516 = arith.constant 160 : i32
    %dma_start3A_517 = arith.constant 0 : i32
    %dma_start3A_518 = tpu.memref_slice %arg10[%select_n3A, %add3A_515, %dma_start3A_516, %dma_start3A_517] : memref<8x16x196x768xf32, #tpu.memory_space<hbm>> -> memref<1x1x32x768xf32, #tpu.memory_space<hbm>>
    %dma_start3A_519 = tpu.memref_squeeze %dma_start3A_518 : memref<1x1x32x768xf32, #tpu.memory_space<hbm>> -> memref<32x768xf32, #tpu.memory_space<hbm>>
    %dma_start3A_520 = arith.constant 160 : i32
    %dma_start3A_521 = arith.constant 0 : i32
    %dma_start3A_522 = tpu.memref_slice %arg10[%select_n3A, %add3A_515, %dma_start3A_520, %dma_start3A_521] : memref<8x16x196x768xf32, #tpu.memory_space<hbm>> -> memref<1x1x32x768xf32, #tpu.memory_space<hbm>>
    %dma_start3A_523 = tpu.memref_squeeze %dma_start3A_522 : memref<1x1x32x768xf32, #tpu.memory_space<hbm>> -> memref<32x768xf32, #tpu.memory_space<hbm>>
    tpu.enqueue_dma source(%arg20 : memref<32x768xf32, #tpu.memory_space<vmem>>) target(%dma_start3A_523 : memref<32x768xf32, #tpu.memory_space<hbm>>) target_semaphore(%arg32 : memref<!tpu.dma_semaphore, #tpu.memory_space<semaphore_mem>>)
    %dma_wait3A_524 = arith.constant 160 : i32
    %dma_wait3A_525 = arith.constant 0 : i32
    %dma_wait3A_526 = tpu.memref_slice %arg10[%select_n3A, %add3A_515, %dma_wait3A_524, %dma_wait3A_525] : memref<8x16x196x768xf32, #tpu.memory_space<hbm>> -> memref<1x1x32x768xf32, #tpu.memory_space<hbm>>
    %dma_wait3A_527 = tpu.memref_squeeze %dma_wait3A_526 : memref<1x1x32x768xf32, #tpu.memory_space<hbm>> -> memref<32x768xf32, #tpu.memory_space<hbm>>
    %dma_wait3A_528 = arith.constant 160 : i32
    %dma_wait3A_529 = arith.constant 0 : i32
    %dma_wait3A_530 = tpu.memref_slice %arg10[%select_n3A, %add3A_515, %dma_wait3A_528, %dma_wait3A_529] : memref<8x16x196x768xf32, #tpu.memory_space<hbm>> -> memref<1x1x32x768xf32, #tpu.memory_space<hbm>>
    %dma_wait3A_531 = tpu.memref_squeeze %dma_wait3A_530 : memref<1x1x32x768xf32, #tpu.memory_space<hbm>> -> memref<32x768xf32, #tpu.memory_space<hbm>>
    tpu.wait_dma2 semaphore(%arg32 : memref<!tpu.dma_semaphore, #tpu.memory_space<semaphore_mem>>) src(%arg20 : memref<32x768xf32, #tpu.memory_space<vmem>>) dst(%dma_wait3A_531 : memref<32x768xf32, #tpu.memory_space<hbm>>)
    %dma_start3A_532 = arith.constant 2 : i32
    %dma_start3A_533 = arith.constant 0 : i32
    %dma_start3A_534 = tpu.memref_slice %arg14[%dma_start3A_532, %dma_start3A_533] : memref<4x32xi32, #tpu.memory_space<vmem>> -> memref<1x32xi32, #tpu.memory_space<vmem>>
    %dma_start3A_535 = tpu.memref_squeeze %dma_start3A_534 : memref<1x32xi32, #tpu.memory_space<vmem>> -> memref<32xi32, #tpu.memory_space<vmem>>
    %dma_start3A_536 = arith.constant 0 : i32
    %dma_start3A_537 = tpu.memref_slice %arg2[%multiple_of3A, %dma_start3A_536] : memref<25088x768xf32, #tpu.memory_space<hbm>> -> memref<784x768xf32, #tpu.memory_space<hbm>>
    %dma_start3A_538 = arith.constant 0 : i32
    %dma_start3A_539 = arith.constant 0 : i32
    %dma_start3A_540 = tpu.memref_slice %dma_start3A_537[%dma_start3A_538, %dma_start3A_539] : memref<784x768xf32, #tpu.memory_space<hbm>> -> memref<784x768xf32, #tpu.memory_space<hbm>>
    tpu.enqueue_indirect_dma source(%dma_start3A_540 : memref<784x768xf32, #tpu.memory_space<hbm>>) target(%arg20 : memref<32x768xf32, #tpu.memory_space<vmem>>) offsets(%dma_start3A_535 : memref<32xi32, #tpu.memory_space<vmem>>) semaphore(%arg26 : memref<!tpu.dma_semaphore, #tpu.memory_space<semaphore_mem>>)
    %dma_wait3A_541 = arith.constant 1 : i32
    %dma_wait3A_542 = arith.constant 0 : i32
    %dma_wait3A_543 = tpu.memref_slice %arg17[%dma_wait3A_541, %dma_wait3A_542] : memref<4x4xi32, #tpu.memory_space<vmem>> -> memref<1x4xi32, #tpu.memory_space<vmem>>
    %dma_wait3A_544 = tpu.memref_squeeze %dma_wait3A_543 : memref<1x4xi32, #tpu.memory_space<vmem>> -> memref<4xi32, #tpu.memory_space<vmem>>
    %dma_wait3A_545 = arith.constant 0 : i32
    %dma_wait3A_546 = tpu.memref_slice %arg2[%multiple_of3A, %dma_wait3A_545] : memref<25088x768xf32, #tpu.memory_space<hbm>> -> memref<784x768xf32, #tpu.memory_space<hbm>>
    %dma_wait3A_547 = arith.constant 0 : i32
    %dma_wait3A_548 = arith.constant 0 : i32
    %dma_wait3A_549 = tpu.memref_slice %dma_wait3A_546[%dma_wait3A_547, %dma_wait3A_548] : memref<784x768xf32, #tpu.memory_space<hbm>> -> memref<784x768xf32, #tpu.memory_space<hbm>>
    tpu.wait_indirect_dma semaphore(%arg29 : memref<!tpu.dma_semaphore, #tpu.memory_space<semaphore_mem>>) src(%dma_wait3A_549 : memref<784x768xf32, #tpu.memory_space<hbm>>) dst(%arg23 : memref<4x768xf32, #tpu.memory_space<vmem>>)
    %add3A_550 = arith.constant 1 : i32
    %add3A_551 = arith.addi %mul3A_32, %add3A_550 : i32
    %dma_start3A_552 = arith.constant 192 : i32
    %dma_start3A_553 = arith.constant 0 : i32
    %dma_start3A_554 = tpu.memref_slice %arg10[%select_n3A, %add3A_551, %dma_start3A_552, %dma_start3A_553] : memref<8x16x196x768xf32, #tpu.memory_space<hbm>> -> memref<1x1x4x768xf32, #tpu.memory_space<hbm>>
    %dma_start3A_555 = tpu.memref_squeeze %dma_start3A_554 : memref<1x1x4x768xf32, #tpu.memory_space<hbm>> -> memref<4x768xf32, #tpu.memory_space<hbm>>
    %dma_start3A_556 = arith.constant 192 : i32
    %dma_start3A_557 = arith.constant 0 : i32
    %dma_start3A_558 = tpu.memref_slice %arg10[%select_n3A, %add3A_551, %dma_start3A_556, %dma_start3A_557] : memref<8x16x196x768xf32, #tpu.memory_space<hbm>> -> memref<1x1x4x768xf32, #tpu.memory_space<hbm>>
    %dma_start3A_559 = tpu.memref_squeeze %dma_start3A_558 : memref<1x1x4x768xf32, #tpu.memory_space<hbm>> -> memref<4x768xf32, #tpu.memory_space<hbm>>
    tpu.enqueue_dma source(%arg23 : memref<4x768xf32, #tpu.memory_space<vmem>>) target(%dma_start3A_559 : memref<4x768xf32, #tpu.memory_space<hbm>>) target_semaphore(%arg35 : memref<!tpu.dma_semaphore, #tpu.memory_space<semaphore_mem>>)
    %dma_wait3A_560 = arith.constant 32 : i32
    %dma_wait3A_561 = arith.constant 0 : i32
    %dma_wait3A_562 = tpu.memref_slice %arg10[%select_n3A, %add3A_371, %dma_wait3A_560, %dma_wait3A_561] : memref<8x16x196x768xf32, #tpu.memory_space<hbm>> -> memref<1x1x32x768xf32, #tpu.memory_space<hbm>>
    %dma_wait3A_563 = tpu.memref_squeeze %dma_wait3A_562 : memref<1x1x32x768xf32, #tpu.memory_space<hbm>> -> memref<32x768xf32, #tpu.memory_space<hbm>>
    %dma_wait3A_564 = arith.constant 32 : i32
    %dma_wait3A_565 = arith.constant 0 : i32
    %dma_wait3A_566 = tpu.memref_slice %arg10[%select_n3A, %add3A_371, %dma_wait3A_564, %dma_wait3A_565] : memref<8x16x196x768xf32, #tpu.memory_space<hbm>> -> memref<1x1x32x768xf32, #tpu.memory_space<hbm>>
    %dma_wait3A_567 = tpu.memref_squeeze %dma_wait3A_566 : memref<1x1x32x768xf32, #tpu.memory_space<hbm>> -> memref<32x768xf32, #tpu.memory_space<hbm>>
    tpu.wait_dma2 semaphore(%arg33 : memref<!tpu.dma_semaphore, #tpu.memory_space<semaphore_mem>>) src(%arg21 : memref<32x768xf32, #tpu.memory_space<vmem>>) dst(%dma_wait3A_567 : memref<32x768xf32, #tpu.memory_space<hbm>>)
    %dma_start3A_568 = arith.constant 2 : i32
    %dma_start3A_569 = arith.constant 0 : i32
    %dma_start3A_570 = tpu.memref_slice %arg15[%dma_start3A_568, %dma_start3A_569] : memref<4x32xi32, #tpu.memory_space<vmem>> -> memref<1x32xi32, #tpu.memory_space<vmem>>
    %dma_start3A_571 = tpu.memref_squeeze %dma_start3A_570 : memref<1x32xi32, #tpu.memory_space<vmem>> -> memref<32xi32, #tpu.memory_space<vmem>>
    %dma_start3A_572 = arith.constant 0 : i32
    %dma_start3A_573 = tpu.memref_slice %arg2[%multiple_of3A, %dma_start3A_572] : memref<25088x768xf32, #tpu.memory_space<hbm>> -> memref<784x768xf32, #tpu.memory_space<hbm>>
    %dma_start3A_574 = arith.constant 0 : i32
    %dma_start3A_575 = arith.constant 0 : i32
    %dma_start3A_576 = tpu.memref_slice %dma_start3A_573[%dma_start3A_574, %dma_start3A_575] : memref<784x768xf32, #tpu.memory_space<hbm>> -> memref<784x768xf32, #tpu.memory_space<hbm>>
    tpu.enqueue_indirect_dma source(%dma_start3A_576 : memref<784x768xf32, #tpu.memory_space<hbm>>) target(%arg21 : memref<32x768xf32, #tpu.memory_space<vmem>>) offsets(%dma_start3A_571 : memref<32xi32, #tpu.memory_space<vmem>>) semaphore(%arg27 : memref<!tpu.dma_semaphore, #tpu.memory_space<semaphore_mem>>)
    %dma_wait3A_577 = arith.constant 2 : i32
    %dma_wait3A_578 = arith.constant 0 : i32
    %dma_wait3A_579 = tpu.memref_slice %arg11[%dma_wait3A_577, %dma_wait3A_578] : memref<4x32xi32, #tpu.memory_space<vmem>> -> memref<1x32xi32, #tpu.memory_space<vmem>>
    %dma_wait3A_580 = tpu.memref_squeeze %dma_wait3A_579 : memref<1x32xi32, #tpu.memory_space<vmem>> -> memref<32xi32, #tpu.memory_space<vmem>>
    %dma_wait3A_581 = arith.constant 0 : i32
    %dma_wait3A_582 = tpu.memref_slice %arg2[%multiple_of3A, %dma_wait3A_581] : memref<25088x768xf32, #tpu.memory_space<hbm>> -> memref<784x768xf32, #tpu.memory_space<hbm>>
    %dma_wait3A_583 = arith.constant 0 : i32
    %dma_wait3A_584 = arith.constant 0 : i32
    %dma_wait3A_585 = tpu.memref_slice %dma_wait3A_582[%dma_wait3A_583, %dma_wait3A_584] : memref<784x768xf32, #tpu.memory_space<hbm>> -> memref<784x768xf32, #tpu.memory_space<hbm>>
    tpu.wait_indirect_dma semaphore(%arg28 : memref<!tpu.dma_semaphore, #tpu.memory_space<semaphore_mem>>) src(%dma_wait3A_585 : memref<784x768xf32, #tpu.memory_space<hbm>>) dst(%arg22 : memref<32x768xf32, #tpu.memory_space<vmem>>)
    %add3A_586 = arith.constant 2 : i32
    %add3A_587 = arith.addi %mul3A_32, %add3A_586 : i32
    %dma_start3A_588 = arith.constant 0 : i32
    %dma_start3A_589 = arith.constant 0 : i32
    %dma_start3A_590 = tpu.memref_slice %arg10[%select_n3A, %add3A_587, %dma_start3A_588, %dma_start3A_589] : memref<8x16x196x768xf32, #tpu.memory_space<hbm>> -> memref<1x1x32x768xf32, #tpu.memory_space<hbm>>
    %dma_start3A_591 = tpu.memref_squeeze %dma_start3A_590 : memref<1x1x32x768xf32, #tpu.memory_space<hbm>> -> memref<32x768xf32, #tpu.memory_space<hbm>>
    %dma_start3A_592 = arith.constant 0 : i32
    %dma_start3A_593 = arith.constant 0 : i32
    %dma_start3A_594 = tpu.memref_slice %arg10[%select_n3A, %add3A_587, %dma_start3A_592, %dma_start3A_593] : memref<8x16x196x768xf32, #tpu.memory_space<hbm>> -> memref<1x1x32x768xf32, #tpu.memory_space<hbm>>
    %dma_start3A_595 = tpu.memref_squeeze %dma_start3A_594 : memref<1x1x32x768xf32, #tpu.memory_space<hbm>> -> memref<32x768xf32, #tpu.memory_space<hbm>>
    tpu.enqueue_dma source(%arg22 : memref<32x768xf32, #tpu.memory_space<vmem>>) target(%dma_start3A_595 : memref<32x768xf32, #tpu.memory_space<hbm>>) target_semaphore(%arg34 : memref<!tpu.dma_semaphore, #tpu.memory_space<semaphore_mem>>)
    %dma_wait3A_596 = arith.constant 0 : i32
    %dma_wait3A_597 = arith.constant 0 : i32
    %dma_wait3A_598 = tpu.memref_slice %arg10[%select_n3A, %add3A_587, %dma_wait3A_596, %dma_wait3A_597] : memref<8x16x196x768xf32, #tpu.memory_space<hbm>> -> memref<1x1x32x768xf32, #tpu.memory_space<hbm>>
    %dma_wait3A_599 = tpu.memref_squeeze %dma_wait3A_598 : memref<1x1x32x768xf32, #tpu.memory_space<hbm>> -> memref<32x768xf32, #tpu.memory_space<hbm>>
    %dma_wait3A_600 = arith.constant 0 : i32
    %dma_wait3A_601 = arith.constant 0 : i32
    %dma_wait3A_602 = tpu.memref_slice %arg10[%select_n3A, %add3A_587, %dma_wait3A_600, %dma_wait3A_601] : memref<8x16x196x768xf32, #tpu.memory_space<hbm>> -> memref<1x1x32x768xf32, #tpu.memory_space<hbm>>
    %dma_wait3A_603 = tpu.memref_squeeze %dma_wait3A_602 : memref<1x1x32x768xf32, #tpu.memory_space<hbm>> -> memref<32x768xf32, #tpu.memory_space<hbm>>
    tpu.wait_dma2 semaphore(%arg34 : memref<!tpu.dma_semaphore, #tpu.memory_space<semaphore_mem>>) src(%arg22 : memref<32x768xf32, #tpu.memory_space<vmem>>) dst(%dma_wait3A_603 : memref<32x768xf32, #tpu.memory_space<hbm>>)
    %dma_start3A_604 = arith.constant 2 : i32
    %dma_start3A_605 = arith.constant 0 : i32
    %dma_start3A_606 = tpu.memref_slice %arg16[%dma_start3A_604, %dma_start3A_605] : memref<4x32xi32, #tpu.memory_space<vmem>> -> memref<1x32xi32, #tpu.memory_space<vmem>>
    %dma_start3A_607 = tpu.memref_squeeze %dma_start3A_606 : memref<1x32xi32, #tpu.memory_space<vmem>> -> memref<32xi32, #tpu.memory_space<vmem>>
    %dma_start3A_608 = arith.constant 0 : i32
    %dma_start3A_609 = tpu.memref_slice %arg2[%multiple_of3A, %dma_start3A_608] : memref<25088x768xf32, #tpu.memory_space<hbm>> -> memref<784x768xf32, #tpu.memory_space<hbm>>
    %dma_start3A_610 = arith.constant 0 : i32
    %dma_start3A_611 = arith.constant 0 : i32
    %dma_start3A_612 = tpu.memref_slice %dma_start3A_609[%dma_start3A_610, %dma_start3A_611] : memref<784x768xf32, #tpu.memory_space<hbm>> -> memref<784x768xf32, #tpu.memory_space<hbm>>
    tpu.enqueue_indirect_dma source(%dma_start3A_612 : memref<784x768xf32, #tpu.memory_space<hbm>>) target(%arg22 : memref<32x768xf32, #tpu.memory_space<vmem>>) offsets(%dma_start3A_607 : memref<32xi32, #tpu.memory_space<vmem>>) semaphore(%arg28 : memref<!tpu.dma_semaphore, #tpu.memory_space<semaphore_mem>>)
    %dma_wait3A_613 = arith.constant 2 : i32
    %dma_wait3A_614 = arith.constant 0 : i32
    %dma_wait3A_615 = tpu.memref_slice %arg12[%dma_wait3A_613, %dma_wait3A_614] : memref<4x32xi32, #tpu.memory_space<vmem>> -> memref<1x32xi32, #tpu.memory_space<vmem>>
    %dma_wait3A_616 = tpu.memref_squeeze %dma_wait3A_615 : memref<1x32xi32, #tpu.memory_space<vmem>> -> memref<32xi32, #tpu.memory_space<vmem>>
    %dma_wait3A_617 = arith.constant 0 : i32
    %dma_wait3A_618 = tpu.memref_slice %arg2[%multiple_of3A, %dma_wait3A_617] : memref<25088x768xf32, #tpu.memory_space<hbm>> -> memref<784x768xf32, #tpu.memory_space<hbm>>
    %dma_wait3A_619 = arith.constant 0 : i32
    %dma_wait3A_620 = arith.constant 0 : i32
    %dma_wait3A_621 = tpu.memref_slice %dma_wait3A_618[%dma_wait3A_619, %dma_wait3A_620] : memref<784x768xf32, #tpu.memory_space<hbm>> -> memref<784x768xf32, #tpu.memory_space<hbm>>
    tpu.wait_indirect_dma semaphore(%arg24 : memref<!tpu.dma_semaphore, #tpu.memory_space<semaphore_mem>>) src(%dma_wait3A_621 : memref<784x768xf32, #tpu.memory_space<hbm>>) dst(%arg18 : memref<32x768xf32, #tpu.memory_space<vmem>>)
    %add3A_622 = arith.constant 2 : i32
    %add3A_623 = arith.addi %mul3A_32, %add3A_622 : i32
    %dma_start3A_624 = arith.constant 32 : i32
    %dma_start3A_625 = arith.constant 0 : i32
    %dma_start3A_626 = tpu.memref_slice %arg10[%select_n3A, %add3A_623, %dma_start3A_624, %dma_start3A_625] : memref<8x16x196x768xf32, #tpu.memory_space<hbm>> -> memref<1x1x32x768xf32, #tpu.memory_space<hbm>>
    %dma_start3A_627 = tpu.memref_squeeze %dma_start3A_626 : memref<1x1x32x768xf32, #tpu.memory_space<hbm>> -> memref<32x768xf32, #tpu.memory_space<hbm>>
    %dma_start3A_628 = arith.constant 32 : i32
    %dma_start3A_629 = arith.constant 0 : i32
    %dma_start3A_630 = tpu.memref_slice %arg10[%select_n3A, %add3A_623, %dma_start3A_628, %dma_start3A_629] : memref<8x16x196x768xf32, #tpu.memory_space<hbm>> -> memref<1x1x32x768xf32, #tpu.memory_space<hbm>>
    %dma_start3A_631 = tpu.memref_squeeze %dma_start3A_630 : memref<1x1x32x768xf32, #tpu.memory_space<hbm>> -> memref<32x768xf32, #tpu.memory_space<hbm>>
    tpu.enqueue_dma source(%arg18 : memref<32x768xf32, #tpu.memory_space<vmem>>) target(%dma_start3A_631 : memref<32x768xf32, #tpu.memory_space<hbm>>) target_semaphore(%arg30 : memref<!tpu.dma_semaphore, #tpu.memory_space<semaphore_mem>>)
    %dma_wait3A_632 = arith.constant 192 : i32
    %dma_wait3A_633 = arith.constant 0 : i32
    %dma_wait3A_634 = tpu.memref_slice %arg10[%select_n3A, %add3A_551, %dma_wait3A_632, %dma_wait3A_633] : memref<8x16x196x768xf32, #tpu.memory_space<hbm>> -> memref<1x1x4x768xf32, #tpu.memory_space<hbm>>
    %dma_wait3A_635 = tpu.memref_squeeze %dma_wait3A_634 : memref<1x1x4x768xf32, #tpu.memory_space<hbm>> -> memref<4x768xf32, #tpu.memory_space<hbm>>
    %dma_wait3A_636 = arith.constant 192 : i32
    %dma_wait3A_637 = arith.constant 0 : i32
    %dma_wait3A_638 = tpu.memref_slice %arg10[%select_n3A, %add3A_551, %dma_wait3A_636, %dma_wait3A_637] : memref<8x16x196x768xf32, #tpu.memory_space<hbm>> -> memref<1x1x4x768xf32, #tpu.memory_space<hbm>>
    %dma_wait3A_639 = tpu.memref_squeeze %dma_wait3A_638 : memref<1x1x4x768xf32, #tpu.memory_space<hbm>> -> memref<4x768xf32, #tpu.memory_space<hbm>>
    tpu.wait_dma2 semaphore(%arg35 : memref<!tpu.dma_semaphore, #tpu.memory_space<semaphore_mem>>) src(%arg23 : memref<4x768xf32, #tpu.memory_space<vmem>>) dst(%dma_wait3A_639 : memref<4x768xf32, #tpu.memory_space<hbm>>)
    %dma_start3A_640 = arith.constant 2 : i32
    %dma_start3A_641 = arith.constant 0 : i32
    %dma_start3A_642 = tpu.memref_slice %arg17[%dma_start3A_640, %dma_start3A_641] : memref<4x4xi32, #tpu.memory_space<vmem>> -> memref<1x4xi32, #tpu.memory_space<vmem>>
    %dma_start3A_643 = tpu.memref_squeeze %dma_start3A_642 : memref<1x4xi32, #tpu.memory_space<vmem>> -> memref<4xi32, #tpu.memory_space<vmem>>
    %dma_start3A_644 = arith.constant 0 : i32
    %dma_start3A_645 = tpu.memref_slice %arg2[%multiple_of3A, %dma_start3A_644] : memref<25088x768xf32, #tpu.memory_space<hbm>> -> memref<784x768xf32, #tpu.memory_space<hbm>>
    %dma_start3A_646 = arith.constant 0 : i32
    %dma_start3A_647 = arith.constant 0 : i32
    %dma_start3A_648 = tpu.memref_slice %dma_start3A_645[%dma_start3A_646, %dma_start3A_647] : memref<784x768xf32, #tpu.memory_space<hbm>> -> memref<784x768xf32, #tpu.memory_space<hbm>>
    tpu.enqueue_indirect_dma source(%dma_start3A_648 : memref<784x768xf32, #tpu.memory_space<hbm>>) target(%arg23 : memref<4x768xf32, #tpu.memory_space<vmem>>) offsets(%dma_start3A_643 : memref<4xi32, #tpu.memory_space<vmem>>) semaphore(%arg29 : memref<!tpu.dma_semaphore, #tpu.memory_space<semaphore_mem>>)
    %dma_wait3A_649 = arith.constant 2 : i32
    %dma_wait3A_650 = arith.constant 0 : i32
    %dma_wait3A_651 = tpu.memref_slice %arg13[%dma_wait3A_649, %dma_wait3A_650] : memref<4x32xi32, #tpu.memory_space<vmem>> -> memref<1x32xi32, #tpu.memory_space<vmem>>
    %dma_wait3A_652 = tpu.memref_squeeze %dma_wait3A_651 : memref<1x32xi32, #tpu.memory_space<vmem>> -> memref<32xi32, #tpu.memory_space<vmem>>
    %dma_wait3A_653 = arith.constant 0 : i32
    %dma_wait3A_654 = tpu.memref_slice %arg2[%multiple_of3A, %dma_wait3A_653] : memref<25088x768xf32, #tpu.memory_space<hbm>> -> memref<784x768xf32, #tpu.memory_space<hbm>>
    %dma_wait3A_655 = arith.constant 0 : i32
    %dma_wait3A_656 = arith.constant 0 : i32
    %dma_wait3A_657 = tpu.memref_slice %dma_wait3A_654[%dma_wait3A_655, %dma_wait3A_656] : memref<784x768xf32, #tpu.memory_space<hbm>> -> memref<784x768xf32, #tpu.memory_space<hbm>>
    tpu.wait_indirect_dma semaphore(%arg25 : memref<!tpu.dma_semaphore, #tpu.memory_space<semaphore_mem>>) src(%dma_wait3A_657 : memref<784x768xf32, #tpu.memory_space<hbm>>) dst(%arg19 : memref<32x768xf32, #tpu.memory_space<vmem>>)
    %add3A_658 = arith.constant 2 : i32
    %add3A_659 = arith.addi %mul3A_32, %add3A_658 : i32
    %dma_start3A_660 = arith.constant 64 : i32
    %dma_start3A_661 = arith.constant 0 : i32
    %dma_start3A_662 = tpu.memref_slice %arg10[%select_n3A, %add3A_659, %dma_start3A_660, %dma_start3A_661] : memref<8x16x196x768xf32, #tpu.memory_space<hbm>> -> memref<1x1x32x768xf32, #tpu.memory_space<hbm>>
    %dma_start3A_663 = tpu.memref_squeeze %dma_start3A_662 : memref<1x1x32x768xf32, #tpu.memory_space<hbm>> -> memref<32x768xf32, #tpu.memory_space<hbm>>
    %dma_start3A_664 = arith.constant 64 : i32
    %dma_start3A_665 = arith.constant 0 : i32
    %dma_start3A_666 = tpu.memref_slice %arg10[%select_n3A, %add3A_659, %dma_start3A_664, %dma_start3A_665] : memref<8x16x196x768xf32, #tpu.memory_space<hbm>> -> memref<1x1x32x768xf32, #tpu.memory_space<hbm>>
    %dma_start3A_667 = tpu.memref_squeeze %dma_start3A_666 : memref<1x1x32x768xf32, #tpu.memory_space<hbm>> -> memref<32x768xf32, #tpu.memory_space<hbm>>
    tpu.enqueue_dma source(%arg19 : memref<32x768xf32, #tpu.memory_space<vmem>>) target(%dma_start3A_667 : memref<32x768xf32, #tpu.memory_space<hbm>>) target_semaphore(%arg31 : memref<!tpu.dma_semaphore, #tpu.memory_space<semaphore_mem>>)
    %dma_wait3A_668 = arith.constant 64 : i32
    %dma_wait3A_669 = arith.constant 0 : i32
    %dma_wait3A_670 = tpu.memref_slice %arg10[%select_n3A, %add3A_659, %dma_wait3A_668, %dma_wait3A_669] : memref<8x16x196x768xf32, #tpu.memory_space<hbm>> -> memref<1x1x32x768xf32, #tpu.memory_space<hbm>>
    %dma_wait3A_671 = tpu.memref_squeeze %dma_wait3A_670 : memref<1x1x32x768xf32, #tpu.memory_space<hbm>> -> memref<32x768xf32, #tpu.memory_space<hbm>>
    %dma_wait3A_672 = arith.constant 64 : i32
    %dma_wait3A_673 = arith.constant 0 : i32
    %dma_wait3A_674 = tpu.memref_slice %arg10[%select_n3A, %add3A_659, %dma_wait3A_672, %dma_wait3A_673] : memref<8x16x196x768xf32, #tpu.memory_space<hbm>> -> memref<1x1x32x768xf32, #tpu.memory_space<hbm>>
    %dma_wait3A_675 = tpu.memref_squeeze %dma_wait3A_674 : memref<1x1x32x768xf32, #tpu.memory_space<hbm>> -> memref<32x768xf32, #tpu.memory_space<hbm>>
    tpu.wait_dma2 semaphore(%arg31 : memref<!tpu.dma_semaphore, #tpu.memory_space<semaphore_mem>>) src(%arg19 : memref<32x768xf32, #tpu.memory_space<vmem>>) dst(%dma_wait3A_675 : memref<32x768xf32, #tpu.memory_space<hbm>>)
    %dma_start3A_676 = arith.constant 3 : i32
    %dma_start3A_677 = arith.constant 0 : i32
    %dma_start3A_678 = tpu.memref_slice %arg11[%dma_start3A_676, %dma_start3A_677] : memref<4x32xi32, #tpu.memory_space<vmem>> -> memref<1x32xi32, #tpu.memory_space<vmem>>
    %dma_start3A_679 = tpu.memref_squeeze %dma_start3A_678 : memref<1x32xi32, #tpu.memory_space<vmem>> -> memref<32xi32, #tpu.memory_space<vmem>>
    %dma_start3A_680 = arith.constant 0 : i32
    %dma_start3A_681 = tpu.memref_slice %arg2[%multiple_of3A, %dma_start3A_680] : memref<25088x768xf32, #tpu.memory_space<hbm>> -> memref<784x768xf32, #tpu.memory_space<hbm>>
    %dma_start3A_682 = arith.constant 0 : i32
    %dma_start3A_683 = arith.constant 0 : i32
    %dma_start3A_684 = tpu.memref_slice %dma_start3A_681[%dma_start3A_682, %dma_start3A_683] : memref<784x768xf32, #tpu.memory_space<hbm>> -> memref<784x768xf32, #tpu.memory_space<hbm>>
    tpu.enqueue_indirect_dma source(%dma_start3A_684 : memref<784x768xf32, #tpu.memory_space<hbm>>) target(%arg19 : memref<32x768xf32, #tpu.memory_space<vmem>>) offsets(%dma_start3A_679 : memref<32xi32, #tpu.memory_space<vmem>>) semaphore(%arg25 : memref<!tpu.dma_semaphore, #tpu.memory_space<semaphore_mem>>)
    %dma_wait3A_685 = arith.constant 2 : i32
    %dma_wait3A_686 = arith.constant 0 : i32
    %dma_wait3A_687 = tpu.memref_slice %arg14[%dma_wait3A_685, %dma_wait3A_686] : memref<4x32xi32, #tpu.memory_space<vmem>> -> memref<1x32xi32, #tpu.memory_space<vmem>>
    %dma_wait3A_688 = tpu.memref_squeeze %dma_wait3A_687 : memref<1x32xi32, #tpu.memory_space<vmem>> -> memref<32xi32, #tpu.memory_space<vmem>>
    %dma_wait3A_689 = arith.constant 0 : i32
    %dma_wait3A_690 = tpu.memref_slice %arg2[%multiple_of3A, %dma_wait3A_689] : memref<25088x768xf32, #tpu.memory_space<hbm>> -> memref<784x768xf32, #tpu.memory_space<hbm>>
    %dma_wait3A_691 = arith.constant 0 : i32
    %dma_wait3A_692 = arith.constant 0 : i32
    %dma_wait3A_693 = tpu.memref_slice %dma_wait3A_690[%dma_wait3A_691, %dma_wait3A_692] : memref<784x768xf32, #tpu.memory_space<hbm>> -> memref<784x768xf32, #tpu.memory_space<hbm>>
    tpu.wait_indirect_dma semaphore(%arg26 : memref<!tpu.dma_semaphore, #tpu.memory_space<semaphore_mem>>) src(%dma_wait3A_693 : memref<784x768xf32, #tpu.memory_space<hbm>>) dst(%arg20 : memref<32x768xf32, #tpu.memory_space<vmem>>)
    %add3A_694 = arith.constant 2 : i32
    %add3A_695 = arith.addi %mul3A_32, %add3A_694 : i32
    %dma_start3A_696 = arith.constant 96 : i32
    %dma_start3A_697 = arith.constant 0 : i32
    %dma_start3A_698 = tpu.memref_slice %arg10[%select_n3A, %add3A_695, %dma_start3A_696, %dma_start3A_697] : memref<8x16x196x768xf32, #tpu.memory_space<hbm>> -> memref<1x1x32x768xf32, #tpu.memory_space<hbm>>
    %dma_start3A_699 = tpu.memref_squeeze %dma_start3A_698 : memref<1x1x32x768xf32, #tpu.memory_space<hbm>> -> memref<32x768xf32, #tpu.memory_space<hbm>>
    %dma_start3A_700 = arith.constant 96 : i32
    %dma_start3A_701 = arith.constant 0 : i32
    %dma_start3A_702 = tpu.memref_slice %arg10[%select_n3A, %add3A_695, %dma_start3A_700, %dma_start3A_701] : memref<8x16x196x768xf32, #tpu.memory_space<hbm>> -> memref<1x1x32x768xf32, #tpu.memory_space<hbm>>
    %dma_start3A_703 = tpu.memref_squeeze %dma_start3A_702 : memref<1x1x32x768xf32, #tpu.memory_space<hbm>> -> memref<32x768xf32, #tpu.memory_space<hbm>>
    tpu.enqueue_dma source(%arg20 : memref<32x768xf32, #tpu.memory_space<vmem>>) target(%dma_start3A_703 : memref<32x768xf32, #tpu.memory_space<hbm>>) target_semaphore(%arg32 : memref<!tpu.dma_semaphore, #tpu.memory_space<semaphore_mem>>)
    %dma_wait3A_704 = arith.constant 96 : i32
    %dma_wait3A_705 = arith.constant 0 : i32
    %dma_wait3A_706 = tpu.memref_slice %arg10[%select_n3A, %add3A_695, %dma_wait3A_704, %dma_wait3A_705] : memref<8x16x196x768xf32, #tpu.memory_space<hbm>> -> memref<1x1x32x768xf32, #tpu.memory_space<hbm>>
    %dma_wait3A_707 = tpu.memref_squeeze %dma_wait3A_706 : memref<1x1x32x768xf32, #tpu.memory_space<hbm>> -> memref<32x768xf32, #tpu.memory_space<hbm>>
    %dma_wait3A_708 = arith.constant 96 : i32
    %dma_wait3A_709 = arith.constant 0 : i32
    %dma_wait3A_710 = tpu.memref_slice %arg10[%select_n3A, %add3A_695, %dma_wait3A_708, %dma_wait3A_709] : memref<8x16x196x768xf32, #tpu.memory_space<hbm>> -> memref<1x1x32x768xf32, #tpu.memory_space<hbm>>
    %dma_wait3A_711 = tpu.memref_squeeze %dma_wait3A_710 : memref<1x1x32x768xf32, #tpu.memory_space<hbm>> -> memref<32x768xf32, #tpu.memory_space<hbm>>
    tpu.wait_dma2 semaphore(%arg32 : memref<!tpu.dma_semaphore, #tpu.memory_space<semaphore_mem>>) src(%arg20 : memref<32x768xf32, #tpu.memory_space<vmem>>) dst(%dma_wait3A_711 : memref<32x768xf32, #tpu.memory_space<hbm>>)
    %dma_start3A_712 = arith.constant 3 : i32
    %dma_start3A_713 = arith.constant 0 : i32
    %dma_start3A_714 = tpu.memref_slice %arg12[%dma_start3A_712, %dma_start3A_713] : memref<4x32xi32, #tpu.memory_space<vmem>> -> memref<1x32xi32, #tpu.memory_space<vmem>>
    %dma_start3A_715 = tpu.memref_squeeze %dma_start3A_714 : memref<1x32xi32, #tpu.memory_space<vmem>> -> memref<32xi32, #tpu.memory_space<vmem>>
    %dma_start3A_716 = arith.constant 0 : i32
    %dma_start3A_717 = tpu.memref_slice %arg2[%multiple_of3A, %dma_start3A_716] : memref<25088x768xf32, #tpu.memory_space<hbm>> -> memref<784x768xf32, #tpu.memory_space<hbm>>
    %dma_start3A_718 = arith.constant 0 : i32
    %dma_start3A_719 = arith.constant 0 : i32
    %dma_start3A_720 = tpu.memref_slice %dma_start3A_717[%dma_start3A_718, %dma_start3A_719] : memref<784x768xf32, #tpu.memory_space<hbm>> -> memref<784x768xf32, #tpu.memory_space<hbm>>
    tpu.enqueue_indirect_dma source(%dma_start3A_720 : memref<784x768xf32, #tpu.memory_space<hbm>>) target(%arg20 : memref<32x768xf32, #tpu.memory_space<vmem>>) offsets(%dma_start3A_715 : memref<32xi32, #tpu.memory_space<vmem>>) semaphore(%arg26 : memref<!tpu.dma_semaphore, #tpu.memory_space<semaphore_mem>>)
    %dma_wait3A_721 = arith.constant 2 : i32
    %dma_wait3A_722 = arith.constant 0 : i32
    %dma_wait3A_723 = tpu.memref_slice %arg15[%dma_wait3A_721, %dma_wait3A_722] : memref<4x32xi32, #tpu.memory_space<vmem>> -> memref<1x32xi32, #tpu.memory_space<vmem>>
    %dma_wait3A_724 = tpu.memref_squeeze %dma_wait3A_723 : memref<1x32xi32, #tpu.memory_space<vmem>> -> memref<32xi32, #tpu.memory_space<vmem>>
    %dma_wait3A_725 = arith.constant 0 : i32
    %dma_wait3A_726 = tpu.memref_slice %arg2[%multiple_of3A, %dma_wait3A_725] : memref<25088x768xf32, #tpu.memory_space<hbm>> -> memref<784x768xf32, #tpu.memory_space<hbm>>
    %dma_wait3A_727 = arith.constant 0 : i32
    %dma_wait3A_728 = arith.constant 0 : i32
    %dma_wait3A_729 = tpu.memref_slice %dma_wait3A_726[%dma_wait3A_727, %dma_wait3A_728] : memref<784x768xf32, #tpu.memory_space<hbm>> -> memref<784x768xf32, #tpu.memory_space<hbm>>
    tpu.wait_indirect_dma semaphore(%arg27 : memref<!tpu.dma_semaphore, #tpu.memory_space<semaphore_mem>>) src(%dma_wait3A_729 : memref<784x768xf32, #tpu.memory_space<hbm>>) dst(%arg21 : memref<32x768xf32, #tpu.memory_space<vmem>>)
    %add3A_730 = arith.constant 2 : i32
    %add3A_731 = arith.addi %mul3A_32, %add3A_730 : i32
    %dma_start3A_732 = arith.constant 128 : i32
    %dma_start3A_733 = arith.constant 0 : i32
    %dma_start3A_734 = tpu.memref_slice %arg10[%select_n3A, %add3A_731, %dma_start3A_732, %dma_start3A_733] : memref<8x16x196x768xf32, #tpu.memory_space<hbm>> -> memref<1x1x32x768xf32, #tpu.memory_space<hbm>>
    %dma_start3A_735 = tpu.memref_squeeze %dma_start3A_734 : memref<1x1x32x768xf32, #tpu.memory_space<hbm>> -> memref<32x768xf32, #tpu.memory_space<hbm>>
    %dma_start3A_736 = arith.constant 128 : i32
    %dma_start3A_737 = arith.constant 0 : i32
    %dma_start3A_738 = tpu.memref_slice %arg10[%select_n3A, %add3A_731, %dma_start3A_736, %dma_start3A_737] : memref<8x16x196x768xf32, #tpu.memory_space<hbm>> -> memref<1x1x32x768xf32, #tpu.memory_space<hbm>>
    %dma_start3A_739 = tpu.memref_squeeze %dma_start3A_738 : memref<1x1x32x768xf32, #tpu.memory_space<hbm>> -> memref<32x768xf32, #tpu.memory_space<hbm>>
    tpu.enqueue_dma source(%arg21 : memref<32x768xf32, #tpu.memory_space<vmem>>) target(%dma_start3A_739 : memref<32x768xf32, #tpu.memory_space<hbm>>) target_semaphore(%arg33 : memref<!tpu.dma_semaphore, #tpu.memory_space<semaphore_mem>>)
    %dma_wait3A_740 = arith.constant 128 : i32
    %dma_wait3A_741 = arith.constant 0 : i32
    %dma_wait3A_742 = tpu.memref_slice %arg10[%select_n3A, %add3A_731, %dma_wait3A_740, %dma_wait3A_741] : memref<8x16x196x768xf32, #tpu.memory_space<hbm>> -> memref<1x1x32x768xf32, #tpu.memory_space<hbm>>
    %dma_wait3A_743 = tpu.memref_squeeze %dma_wait3A_742 : memref<1x1x32x768xf32, #tpu.memory_space<hbm>> -> memref<32x768xf32, #tpu.memory_space<hbm>>
    %dma_wait3A_744 = arith.constant 128 : i32
    %dma_wait3A_745 = arith.constant 0 : i32
    %dma_wait3A_746 = tpu.memref_slice %arg10[%select_n3A, %add3A_731, %dma_wait3A_744, %dma_wait3A_745] : memref<8x16x196x768xf32, #tpu.memory_space<hbm>> -> memref<1x1x32x768xf32, #tpu.memory_space<hbm>>
    %dma_wait3A_747 = tpu.memref_squeeze %dma_wait3A_746 : memref<1x1x32x768xf32, #tpu.memory_space<hbm>> -> memref<32x768xf32, #tpu.memory_space<hbm>>
    tpu.wait_dma2 semaphore(%arg33 : memref<!tpu.dma_semaphore, #tpu.memory_space<semaphore_mem>>) src(%arg21 : memref<32x768xf32, #tpu.memory_space<vmem>>) dst(%dma_wait3A_747 : memref<32x768xf32, #tpu.memory_space<hbm>>)
    %dma_start3A_748 = arith.constant 3 : i32
    %dma_start3A_749 = arith.constant 0 : i32
    %dma_start3A_750 = tpu.memref_slice %arg13[%dma_start3A_748, %dma_start3A_749] : memref<4x32xi32, #tpu.memory_space<vmem>> -> memref<1x32xi32, #tpu.memory_space<vmem>>
    %dma_start3A_751 = tpu.memref_squeeze %dma_start3A_750 : memref<1x32xi32, #tpu.memory_space<vmem>> -> memref<32xi32, #tpu.memory_space<vmem>>
    %dma_start3A_752 = arith.constant 0 : i32
    %dma_start3A_753 = tpu.memref_slice %arg2[%multiple_of3A, %dma_start3A_752] : memref<25088x768xf32, #tpu.memory_space<hbm>> -> memref<784x768xf32, #tpu.memory_space<hbm>>
    %dma_start3A_754 = arith.constant 0 : i32
    %dma_start3A_755 = arith.constant 0 : i32
    %dma_start3A_756 = tpu.memref_slice %dma_start3A_753[%dma_start3A_754, %dma_start3A_755] : memref<784x768xf32, #tpu.memory_space<hbm>> -> memref<784x768xf32, #tpu.memory_space<hbm>>
    tpu.enqueue_indirect_dma source(%dma_start3A_756 : memref<784x768xf32, #tpu.memory_space<hbm>>) target(%arg21 : memref<32x768xf32, #tpu.memory_space<vmem>>) offsets(%dma_start3A_751 : memref<32xi32, #tpu.memory_space<vmem>>) semaphore(%arg27 : memref<!tpu.dma_semaphore, #tpu.memory_space<semaphore_mem>>)
    %dma_wait3A_757 = arith.constant 2 : i32
    %dma_wait3A_758 = arith.constant 0 : i32
    %dma_wait3A_759 = tpu.memref_slice %arg16[%dma_wait3A_757, %dma_wait3A_758] : memref<4x32xi32, #tpu.memory_space<vmem>> -> memref<1x32xi32, #tpu.memory_space<vmem>>
    %dma_wait3A_760 = tpu.memref_squeeze %dma_wait3A_759 : memref<1x32xi32, #tpu.memory_space<vmem>> -> memref<32xi32, #tpu.memory_space<vmem>>
    %dma_wait3A_761 = arith.constant 0 : i32
    %dma_wait3A_762 = tpu.memref_slice %arg2[%multiple_of3A, %dma_wait3A_761] : memref<25088x768xf32, #tpu.memory_space<hbm>> -> memref<784x768xf32, #tpu.memory_space<hbm>>
    %dma_wait3A_763 = arith.constant 0 : i32
    %dma_wait3A_764 = arith.constant 0 : i32
    %dma_wait3A_765 = tpu.memref_slice %dma_wait3A_762[%dma_wait3A_763, %dma_wait3A_764] : memref<784x768xf32, #tpu.memory_space<hbm>> -> memref<784x768xf32, #tpu.memory_space<hbm>>
    tpu.wait_indirect_dma semaphore(%arg28 : memref<!tpu.dma_semaphore, #tpu.memory_space<semaphore_mem>>) src(%dma_wait3A_765 : memref<784x768xf32, #tpu.memory_space<hbm>>) dst(%arg22 : memref<32x768xf32, #tpu.memory_space<vmem>>)
    %add3A_766 = arith.constant 2 : i32
    %add3A_767 = arith.addi %mul3A_32, %add3A_766 : i32
    %dma_start3A_768 = arith.constant 160 : i32
    %dma_start3A_769 = arith.constant 0 : i32
    %dma_start3A_770 = tpu.memref_slice %arg10[%select_n3A, %add3A_767, %dma_start3A_768, %dma_start3A_769] : memref<8x16x196x768xf32, #tpu.memory_space<hbm>> -> memref<1x1x32x768xf32, #tpu.memory_space<hbm>>
    %dma_start3A_771 = tpu.memref_squeeze %dma_start3A_770 : memref<1x1x32x768xf32, #tpu.memory_space<hbm>> -> memref<32x768xf32, #tpu.memory_space<hbm>>
    %dma_start3A_772 = arith.constant 160 : i32
    %dma_start3A_773 = arith.constant 0 : i32
    %dma_start3A_774 = tpu.memref_slice %arg10[%select_n3A, %add3A_767, %dma_start3A_772, %dma_start3A_773] : memref<8x16x196x768xf32, #tpu.memory_space<hbm>> -> memref<1x1x32x768xf32, #tpu.memory_space<hbm>>
    %dma_start3A_775 = tpu.memref_squeeze %dma_start3A_774 : memref<1x1x32x768xf32, #tpu.memory_space<hbm>> -> memref<32x768xf32, #tpu.memory_space<hbm>>
    tpu.enqueue_dma source(%arg22 : memref<32x768xf32, #tpu.memory_space<vmem>>) target(%dma_start3A_775 : memref<32x768xf32, #tpu.memory_space<hbm>>) target_semaphore(%arg34 : memref<!tpu.dma_semaphore, #tpu.memory_space<semaphore_mem>>)
    %dma_wait3A_776 = arith.constant 160 : i32
    %dma_wait3A_777 = arith.constant 0 : i32
    %dma_wait3A_778 = tpu.memref_slice %arg10[%select_n3A, %add3A_767, %dma_wait3A_776, %dma_wait3A_777] : memref<8x16x196x768xf32, #tpu.memory_space<hbm>> -> memref<1x1x32x768xf32, #tpu.memory_space<hbm>>
    %dma_wait3A_779 = tpu.memref_squeeze %dma_wait3A_778 : memref<1x1x32x768xf32, #tpu.memory_space<hbm>> -> memref<32x768xf32, #tpu.memory_space<hbm>>
    %dma_wait3A_780 = arith.constant 160 : i32
    %dma_wait3A_781 = arith.constant 0 : i32
    %dma_wait3A_782 = tpu.memref_slice %arg10[%select_n3A, %add3A_767, %dma_wait3A_780, %dma_wait3A_781] : memref<8x16x196x768xf32, #tpu.memory_space<hbm>> -> memref<1x1x32x768xf32, #tpu.memory_space<hbm>>
    %dma_wait3A_783 = tpu.memref_squeeze %dma_wait3A_782 : memref<1x1x32x768xf32, #tpu.memory_space<hbm>> -> memref<32x768xf32, #tpu.memory_space<hbm>>
    tpu.wait_dma2 semaphore(%arg34 : memref<!tpu.dma_semaphore, #tpu.memory_space<semaphore_mem>>) src(%arg22 : memref<32x768xf32, #tpu.memory_space<vmem>>) dst(%dma_wait3A_783 : memref<32x768xf32, #tpu.memory_space<hbm>>)
    %dma_start3A_784 = arith.constant 3 : i32
    %dma_start3A_785 = arith.constant 0 : i32
    %dma_start3A_786 = tpu.memref_slice %arg14[%dma_start3A_784, %dma_start3A_785] : memref<4x32xi32, #tpu.memory_space<vmem>> -> memref<1x32xi32, #tpu.memory_space<vmem>>
    %dma_start3A_787 = tpu.memref_squeeze %dma_start3A_786 : memref<1x32xi32, #tpu.memory_space<vmem>> -> memref<32xi32, #tpu.memory_space<vmem>>
    %dma_start3A_788 = arith.constant 0 : i32
    %dma_start3A_789 = tpu.memref_slice %arg2[%multiple_of3A, %dma_start3A_788] : memref<25088x768xf32, #tpu.memory_space<hbm>> -> memref<784x768xf32, #tpu.memory_space<hbm>>
    %dma_start3A_790 = arith.constant 0 : i32
    %dma_start3A_791 = arith.constant 0 : i32
    %dma_start3A_792 = tpu.memref_slice %dma_start3A_789[%dma_start3A_790, %dma_start3A_791] : memref<784x768xf32, #tpu.memory_space<hbm>> -> memref<784x768xf32, #tpu.memory_space<hbm>>
    tpu.enqueue_indirect_dma source(%dma_start3A_792 : memref<784x768xf32, #tpu.memory_space<hbm>>) target(%arg22 : memref<32x768xf32, #tpu.memory_space<vmem>>) offsets(%dma_start3A_787 : memref<32xi32, #tpu.memory_space<vmem>>) semaphore(%arg28 : memref<!tpu.dma_semaphore, #tpu.memory_space<semaphore_mem>>)
    %dma_wait3A_793 = arith.constant 2 : i32
    %dma_wait3A_794 = arith.constant 0 : i32
    %dma_wait3A_795 = tpu.memref_slice %arg17[%dma_wait3A_793, %dma_wait3A_794] : memref<4x4xi32, #tpu.memory_space<vmem>> -> memref<1x4xi32, #tpu.memory_space<vmem>>
    %dma_wait3A_796 = tpu.memref_squeeze %dma_wait3A_795 : memref<1x4xi32, #tpu.memory_space<vmem>> -> memref<4xi32, #tpu.memory_space<vmem>>
    %dma_wait3A_797 = arith.constant 0 : i32
    %dma_wait3A_798 = tpu.memref_slice %arg2[%multiple_of3A, %dma_wait3A_797] : memref<25088x768xf32, #tpu.memory_space<hbm>> -> memref<784x768xf32, #tpu.memory_space<hbm>>
    %dma_wait3A_799 = arith.constant 0 : i32
    %dma_wait3A_800 = arith.constant 0 : i32
    %dma_wait3A_801 = tpu.memref_slice %dma_wait3A_798[%dma_wait3A_799, %dma_wait3A_800] : memref<784x768xf32, #tpu.memory_space<hbm>> -> memref<784x768xf32, #tpu.memory_space<hbm>>
    tpu.wait_indirect_dma semaphore(%arg29 : memref<!tpu.dma_semaphore, #tpu.memory_space<semaphore_mem>>) src(%dma_wait3A_801 : memref<784x768xf32, #tpu.memory_space<hbm>>) dst(%arg23 : memref<4x768xf32, #tpu.memory_space<vmem>>)
    %add3A_802 = arith.constant 2 : i32
    %add3A_803 = arith.addi %mul3A_32, %add3A_802 : i32
    %dma_start3A_804 = arith.constant 192 : i32
    %dma_start3A_805 = arith.constant 0 : i32
    %dma_start3A_806 = tpu.memref_slice %arg10[%select_n3A, %add3A_803, %dma_start3A_804, %dma_start3A_805] : memref<8x16x196x768xf32, #tpu.memory_space<hbm>> -> memref<1x1x4x768xf32, #tpu.memory_space<hbm>>
    %dma_start3A_807 = tpu.memref_squeeze %dma_start3A_806 : memref<1x1x4x768xf32, #tpu.memory_space<hbm>> -> memref<4x768xf32, #tpu.memory_space<hbm>>
    %dma_start3A_808 = arith.constant 192 : i32
    %dma_start3A_809 = arith.constant 0 : i32
    %dma_start3A_810 = tpu.memref_slice %arg10[%select_n3A, %add3A_803, %dma_start3A_808, %dma_start3A_809] : memref<8x16x196x768xf32, #tpu.memory_space<hbm>> -> memref<1x1x4x768xf32, #tpu.memory_space<hbm>>
    %dma_start3A_811 = tpu.memref_squeeze %dma_start3A_810 : memref<1x1x4x768xf32, #tpu.memory_space<hbm>> -> memref<4x768xf32, #tpu.memory_space<hbm>>
    tpu.enqueue_dma source(%arg23 : memref<4x768xf32, #tpu.memory_space<vmem>>) target(%dma_start3A_811 : memref<4x768xf32, #tpu.memory_space<hbm>>) target_semaphore(%arg35 : memref<!tpu.dma_semaphore, #tpu.memory_space<semaphore_mem>>)
    %dma_wait3A_812 = arith.constant 32 : i32
    %dma_wait3A_813 = arith.constant 0 : i32
    %dma_wait3A_814 = tpu.memref_slice %arg10[%select_n3A, %add3A_623, %dma_wait3A_812, %dma_wait3A_813] : memref<8x16x196x768xf32, #tpu.memory_space<hbm>> -> memref<1x1x32x768xf32, #tpu.memory_space<hbm>>
    %dma_wait3A_815 = tpu.memref_squeeze %dma_wait3A_814 : memref<1x1x32x768xf32, #tpu.memory_space<hbm>> -> memref<32x768xf32, #tpu.memory_space<hbm>>
    %dma_wait3A_816 = arith.constant 32 : i32
    %dma_wait3A_817 = arith.constant 0 : i32
    %dma_wait3A_818 = tpu.memref_slice %arg10[%select_n3A, %add3A_623, %dma_wait3A_816, %dma_wait3A_817] : memref<8x16x196x768xf32, #tpu.memory_space<hbm>> -> memref<1x1x32x768xf32, #tpu.memory_space<hbm>>
    %dma_wait3A_819 = tpu.memref_squeeze %dma_wait3A_818 : memref<1x1x32x768xf32, #tpu.memory_space<hbm>> -> memref<32x768xf32, #tpu.memory_space<hbm>>
    tpu.wait_dma2 semaphore(%arg30 : memref<!tpu.dma_semaphore, #tpu.memory_space<semaphore_mem>>) src(%arg18 : memref<32x768xf32, #tpu.memory_space<vmem>>) dst(%dma_wait3A_819 : memref<32x768xf32, #tpu.memory_space<hbm>>)
    %dma_start3A_820 = arith.constant 3 : i32
    %dma_start3A_821 = arith.constant 0 : i32
    %dma_start3A_822 = tpu.memref_slice %arg15[%dma_start3A_820, %dma_start3A_821] : memref<4x32xi32, #tpu.memory_space<vmem>> -> memref<1x32xi32, #tpu.memory_space<vmem>>
    %dma_start3A_823 = tpu.memref_squeeze %dma_start3A_822 : memref<1x32xi32, #tpu.memory_space<vmem>> -> memref<32xi32, #tpu.memory_space<vmem>>
    %dma_start3A_824 = arith.constant 0 : i32
    %dma_start3A_825 = tpu.memref_slice %arg2[%multiple_of3A, %dma_start3A_824] : memref<25088x768xf32, #tpu.memory_space<hbm>> -> memref<784x768xf32, #tpu.memory_space<hbm>>
    %dma_start3A_826 = arith.constant 0 : i32
    %dma_start3A_827 = arith.constant 0 : i32
    %dma_start3A_828 = tpu.memref_slice %dma_start3A_825[%dma_start3A_826, %dma_start3A_827] : memref<784x768xf32, #tpu.memory_space<hbm>> -> memref<784x768xf32, #tpu.memory_space<hbm>>
    tpu.enqueue_indirect_dma source(%dma_start3A_828 : memref<784x768xf32, #tpu.memory_space<hbm>>) target(%arg18 : memref<32x768xf32, #tpu.memory_space<vmem>>) offsets(%dma_start3A_823 : memref<32xi32, #tpu.memory_space<vmem>>) semaphore(%arg24 : memref<!tpu.dma_semaphore, #tpu.memory_space<semaphore_mem>>)
    %dma_wait3A_829 = arith.constant 3 : i32
    %dma_wait3A_830 = arith.constant 0 : i32
    %dma_wait3A_831 = tpu.memref_slice %arg11[%dma_wait3A_829, %dma_wait3A_830] : memref<4x32xi32, #tpu.memory_space<vmem>> -> memref<1x32xi32, #tpu.memory_space<vmem>>
    %dma_wait3A_832 = tpu.memref_squeeze %dma_wait3A_831 : memref<1x32xi32, #tpu.memory_space<vmem>> -> memref<32xi32, #tpu.memory_space<vmem>>
    %dma_wait3A_833 = arith.constant 0 : i32
    %dma_wait3A_834 = tpu.memref_slice %arg2[%multiple_of3A, %dma_wait3A_833] : memref<25088x768xf32, #tpu.memory_space<hbm>> -> memref<784x768xf32, #tpu.memory_space<hbm>>
    %dma_wait3A_835 = arith.constant 0 : i32
    %dma_wait3A_836 = arith.constant 0 : i32
    %dma_wait3A_837 = tpu.memref_slice %dma_wait3A_834[%dma_wait3A_835, %dma_wait3A_836] : memref<784x768xf32, #tpu.memory_space<hbm>> -> memref<784x768xf32, #tpu.memory_space<hbm>>
    tpu.wait_indirect_dma semaphore(%arg25 : memref<!tpu.dma_semaphore, #tpu.memory_space<semaphore_mem>>) src(%dma_wait3A_837 : memref<784x768xf32, #tpu.memory_space<hbm>>) dst(%arg19 : memref<32x768xf32, #tpu.memory_space<vmem>>)
    %add3A_838 = arith.constant 3 : i32
    %add3A_839 = arith.addi %mul3A_32, %add3A_838 : i32
    %dma_start3A_840 = arith.constant 0 : i32
    %dma_start3A_841 = arith.constant 0 : i32
    %dma_start3A_842 = tpu.memref_slice %arg10[%select_n3A, %add3A_839, %dma_start3A_840, %dma_start3A_841] : memref<8x16x196x768xf32, #tpu.memory_space<hbm>> -> memref<1x1x32x768xf32, #tpu.memory_space<hbm>>
    %dma_start3A_843 = tpu.memref_squeeze %dma_start3A_842 : memref<1x1x32x768xf32, #tpu.memory_space<hbm>> -> memref<32x768xf32, #tpu.memory_space<hbm>>
    %dma_start3A_844 = arith.constant 0 : i32
    %dma_start3A_845 = arith.constant 0 : i32
    %dma_start3A_846 = tpu.memref_slice %arg10[%select_n3A, %add3A_839, %dma_start3A_844, %dma_start3A_845] : memref<8x16x196x768xf32, #tpu.memory_space<hbm>> -> memref<1x1x32x768xf32, #tpu.memory_space<hbm>>
    %dma_start3A_847 = tpu.memref_squeeze %dma_start3A_846 : memref<1x1x32x768xf32, #tpu.memory_space<hbm>> -> memref<32x768xf32, #tpu.memory_space<hbm>>
    tpu.enqueue_dma source(%arg19 : memref<32x768xf32, #tpu.memory_space<vmem>>) target(%dma_start3A_847 : memref<32x768xf32, #tpu.memory_space<hbm>>) target_semaphore(%arg31 : memref<!tpu.dma_semaphore, #tpu.memory_space<semaphore_mem>>)
    %dma_wait3A_848 = arith.constant 0 : i32
    %dma_wait3A_849 = arith.constant 0 : i32
    %dma_wait3A_850 = tpu.memref_slice %arg10[%select_n3A, %add3A_839, %dma_wait3A_848, %dma_wait3A_849] : memref<8x16x196x768xf32, #tpu.memory_space<hbm>> -> memref<1x1x32x768xf32, #tpu.memory_space<hbm>>
    %dma_wait3A_851 = tpu.memref_squeeze %dma_wait3A_850 : memref<1x1x32x768xf32, #tpu.memory_space<hbm>> -> memref<32x768xf32, #tpu.memory_space<hbm>>
    %dma_wait3A_852 = arith.constant 0 : i32
    %dma_wait3A_853 = arith.constant 0 : i32
    %dma_wait3A_854 = tpu.memref_slice %arg10[%select_n3A, %add3A_839, %dma_wait3A_852, %dma_wait3A_853] : memref<8x16x196x768xf32, #tpu.memory_space<hbm>> -> memref<1x1x32x768xf32, #tpu.memory_space<hbm>>
    %dma_wait3A_855 = tpu.memref_squeeze %dma_wait3A_854 : memref<1x1x32x768xf32, #tpu.memory_space<hbm>> -> memref<32x768xf32, #tpu.memory_space<hbm>>
    tpu.wait_dma2 semaphore(%arg31 : memref<!tpu.dma_semaphore, #tpu.memory_space<semaphore_mem>>) src(%arg19 : memref<32x768xf32, #tpu.memory_space<vmem>>) dst(%dma_wait3A_855 : memref<32x768xf32, #tpu.memory_space<hbm>>)
    %dma_start3A_856 = arith.constant 3 : i32
    %dma_start3A_857 = arith.constant 0 : i32
    %dma_start3A_858 = tpu.memref_slice %arg16[%dma_start3A_856, %dma_start3A_857] : memref<4x32xi32, #tpu.memory_space<vmem>> -> memref<1x32xi32, #tpu.memory_space<vmem>>
    %dma_start3A_859 = tpu.memref_squeeze %dma_start3A_858 : memref<1x32xi32, #tpu.memory_space<vmem>> -> memref<32xi32, #tpu.memory_space<vmem>>
    %dma_start3A_860 = arith.constant 0 : i32
    %dma_start3A_861 = tpu.memref_slice %arg2[%multiple_of3A, %dma_start3A_860] : memref<25088x768xf32, #tpu.memory_space<hbm>> -> memref<784x768xf32, #tpu.memory_space<hbm>>
    %dma_start3A_862 = arith.constant 0 : i32
    %dma_start3A_863 = arith.constant 0 : i32
    %dma_start3A_864 = tpu.memref_slice %dma_start3A_861[%dma_start3A_862, %dma_start3A_863] : memref<784x768xf32, #tpu.memory_space<hbm>> -> memref<784x768xf32, #tpu.memory_space<hbm>>
    tpu.enqueue_indirect_dma source(%dma_start3A_864 : memref<784x768xf32, #tpu.memory_space<hbm>>) target(%arg19 : memref<32x768xf32, #tpu.memory_space<vmem>>) offsets(%dma_start3A_859 : memref<32xi32, #tpu.memory_space<vmem>>) semaphore(%arg25 : memref<!tpu.dma_semaphore, #tpu.memory_space<semaphore_mem>>)
    %dma_wait3A_865 = arith.constant 3 : i32
    %dma_wait3A_866 = arith.constant 0 : i32
    %dma_wait3A_867 = tpu.memref_slice %arg12[%dma_wait3A_865, %dma_wait3A_866] : memref<4x32xi32, #tpu.memory_space<vmem>> -> memref<1x32xi32, #tpu.memory_space<vmem>>
    %dma_wait3A_868 = tpu.memref_squeeze %dma_wait3A_867 : memref<1x32xi32, #tpu.memory_space<vmem>> -> memref<32xi32, #tpu.memory_space<vmem>>
    %dma_wait3A_869 = arith.constant 0 : i32
    %dma_wait3A_870 = tpu.memref_slice %arg2[%multiple_of3A, %dma_wait3A_869] : memref<25088x768xf32, #tpu.memory_space<hbm>> -> memref<784x768xf32, #tpu.memory_space<hbm>>
    %dma_wait3A_871 = arith.constant 0 : i32
    %dma_wait3A_872 = arith.constant 0 : i32
    %dma_wait3A_873 = tpu.memref_slice %dma_wait3A_870[%dma_wait3A_871, %dma_wait3A_872] : memref<784x768xf32, #tpu.memory_space<hbm>> -> memref<784x768xf32, #tpu.memory_space<hbm>>
    tpu.wait_indirect_dma semaphore(%arg26 : memref<!tpu.dma_semaphore, #tpu.memory_space<semaphore_mem>>) src(%dma_wait3A_873 : memref<784x768xf32, #tpu.memory_space<hbm>>) dst(%arg20 : memref<32x768xf32, #tpu.memory_space<vmem>>)
    %add3A_874 = arith.constant 3 : i32
    %add3A_875 = arith.addi %mul3A_32, %add3A_874 : i32
    %dma_start3A_876 = arith.constant 32 : i32
    %dma_start3A_877 = arith.constant 0 : i32
    %dma_start3A_878 = tpu.memref_slice %arg10[%select_n3A, %add3A_875, %dma_start3A_876, %dma_start3A_877] : memref<8x16x196x768xf32, #tpu.memory_space<hbm>> -> memref<1x1x32x768xf32, #tpu.memory_space<hbm>>
    %dma_start3A_879 = tpu.memref_squeeze %dma_start3A_878 : memref<1x1x32x768xf32, #tpu.memory_space<hbm>> -> memref<32x768xf32, #tpu.memory_space<hbm>>
    %dma_start3A_880 = arith.constant 32 : i32
    %dma_start3A_881 = arith.constant 0 : i32
    %dma_start3A_882 = tpu.memref_slice %arg10[%select_n3A, %add3A_875, %dma_start3A_880, %dma_start3A_881] : memref<8x16x196x768xf32, #tpu.memory_space<hbm>> -> memref<1x1x32x768xf32, #tpu.memory_space<hbm>>
    %dma_start3A_883 = tpu.memref_squeeze %dma_start3A_882 : memref<1x1x32x768xf32, #tpu.memory_space<hbm>> -> memref<32x768xf32, #tpu.memory_space<hbm>>
    tpu.enqueue_dma source(%arg20 : memref<32x768xf32, #tpu.memory_space<vmem>>) target(%dma_start3A_883 : memref<32x768xf32, #tpu.memory_space<hbm>>) target_semaphore(%arg32 : memref<!tpu.dma_semaphore, #tpu.memory_space<semaphore_mem>>)
    %dma_wait3A_884 = arith.constant 192 : i32
    %dma_wait3A_885 = arith.constant 0 : i32
    %dma_wait3A_886 = tpu.memref_slice %arg10[%select_n3A, %add3A_803, %dma_wait3A_884, %dma_wait3A_885] : memref<8x16x196x768xf32, #tpu.memory_space<hbm>> -> memref<1x1x4x768xf32, #tpu.memory_space<hbm>>
    %dma_wait3A_887 = tpu.memref_squeeze %dma_wait3A_886 : memref<1x1x4x768xf32, #tpu.memory_space<hbm>> -> memref<4x768xf32, #tpu.memory_space<hbm>>
    %dma_wait3A_888 = arith.constant 192 : i32
    %dma_wait3A_889 = arith.constant 0 : i32
    %dma_wait3A_890 = tpu.memref_slice %arg10[%select_n3A, %add3A_803, %dma_wait3A_888, %dma_wait3A_889] : memref<8x16x196x768xf32, #tpu.memory_space<hbm>> -> memref<1x1x4x768xf32, #tpu.memory_space<hbm>>
    %dma_wait3A_891 = tpu.memref_squeeze %dma_wait3A_890 : memref<1x1x4x768xf32, #tpu.memory_space<hbm>> -> memref<4x768xf32, #tpu.memory_space<hbm>>
    tpu.wait_dma2 semaphore(%arg35 : memref<!tpu.dma_semaphore, #tpu.memory_space<semaphore_mem>>) src(%arg23 : memref<4x768xf32, #tpu.memory_space<vmem>>) dst(%dma_wait3A_891 : memref<4x768xf32, #tpu.memory_space<hbm>>)
    %dma_start3A_892 = arith.constant 3 : i32
    %dma_start3A_893 = arith.constant 0 : i32
    %dma_start3A_894 = tpu.memref_slice %arg17[%dma_start3A_892, %dma_start3A_893] : memref<4x4xi32, #tpu.memory_space<vmem>> -> memref<1x4xi32, #tpu.memory_space<vmem>>
    %dma_start3A_895 = tpu.memref_squeeze %dma_start3A_894 : memref<1x4xi32, #tpu.memory_space<vmem>> -> memref<4xi32, #tpu.memory_space<vmem>>
    %dma_start3A_896 = arith.constant 0 : i32
    %dma_start3A_897 = tpu.memref_slice %arg2[%multiple_of3A, %dma_start3A_896] : memref<25088x768xf32, #tpu.memory_space<hbm>> -> memref<784x768xf32, #tpu.memory_space<hbm>>
    %dma_start3A_898 = arith.constant 0 : i32
    %dma_start3A_899 = arith.constant 0 : i32
    %dma_start3A_900 = tpu.memref_slice %dma_start3A_897[%dma_start3A_898, %dma_start3A_899] : memref<784x768xf32, #tpu.memory_space<hbm>> -> memref<784x768xf32, #tpu.memory_space<hbm>>
    tpu.enqueue_indirect_dma source(%dma_start3A_900 : memref<784x768xf32, #tpu.memory_space<hbm>>) target(%arg23 : memref<4x768xf32, #tpu.memory_space<vmem>>) offsets(%dma_start3A_895 : memref<4xi32, #tpu.memory_space<vmem>>) semaphore(%arg29 : memref<!tpu.dma_semaphore, #tpu.memory_space<semaphore_mem>>)
    %dma_wait3A_901 = arith.constant 3 : i32
    %dma_wait3A_902 = arith.constant 0 : i32
    %dma_wait3A_903 = tpu.memref_slice %arg13[%dma_wait3A_901, %dma_wait3A_902] : memref<4x32xi32, #tpu.memory_space<vmem>> -> memref<1x32xi32, #tpu.memory_space<vmem>>
    %dma_wait3A_904 = tpu.memref_squeeze %dma_wait3A_903 : memref<1x32xi32, #tpu.memory_space<vmem>> -> memref<32xi32, #tpu.memory_space<vmem>>
    %dma_wait3A_905 = arith.constant 0 : i32
    %dma_wait3A_906 = tpu.memref_slice %arg2[%multiple_of3A, %dma_wait3A_905] : memref<25088x768xf32, #tpu.memory_space<hbm>> -> memref<784x768xf32, #tpu.memory_space<hbm>>
    %dma_wait3A_907 = arith.constant 0 : i32
    %dma_wait3A_908 = arith.constant 0 : i32
    %dma_wait3A_909 = tpu.memref_slice %dma_wait3A_906[%dma_wait3A_907, %dma_wait3A_908] : memref<784x768xf32, #tpu.memory_space<hbm>> -> memref<784x768xf32, #tpu.memory_space<hbm>>
    tpu.wait_indirect_dma semaphore(%arg27 : memref<!tpu.dma_semaphore, #tpu.memory_space<semaphore_mem>>) src(%dma_wait3A_909 : memref<784x768xf32, #tpu.memory_space<hbm>>) dst(%arg21 : memref<32x768xf32, #tpu.memory_space<vmem>>)
    %add3A_910 = arith.constant 3 : i32
    %add3A_911 = arith.addi %mul3A_32, %add3A_910 : i32
    %dma_start3A_912 = arith.constant 64 : i32
    %dma_start3A_913 = arith.constant 0 : i32
    %dma_start3A_914 = tpu.memref_slice %arg10[%select_n3A, %add3A_911, %dma_start3A_912, %dma_start3A_913] : memref<8x16x196x768xf32, #tpu.memory_space<hbm>> -> memref<1x1x32x768xf32, #tpu.memory_space<hbm>>
    %dma_start3A_915 = tpu.memref_squeeze %dma_start3A_914 : memref<1x1x32x768xf32, #tpu.memory_space<hbm>> -> memref<32x768xf32, #tpu.memory_space<hbm>>
    %dma_start3A_916 = arith.constant 64 : i32
    %dma_start3A_917 = arith.constant 0 : i32
    %dma_start3A_918 = tpu.memref_slice %arg10[%select_n3A, %add3A_911, %dma_start3A_916, %dma_start3A_917] : memref<8x16x196x768xf32, #tpu.memory_space<hbm>> -> memref<1x1x32x768xf32, #tpu.memory_space<hbm>>
    %dma_start3A_919 = tpu.memref_squeeze %dma_start3A_918 : memref<1x1x32x768xf32, #tpu.memory_space<hbm>> -> memref<32x768xf32, #tpu.memory_space<hbm>>
    tpu.enqueue_dma source(%arg21 : memref<32x768xf32, #tpu.memory_space<vmem>>) target(%dma_start3A_919 : memref<32x768xf32, #tpu.memory_space<hbm>>) target_semaphore(%arg33 : memref<!tpu.dma_semaphore, #tpu.memory_space<semaphore_mem>>)
    %dma_wait3A_920 = arith.constant 3 : i32
    %dma_wait3A_921 = arith.constant 0 : i32
    %dma_wait3A_922 = tpu.memref_slice %arg14[%dma_wait3A_920, %dma_wait3A_921] : memref<4x32xi32, #tpu.memory_space<vmem>> -> memref<1x32xi32, #tpu.memory_space<vmem>>
    %dma_wait3A_923 = tpu.memref_squeeze %dma_wait3A_922 : memref<1x32xi32, #tpu.memory_space<vmem>> -> memref<32xi32, #tpu.memory_space<vmem>>
    %dma_wait3A_924 = arith.constant 0 : i32
    %dma_wait3A_925 = tpu.memref_slice %arg2[%multiple_of3A, %dma_wait3A_924] : memref<25088x768xf32, #tpu.memory_space<hbm>> -> memref<784x768xf32, #tpu.memory_space<hbm>>
    %dma_wait3A_926 = arith.constant 0 : i32
    %dma_wait3A_927 = arith.constant 0 : i32
    %dma_wait3A_928 = tpu.memref_slice %dma_wait3A_925[%dma_wait3A_926, %dma_wait3A_927] : memref<784x768xf32, #tpu.memory_space<hbm>> -> memref<784x768xf32, #tpu.memory_space<hbm>>
    tpu.wait_indirect_dma semaphore(%arg28 : memref<!tpu.dma_semaphore, #tpu.memory_space<semaphore_mem>>) src(%dma_wait3A_928 : memref<784x768xf32, #tpu.memory_space<hbm>>) dst(%arg22 : memref<32x768xf32, #tpu.memory_space<vmem>>)
    %add3A_929 = arith.constant 3 : i32
    %add3A_930 = arith.addi %mul3A_32, %add3A_929 : i32
    %dma_start3A_931 = arith.constant 96 : i32
    %dma_start3A_932 = arith.constant 0 : i32
    %dma_start3A_933 = tpu.memref_slice %arg10[%select_n3A, %add3A_930, %dma_start3A_931, %dma_start3A_932] : memref<8x16x196x768xf32, #tpu.memory_space<hbm>> -> memref<1x1x32x768xf32, #tpu.memory_space<hbm>>
    %dma_start3A_934 = tpu.memref_squeeze %dma_start3A_933 : memref<1x1x32x768xf32, #tpu.memory_space<hbm>> -> memref<32x768xf32, #tpu.memory_space<hbm>>
    %dma_start3A_935 = arith.constant 96 : i32
    %dma_start3A_936 = arith.constant 0 : i32
    %dma_start3A_937 = tpu.memref_slice %arg10[%select_n3A, %add3A_930, %dma_start3A_935, %dma_start3A_936] : memref<8x16x196x768xf32, #tpu.memory_space<hbm>> -> memref<1x1x32x768xf32, #tpu.memory_space<hbm>>
    %dma_start3A_938 = tpu.memref_squeeze %dma_start3A_937 : memref<1x1x32x768xf32, #tpu.memory_space<hbm>> -> memref<32x768xf32, #tpu.memory_space<hbm>>
    tpu.enqueue_dma source(%arg22 : memref<32x768xf32, #tpu.memory_space<vmem>>) target(%dma_start3A_938 : memref<32x768xf32, #tpu.memory_space<hbm>>) target_semaphore(%arg34 : memref<!tpu.dma_semaphore, #tpu.memory_space<semaphore_mem>>)
    %dma_wait3A_939 = arith.constant 3 : i32
    %dma_wait3A_940 = arith.constant 0 : i32
    %dma_wait3A_941 = tpu.memref_slice %arg15[%dma_wait3A_939, %dma_wait3A_940] : memref<4x32xi32, #tpu.memory_space<vmem>> -> memref<1x32xi32, #tpu.memory_space<vmem>>
    %dma_wait3A_942 = tpu.memref_squeeze %dma_wait3A_941 : memref<1x32xi32, #tpu.memory_space<vmem>> -> memref<32xi32, #tpu.memory_space<vmem>>
    %dma_wait3A_943 = arith.constant 0 : i32
    %dma_wait3A_944 = tpu.memref_slice %arg2[%multiple_of3A, %dma_wait3A_943] : memref<25088x768xf32, #tpu.memory_space<hbm>> -> memref<784x768xf32, #tpu.memory_space<hbm>>
    %dma_wait3A_945 = arith.constant 0 : i32
    %dma_wait3A_946 = arith.constant 0 : i32
    %dma_wait3A_947 = tpu.memref_slice %dma_wait3A_944[%dma_wait3A_945, %dma_wait3A_946] : memref<784x768xf32, #tpu.memory_space<hbm>> -> memref<784x768xf32, #tpu.memory_space<hbm>>
    tpu.wait_indirect_dma semaphore(%arg24 : memref<!tpu.dma_semaphore, #tpu.memory_space<semaphore_mem>>) src(%dma_wait3A_947 : memref<784x768xf32, #tpu.memory_space<hbm>>) dst(%arg18 : memref<32x768xf32, #tpu.memory_space<vmem>>)
    %add3A_948 = arith.constant 3 : i32
    %add3A_949 = arith.addi %mul3A_32, %add3A_948 : i32
    %dma_start3A_950 = arith.constant 128 : i32
    %dma_start3A_951 = arith.constant 0 : i32
    %dma_start3A_952 = tpu.memref_slice %arg10[%select_n3A, %add3A_949, %dma_start3A_950, %dma_start3A_951] : memref<8x16x196x768xf32, #tpu.memory_space<hbm>> -> memref<1x1x32x768xf32, #tpu.memory_space<hbm>>
    %dma_start3A_953 = tpu.memref_squeeze %dma_start3A_952 : memref<1x1x32x768xf32, #tpu.memory_space<hbm>> -> memref<32x768xf32, #tpu.memory_space<hbm>>
    %dma_start3A_954 = arith.constant 128 : i32
    %dma_start3A_955 = arith.constant 0 : i32
    %dma_start3A_956 = tpu.memref_slice %arg10[%select_n3A, %add3A_949, %dma_start3A_954, %dma_start3A_955] : memref<8x16x196x768xf32, #tpu.memory_space<hbm>> -> memref<1x1x32x768xf32, #tpu.memory_space<hbm>>
    %dma_start3A_957 = tpu.memref_squeeze %dma_start3A_956 : memref<1x1x32x768xf32, #tpu.memory_space<hbm>> -> memref<32x768xf32, #tpu.memory_space<hbm>>
    tpu.enqueue_dma source(%arg18 : memref<32x768xf32, #tpu.memory_space<vmem>>) target(%dma_start3A_957 : memref<32x768xf32, #tpu.memory_space<hbm>>) target_semaphore(%arg30 : memref<!tpu.dma_semaphore, #tpu.memory_space<semaphore_mem>>)
    %dma_wait3A_958 = arith.constant 3 : i32
    %dma_wait3A_959 = arith.constant 0 : i32
    %dma_wait3A_960 = tpu.memref_slice %arg16[%dma_wait3A_958, %dma_wait3A_959] : memref<4x32xi32, #tpu.memory_space<vmem>> -> memref<1x32xi32, #tpu.memory_space<vmem>>
    %dma_wait3A_961 = tpu.memref_squeeze %dma_wait3A_960 : memref<1x32xi32, #tpu.memory_space<vmem>> -> memref<32xi32, #tpu.memory_space<vmem>>
    %dma_wait3A_962 = arith.constant 0 : i32
    %dma_wait3A_963 = tpu.memref_slice %arg2[%multiple_of3A, %dma_wait3A_962] : memref<25088x768xf32, #tpu.memory_space<hbm>> -> memref<784x768xf32, #tpu.memory_space<hbm>>
    %dma_wait3A_964 = arith.constant 0 : i32
    %dma_wait3A_965 = arith.constant 0 : i32
    %dma_wait3A_966 = tpu.memref_slice %dma_wait3A_963[%dma_wait3A_964, %dma_wait3A_965] : memref<784x768xf32, #tpu.memory_space<hbm>> -> memref<784x768xf32, #tpu.memory_space<hbm>>
    tpu.wait_indirect_dma semaphore(%arg25 : memref<!tpu.dma_semaphore, #tpu.memory_space<semaphore_mem>>) src(%dma_wait3A_966 : memref<784x768xf32, #tpu.memory_space<hbm>>) dst(%arg19 : memref<32x768xf32, #tpu.memory_space<vmem>>)
    %add3A_967 = arith.constant 3 : i32
    %add3A_968 = arith.addi %mul3A_32, %add3A_967 : i32
    %dma_start3A_969 = arith.constant 160 : i32
    %dma_start3A_970 = arith.constant 0 : i32
    %dma_start3A_971 = tpu.memref_slice %arg10[%select_n3A, %add3A_968, %dma_start3A_969, %dma_start3A_970] : memref<8x16x196x768xf32, #tpu.memory_space<hbm>> -> memref<1x1x32x768xf32, #tpu.memory_space<hbm>>
    %dma_start3A_972 = tpu.memref_squeeze %dma_start3A_971 : memref<1x1x32x768xf32, #tpu.memory_space<hbm>> -> memref<32x768xf32, #tpu.memory_space<hbm>>
    %dma_start3A_973 = arith.constant 160 : i32
    %dma_start3A_974 = arith.constant 0 : i32
    %dma_start3A_975 = tpu.memref_slice %arg10[%select_n3A, %add3A_968, %dma_start3A_973, %dma_start3A_974] : memref<8x16x196x768xf32, #tpu.memory_space<hbm>> -> memref<1x1x32x768xf32, #tpu.memory_space<hbm>>
    %dma_start3A_976 = tpu.memref_squeeze %dma_start3A_975 : memref<1x1x32x768xf32, #tpu.memory_space<hbm>> -> memref<32x768xf32, #tpu.memory_space<hbm>>
    tpu.enqueue_dma source(%arg19 : memref<32x768xf32, #tpu.memory_space<vmem>>) target(%dma_start3A_976 : memref<32x768xf32, #tpu.memory_space<hbm>>) target_semaphore(%arg31 : memref<!tpu.dma_semaphore, #tpu.memory_space<semaphore_mem>>)
    %dma_wait3A_977 = arith.constant 3 : i32
    %dma_wait3A_978 = arith.constant 0 : i32
    %dma_wait3A_979 = tpu.memref_slice %arg17[%dma_wait3A_977, %dma_wait3A_978] : memref<4x4xi32, #tpu.memory_space<vmem>> -> memref<1x4xi32, #tpu.memory_space<vmem>>
    %dma_wait3A_980 = tpu.memref_squeeze %dma_wait3A_979 : memref<1x4xi32, #tpu.memory_space<vmem>> -> memref<4xi32, #tpu.memory_space<vmem>>
    %dma_wait3A_981 = arith.constant 0 : i32
    %dma_wait3A_982 = tpu.memref_slice %arg2[%multiple_of3A, %dma_wait3A_981] : memref<25088x768xf32, #tpu.memory_space<hbm>> -> memref<784x768xf32, #tpu.memory_space<hbm>>
    %dma_wait3A_983 = arith.constant 0 : i32
    %dma_wait3A_984 = arith.constant 0 : i32
    %dma_wait3A_985 = tpu.memref_slice %dma_wait3A_982[%dma_wait3A_983, %dma_wait3A_984] : memref<784x768xf32, #tpu.memory_space<hbm>> -> memref<784x768xf32, #tpu.memory_space<hbm>>
    tpu.wait_indirect_dma semaphore(%arg29 : memref<!tpu.dma_semaphore, #tpu.memory_space<semaphore_mem>>) src(%dma_wait3A_985 : memref<784x768xf32, #tpu.memory_space<hbm>>) dst(%arg23 : memref<4x768xf32, #tpu.memory_space<vmem>>)
    %add3A_986 = arith.constant 3 : i32
    %add3A_987 = arith.addi %mul3A_32, %add3A_986 : i32
    %dma_start3A_988 = arith.constant 192 : i32
    %dma_start3A_989 = arith.constant 0 : i32
    %dma_start3A_990 = tpu.memref_slice %arg10[%select_n3A, %add3A_987, %dma_start3A_988, %dma_start3A_989] : memref<8x16x196x768xf32, #tpu.memory_space<hbm>> -> memref<1x1x4x768xf32, #tpu.memory_space<hbm>>
    %dma_start3A_991 = tpu.memref_squeeze %dma_start3A_990 : memref<1x1x4x768xf32, #tpu.memory_space<hbm>> -> memref<4x768xf32, #tpu.memory_space<hbm>>
    %dma_start3A_992 = arith.constant 192 : i32
    %dma_start3A_993 = arith.constant 0 : i32
    %dma_start3A_994 = tpu.memref_slice %arg10[%select_n3A, %add3A_987, %dma_start3A_992, %dma_start3A_993] : memref<8x16x196x768xf32, #tpu.memory_space<hbm>> -> memref<1x1x4x768xf32, #tpu.memory_space<hbm>>
    %dma_start3A_995 = tpu.memref_squeeze %dma_start3A_994 : memref<1x1x4x768xf32, #tpu.memory_space<hbm>> -> memref<4x768xf32, #tpu.memory_space<hbm>>
    tpu.enqueue_dma source(%arg23 : memref<4x768xf32, #tpu.memory_space<vmem>>) target(%dma_start3A_995 : memref<4x768xf32, #tpu.memory_space<hbm>>) target_semaphore(%arg35 : memref<!tpu.dma_semaphore, #tpu.memory_space<semaphore_mem>>)
    %dma_wait3A_996 = arith.constant 32 : i32
    %dma_wait3A_997 = arith.constant 0 : i32
    %dma_wait3A_998 = tpu.memref_slice %arg10[%select_n3A, %add3A_875, %dma_wait3A_996, %dma_wait3A_997] : memref<8x16x196x768xf32, #tpu.memory_space<hbm>> -> memref<1x1x32x768xf32, #tpu.memory_space<hbm>>
    %dma_wait3A_999 = tpu.memref_squeeze %dma_wait3A_998 : memref<1x1x32x768xf32, #tpu.memory_space<hbm>> -> memref<32x768xf32, #tpu.memory_space<hbm>>
    %dma_wait3A_1000 = arith.constant 32 : i32
    %dma_wait3A_1001 = arith.constant 0 : i32
    %dma_wait3A_1002 = tpu.memref_slice %arg10[%select_n3A, %add3A_875, %dma_wait3A_1000, %dma_wait3A_1001] : memref<8x16x196x768xf32, #tpu.memory_space<hbm>> -> memref<1x1x32x768xf32, #tpu.memory_space<hbm>>
    %dma_wait3A_1003 = tpu.memref_squeeze %dma_wait3A_1002 : memref<1x1x32x768xf32, #tpu.memory_space<hbm>> -> memref<32x768xf32, #tpu.memory_space<hbm>>
    tpu.wait_dma2 semaphore(%arg32 : memref<!tpu.dma_semaphore, #tpu.memory_space<semaphore_mem>>) src(%arg20 : memref<32x768xf32, #tpu.memory_space<vmem>>) dst(%dma_wait3A_1003 : memref<32x768xf32, #tpu.memory_space<hbm>>)
    %dma_wait3A_1004 = arith.constant 64 : i32
    %dma_wait3A_1005 = arith.constant 0 : i32
    %dma_wait3A_1006 = tpu.memref_slice %arg10[%select_n3A, %add3A_911, %dma_wait3A_1004, %dma_wait3A_1005] : memref<8x16x196x768xf32, #tpu.memory_space<hbm>> -> memref<1x1x32x768xf32, #tpu.memory_space<hbm>>
    %dma_wait3A_1007 = tpu.memref_squeeze %dma_wait3A_1006 : memref<1x1x32x768xf32, #tpu.memory_space<hbm>> -> memref<32x768xf32, #tpu.memory_space<hbm>>
    %dma_wait3A_1008 = arith.constant 64 : i32
    %dma_wait3A_1009 = arith.constant 0 : i32
    %dma_wait3A_1010 = tpu.memref_slice %arg10[%select_n3A, %add3A_911, %dma_wait3A_1008, %dma_wait3A_1009] : memref<8x16x196x768xf32, #tpu.memory_space<hbm>> -> memref<1x1x32x768xf32, #tpu.memory_space<hbm>>
    %dma_wait3A_1011 = tpu.memref_squeeze %dma_wait3A_1010 : memref<1x1x32x768xf32, #tpu.memory_space<hbm>> -> memref<32x768xf32, #tpu.memory_space<hbm>>
    tpu.wait_dma2 semaphore(%arg33 : memref<!tpu.dma_semaphore, #tpu.memory_space<semaphore_mem>>) src(%arg21 : memref<32x768xf32, #tpu.memory_space<vmem>>) dst(%dma_wait3A_1011 : memref<32x768xf32, #tpu.memory_space<hbm>>)
    %dma_wait3A_1012 = arith.constant 96 : i32
    %dma_wait3A_1013 = arith.constant 0 : i32
    %dma_wait3A_1014 = tpu.memref_slice %arg10[%select_n3A, %add3A_930, %dma_wait3A_1012, %dma_wait3A_1013] : memref<8x16x196x768xf32, #tpu.memory_space<hbm>> -> memref<1x1x32x768xf32, #tpu.memory_space<hbm>>
    %dma_wait3A_1015 = tpu.memref_squeeze %dma_wait3A_1014 : memref<1x1x32x768xf32, #tpu.memory_space<hbm>> -> memref<32x768xf32, #tpu.memory_space<hbm>>
    %dma_wait3A_1016 = arith.constant 96 : i32
    %dma_wait3A_1017 = arith.constant 0 : i32
    %dma_wait3A_1018 = tpu.memref_slice %arg10[%select_n3A, %add3A_930, %dma_wait3A_1016, %dma_wait3A_1017] : memref<8x16x196x768xf32, #tpu.memory_space<hbm>> -> memref<1x1x32x768xf32, #tpu.memory_space<hbm>>
    %dma_wait3A_1019 = tpu.memref_squeeze %dma_wait3A_1018 : memref<1x1x32x768xf32, #tpu.memory_space<hbm>> -> memref<32x768xf32, #tpu.memory_space<hbm>>
    tpu.wait_dma2 semaphore(%arg34 : memref<!tpu.dma_semaphore, #tpu.memory_space<semaphore_mem>>) src(%arg22 : memref<32x768xf32, #tpu.memory_space<vmem>>) dst(%dma_wait3A_1019 : memref<32x768xf32, #tpu.memory_space<hbm>>)
    %dma_wait3A_1020 = arith.constant 128 : i32
    %dma_wait3A_1021 = arith.constant 0 : i32
    %dma_wait3A_1022 = tpu.memref_slice %arg10[%select_n3A, %add3A_949, %dma_wait3A_1020, %dma_wait3A_1021] : memref<8x16x196x768xf32, #tpu.memory_space<hbm>> -> memref<1x1x32x768xf32, #tpu.memory_space<hbm>>
    %dma_wait3A_1023 = tpu.memref_squeeze %dma_wait3A_1022 : memref<1x1x32x768xf32, #tpu.memory_space<hbm>> -> memref<32x768xf32, #tpu.memory_space<hbm>>
    %dma_wait3A_1024 = arith.constant 128 : i32
    %dma_wait3A_1025 = arith.constant 0 : i32
    %dma_wait3A_1026 = tpu.memref_slice %arg10[%select_n3A, %add3A_949, %dma_wait3A_1024, %dma_wait3A_1025] : memref<8x16x196x768xf32, #tpu.memory_space<hbm>> -> memref<1x1x32x768xf32, #tpu.memory_space<hbm>>
    %dma_wait3A_1027 = tpu.memref_squeeze %dma_wait3A_1026 : memref<1x1x32x768xf32, #tpu.memory_space<hbm>> -> memref<32x768xf32, #tpu.memory_space<hbm>>
    tpu.wait_dma2 semaphore(%arg30 : memref<!tpu.dma_semaphore, #tpu.memory_space<semaphore_mem>>) src(%arg18 : memref<32x768xf32, #tpu.memory_space<vmem>>) dst(%dma_wait3A_1027 : memref<32x768xf32, #tpu.memory_space<hbm>>)
    %dma_wait3A_1028 = arith.constant 160 : i32
    %dma_wait3A_1029 = arith.constant 0 : i32
    %dma_wait3A_1030 = tpu.memref_slice %arg10[%select_n3A, %add3A_968, %dma_wait3A_1028, %dma_wait3A_1029] : memref<8x16x196x768xf32, #tpu.memory_space<hbm>> -> memref<1x1x32x768xf32, #tpu.memory_space<hbm>>
    %dma_wait3A_1031 = tpu.memref_squeeze %dma_wait3A_1030 : memref<1x1x32x768xf32, #tpu.memory_space<hbm>> -> memref<32x768xf32, #tpu.memory_space<hbm>>
    %dma_wait3A_1032 = arith.constant 160 : i32
    %dma_wait3A_1033 = arith.constant 0 : i32
    %dma_wait3A_1034 = tpu.memref_slice %arg10[%select_n3A, %add3A_968, %dma_wait3A_1032, %dma_wait3A_1033] : memref<8x16x196x768xf32, #tpu.memory_space<hbm>> -> memref<1x1x32x768xf32, #tpu.memory_space<hbm>>
    %dma_wait3A_1035 = tpu.memref_squeeze %dma_wait3A_1034 : memref<1x1x32x768xf32, #tpu.memory_space<hbm>> -> memref<32x768xf32, #tpu.memory_space<hbm>>
    tpu.wait_dma2 semaphore(%arg31 : memref<!tpu.dma_semaphore, #tpu.memory_space<semaphore_mem>>) src(%arg19 : memref<32x768xf32, #tpu.memory_space<vmem>>) dst(%dma_wait3A_1035 : memref<32x768xf32, #tpu.memory_space<hbm>>)
    %dma_wait3A_1036 = arith.constant 192 : i32
    %dma_wait3A_1037 = arith.constant 0 : i32
    %dma_wait3A_1038 = tpu.memref_slice %arg10[%select_n3A, %add3A_987, %dma_wait3A_1036, %dma_wait3A_1037] : memref<8x16x196x768xf32, #tpu.memory_space<hbm>> -> memref<1x1x4x768xf32, #tpu.memory_space<hbm>>
    %dma_wait3A_1039 = tpu.memref_squeeze %dma_wait3A_1038 : memref<1x1x4x768xf32, #tpu.memory_space<hbm>> -> memref<4x768xf32, #tpu.memory_space<hbm>>
    %dma_wait3A_1040 = arith.constant 192 : i32
    %dma_wait3A_1041 = arith.constant 0 : i32
    %dma_wait3A_1042 = tpu.memref_slice %arg10[%select_n3A, %add3A_987, %dma_wait3A_1040, %dma_wait3A_1041] : memref<8x16x196x768xf32, #tpu.memory_space<hbm>> -> memref<1x1x4x768xf32, #tpu.memory_space<hbm>>
    %dma_wait3A_1043 = tpu.memref_squeeze %dma_wait3A_1042 : memref<1x1x4x768xf32, #tpu.memory_space<hbm>> -> memref<4x768xf32, #tpu.memory_space<hbm>>
    tpu.wait_dma2 semaphore(%arg35 : memref<!tpu.dma_semaphore, #tpu.memory_space<semaphore_mem>>) src(%arg23 : memref<4x768xf32, #tpu.memory_space<vmem>>) dst(%dma_wait3A_1043 : memref<4x768xf32, #tpu.memory_space<hbm>>)
    return
  }
}

</mosaic_0001>

<sc_bundles>
// kernel: kernel.3.cloned.1.call-start
scs
__scs_entry_jumppad:
0x0: {  	(pc) =	sbr.rel $0x88, $3  }
0x1: {  	(tag) =	ssettag $0x0;
	lr =	simm.s32 $0x1  }
0x2: {  	[smem:$0x3FA0] =	sst lr;
	_ =	strace $0xD0000000  }
0x3: {  	_ = 	snop  }
0x4: {  	_ = 	snop  }
0x5: {  	_ = 	snop  }
0x6: {  	_ = 	snop  }
0x7: {  	_ = 	snop  }
__scs_overlays_trampoline_lowered:
0x8: {  	[smem:$0x3FAF] =	sst s0  }
0x9: {  	[smem:$0x3FB0] =	sst s1  }
0xa: {  	[smem:$0x3FB1] =	sst s2  }
0xb: {  	[smem:$0x3FB2] =	sst s3  }
0xc: {  	[smem:$0x3FB3] =	sst s4  }
0xd: {  	[smem:$0x3FB4] =	sst s5  }
0xe: {  	[smem:$0x3FB5] =	sst s6  }
0xf: {  	[smem:$0x3FB6] =	sst s7  }
0x10: {  	[smem:$0x3FB7] =	sst s8  }
0x11: {  	[smem:$0x3FB8] =	sst s9;
	s0 =	simm.s32 @!p0 $0x0  }
0x12: {  	s1 =	sld [smem:$0x3F9E];
	s0 =	simm.s32 @p0 $0x1  }
0x13: {  	[smem:$0x3FB9] =	sst s0;
	s0 =	simm.s32 @!p1 $0x0  }
0x14: {  	s2 =	sld [smem:$0x3F9D];
	s0 =	simm.s32 @p1 $0x1  }
0x15: {  	[smem:$0x3FBA] =	sst s0;
	s0 =	simm.s32 @!p2 $0x0  }
0x16: {  	s3 =	sld [smem:$0x3FDB];
	s0 =	simm.s32 @p2 $0x1  }
0x17: {  	s4 =	simm.s32 $0x1BF5;
	[smem:$0x3FBC] =	sst s0  }
0x18: {  	s0 =	sld [smem:$0x3F9F];
	_ =	swait.ge [sflag:s4], $0x0  }
0x19: {  	s7 =	sld [smem:$0x3FA0]  }
0x1a: {  	s8 =	sadd.s32 $0xFFFFE003, lr  }
0x1b: {  	s9 =	sadd.s32 $0xFFFFFEF7, lr;
	s5 =	simm.s32 $0xFFFFFFFF;
	p2 =	slt.u32 s8, $0xFFFFF086  }
0x1c: {  	p1 =	slt.u32 s9, $0xF7A;
	s5 =	simm.s32 @!p2 $0x0  }
0x1d: {  	s5 =	simm.s32 @p1 $0x1;
	p0 =	seq.s32 s7, s2  }
0x1e: {  	s7 =	smul.u32 @!p0 $0xF7A, s2;
	p2 =	seq.s32 @!p0 s5, $0x0  }
0x1f: {  	s9 =	smul.u32 $0xF7A, s1;
	s8 =	simm.s32 @!p0 $0x1BF5;
	p2 =	por !p2, p0  }
0x20: {  	[sflag:s8] =	ssyncset.s32 @!p0 $0xFFFFF086;
	s6 =	sadd.s32 @!p0 s3, s7;
	s7 =	simm.s32 @!p0 $0x108  }
0x21: {  	s3 =	sadd.s32 s3, s9;
	s6 =	sadd.s32 @!p0 $0x88, s6;
	s7 =	simm.s32 @p2 $0x1082  }
0x22: {  	[simem:s7], [sflag:s8] =	dma.local @!p0 [hbm:s6], $0xF7A  }
0x23: {  	s9 =	sor.u32 $0xD0000000, s2;
	s6 =	simm.s32 $0x108;
	_ =	swait.ge @!p0 [sflag:s8], $0x0  }
0x24: {  	s3 =	sadd.s32 $0x88, s3;
	s6 =	simm.s32 @!p1 $0x1082;
	[sflag:s4] =	ssyncset.s32 $0xFFFFF086  }
0x25: {  	[simem:s6], [sflag:s4] =	dma.local [hbm:s3], $0xF7A  }
0x26: {  	[smem:$0x3FA0] =	sst s1;
	(tag) =	ssettag s2;
	_ =	strace s9  }
0x27: {  	s1 =	sld [smem:$0x3FB0]  }
0x28: {  	s2 =	sld [smem:$0x3FB1]  }
0x29: {  	s4 =	sld [smem:$0x3FB3]  }
0x2a: {  	p0 =	seq.s32 s5, $0x0;
	s5 =	sld [smem:$0x3FB4]  }
0x2b: {  	s6 =	sld [smem:$0x3FB5]  }
0x2c: {  	s7 =	sld [smem:$0x3FB6]  }
0x2d: {  	s3 =	simm.s32 $0x108;
	s8 =	sld [smem:$0x3FB7]  }
0x2e: {  	s3 =	simm.s32 @!p0 $0x1082;
	s9 =	sld [smem:$0x3FB8]  }
0x2f: {  	lr =	sadd.s32 s0, s3;
	s0 =	sld [smem:$0x3FAF]  }
0x30: {  	s3 =	sld [smem:$0x3FB2]  }
0x31: {  	[smem:$0x3FBB] =	sst s10  }
0x32: {  	s10 =	sld [smem:$0x3FB9];
	_ =	sdelay $0x3  }
0x33: {  	p0 =	seq.s32 s10, $0x1;
	s10 =	sld [smem:$0x3FBB];
	_ =	sdelay $0x3  }
0x34: {  	[smem:$0x3FBB] =	sst s10  }
0x35: {  	s10 =	sld [smem:$0x3FBA];
	_ =	sdelay $0x3  }
0x36: {  	p1 =	seq.s32 s10, $0x1;
	s10 =	sld [smem:$0x3FBB];
	_ =	sdelay $0x3  }
0x37: {  	[smem:$0x3FBB] =	sst s10  }
0x38: {  	s10 =	sld [smem:$0x3FBC]  }
0x39: {  	_ = 	snop;
	(pc) =	sbr.ind lr, $3  }
0x3a: {  	_ = 	snop  }
0x3b: {  	_ = 	snop  }
0x3c: {  	p2 =	seq.s32 s10, $0x1;
	s10 =	sld [smem:$0x3FBB]  }
0x3d: {  	_ =	shalt  }
0x3e: {  	_ =	shalt  }
0x3f: {  	_ =	shalt  }
0x40: {  	_ =	shalt  }
0x41: {  	_ =	shalt  }
0x42: {  	_ =	shalt  }
0x43: {  	_ =	shalt  }
0x44: {  	_ =	shalt  }
0x45: {  	_ =	shalt  }
0x46: {  	_ =	shalt  }
0x47: {  	_ =	shalt  }
0x48: {  	_ =	shalt  }
0x49: {  	_ =	shalt  }
0x4a: {  	_ =	shalt  }
0x4b: {  	_ =	shalt  }
0x4c: {  	_ =	shalt  }
0x4d: {  	_ =	shalt  }
0x4e: {  	_ =	shalt  }
0x4f: {  	_ =	shalt  }
0x50: {  	_ =	shalt  }
0x51: {  	_ =	shalt  }
0x52: {  	_ =	shalt  }
0x53: {  	_ =	shalt  }
0x54: {  	_ =	shalt  }
0x55: {  	_ =	shalt  }
0x56: {  	_ =	shalt  }
0x57: {  	_ =	shalt  }
0x58: {  	_ =	shalt  }
0x59: {  	_ =	shalt  }
0x5a: {  	_ =	shalt  }
0x5b: {  	_ =	shalt  }
0x5c: {  	_ =	shalt  }
0x5d: {  	_ =	shalt  }
0x5e: {  	_ =	shalt  }
0x5f: {  	_ =	shalt  }
0x60: {  	_ =	shalt  }
0x61: {  	_ =	shalt  }
0x62: {  	_ =	shalt  }
0x63: {  	_ =	shalt  }
0x64: {  	_ =	shalt  }
0x65: {  	_ =	shalt  }
0x66: {  	_ =	shalt  }
0x67: {  	_ =	shalt  }
0x68: {  	_ =	shalt  }
0x69: {  	_ =	shalt  }
0x6a: {  	_ =	shalt  }
0x6b: {  	_ =	shalt  }
0x6c: {  	_ =	shalt  }
0x6d: {  	_ =	shalt  }
0x6e: {  	_ =	shalt  }
0x6f: {  	_ =	shalt  }
0x70: {  	_ =	shalt  }
0x71: {  	_ =	shalt  }
0x72: {  	_ =	shalt  }
0x73: {  	_ =	shalt  }
0x74: {  	_ =	shalt  }
0x75: {  	_ =	shalt  }
0x76: {  	_ =	shalt  }
0x77: {  	_ =	shalt  }
0x78: {  	_ =	shalt  }
0x79: {  	_ =	shalt  }
0x7a: {  	_ =	shalt  }
0x7b: {  	_ =	shalt  }
0x7c: {  	_ =	shalt  }
0x7d: {  	_ =	shalt  }
0x7e: {  	_ =	shalt  }
0x7f: {  	_ =	shalt  }
0x80: {  	_ =	shalt  }
0x81: {  	_ =	shalt  }
0x82: {  	_ =	shalt  }
0x83: {  	_ =	shalt  }
0x84: {  	_ =	shalt  }
0x85: {  	_ =	shalt  }
0x86: {  	_ =	shalt  }
0x87: {  	_ =	shalt  }
.Lfunc_end0:
.L_simem_size_0:
called_computation_lowered:
.L_overlay_start_0:
0x88: {  	s2 =	sld [smem:$0x3FD9]  }
0x89: {  	s3 =	sld [smem:$0x3FFE];
	_ =	sdelay $0x1  }
0x8a: {  	s1 =	srdreg.scid  }
0x8b: {  	s0 =	sand.u32 $0x1, s1  }
0x8c: {  	s17 =	sshll.u32 s0, $0xA;
	s2 =	sadd.s32 s3, s2  }
0x8d: {  	s2 =	sadd.s32 s2, s17  }
0x8e: {  	[smem:$0x3FC7] =	sst s2  }
0x8f: {  	_ = 	snop  }
0x90: {  	s2 =	sld [smem:$0x3FD0];
	(tm) =	ssettm $0x1  }
0x91: {  	s18 =	sld [smem:$0x3FFB];
	_ =	sdelay $0x3  }
0x92: {  	_ =	strace s18  }
0x93: {  	s3 =	sld [smem:$0x3FFC];
	_ =	sdelay $0x3  }
0x94: {  	_ =	strace s3  }
0x95: {  	s3 =	sld [smem:$0x3FFD];
	_ =	sdelay $0x3  }
0x96: {  	_ =	strace s3  }
0x97: {  	_ =	strace $0x8FFFFFFF  }
0x98: {  	s19 =	sld [smem:$0x3FDB];
	_ =	sdelay $0x1  }
0x99: {  	s4 =	simm.s32 $_scs_section_size  }
0x9a: {  	s5 =	simm.s32 $_size__tile_overlayer_lowered;
	s6 =	simm.s32 $_tile_overlayer_lowered  }
0x9b: {  	s22 =	simm.s32 $0x1BFF;
	s21 =	sshll.u32 s6, $0x1;
	s3 =	sadd.s32 s4, s19  }
0x9c: {  	s7 =	simm.s32 $0x0;
	s20 =	sshll.u32 s5, $0x1;
	s5 =	sadd.s32 s21, s3  }
0x9d: {  	[timem:s7], [sflag:s22] =	dma.local [hbm:s5], s20  }
0x9e: {  	_ =	swait.ge [sflag:s22], s20  }
0x9f: {  	s4 =	ssub.s32 $0x0, s20;
	[sflag:s22] =	ssyncset.done $0x0  }
0xa0: {  	[sflag:s22] =	ssyncadd.s32 s4;
	_ =	sdelay $0x1  }
0xa1: {  	s23 =	simm.s32 $0x1B8B  }
0xa2: {  	_ =	swait.ge [sflag:s23], $0x1  }
0xa3: {  	[sflag:s23] =	ssyncset.done $0x0  }
0xa4: {  	s25 =	simm.s32 $0x1B8E;
	s24 =	sld [smem:$0x3FFE];
	[sflag:s23] =	ssyncadd.s32 $0xFFFFFFFF  }
0xa5: {  	s26 =	simm.s32 $execute0_lowered;
	[smem:$0x3FD2] =	sst s25  }
0xa6: {  	s5 =	sshll.u32 s26, $0x1;
	_ =	strace $0x80000046;
	[dreg:$0x1] =	wrdreg $0xFFFFFFFF  }
0xa7: {  	s28 =	simm.s32 $_size_execute0_lowered;
	s3 =	sadd.s32 s3, s5;
	[dreg:$0x0] =	wrdreg $0x0  }
0xa8: {  	s5 =	sshll.u32 s28, $0x1;
	[dreg:$0x2] =	wrdreg s3  }
0xa9: {  	[dreg:$0x3] =	wrdreg s5  }
0xaa: {  	[dreg:$0x4] =	wrdreg $0xC0  }
0xab: {  	_ =	task [dreg:s7], $0x5FFFF  }
0xac: {  	[dreg:$0x1] =	wrdreg $0xFFFFFFFF  }
0xad: {  	[dreg:$0x0] =	wrdreg $0x60  }
0xae: {  	[dreg:$0x2] =	wrdreg s2  }
0xaf: {  	[dreg:$0x3] =	wrdreg s24  }
0xb0: {  	[dreg:$0x4] =	wrdreg $0x9  }
0xb1: {  	_ =	task.clear_ibuf [dreg:s7], $0x5FFFF;
	_ =	strace $0x90000046  }
0xb2: {  	s29 =	simm.s32 $0x9;
	_ =	strace $0x80000048  }
0xb3: {  	_ =	swait.ge [sflag:s29], $0x1  }
0xb4: {  	[sflag:s29] =	ssyncadd.s32 $0xFFFFFFFF  }
0xb5: {  	_ =	strace $0x90000048  }
0xb6: {  	_ =	sfence  }
0xb7: {  	s30 =	sld [smem:$0x0];
	_ =	sdelay $0x2  }
0xb8: {  	s31 =	sshll.u32 s1, $0xD;
	s1 =	sshrl.u32 s1, $0x2  }
0xb9: {  	s3 =	sand.u32 $0x4000, s31;
	s1 =	sadd.s32 s1, s30  }
0xba: {  	s0 =	sor.u32 s3, s0;
	s1 =	sshll.u32 s1, $0x11  }
0xbb: {  	s0 =	sor.u32 s1, s0  }
0xbc: {  	s0 =	sadd.s32 $0x8F2B, s0  }
0xbd: {  	[sflag:s0] =	ssyncadd.remote.s32 $0x1  }
0xbe: {  	_ =	sfence.sel $0xFFFF  }
0xbf: {  	[dreg:$0x0] =	wrdreg $0xFFFFFFFF;
	(pc) =	sbr.abs _section_cstart, $3  }
0xc0: {  	[dreg:$0x1] =	wrdreg $0xFFFFFFFF  }
0xc1: {  	_ =	task.clear_ibuf [dreg:s7], $0x2FFFF;
	_ =	strace $0x9FFFFFFF  }
0xc2: {  	(tm) =	ssettm $0x7FFFFFFF  }
0xc3: {  	_ =	shalt  }
tec
execute0_lowered:
.L_overlay_start_1:
0x0: {  	(tag) =	ssettag $0x1  }
0x1: {  	s0 =	rddreg [dreg:$0x0]  }
0x2: {  	s1 =	rddreg [dreg:$0x1];
	s2 =	simm.s32 $0x0;
	s6 =	stileid.u32  }
0x3: {  	s16 =	srdreg.scid;
	[smem:$0x7FF] =	sst s2;
	s3 =	sadd.s32 $0x1E00, s1  }
0x4: {  	s4 =	sshll.u32 s6, $0x1;
	s5 =	sand.u32 $0x1, s16;
	_ =	strace $0x80000047  }
0x5: {  	[dreg:$0x3] =	wrdreg s3;
	s3 =	sshrl.u32 s6, $0x1;
	s4 =	sand.u32 $0x2, s4  }
0x6: {  	s17 =	sadd.s32 $0x1C00, s1;
	s4 =	sor.u32 s5, s4;
	s7 =	smul.u32 $0x258000, s3  }
0x7: {  	s18 =	sadd.s32 $0x1A00, s1;
	[dreg:$0x4] =	wrdreg s17;
	s8 =	smul.u32 $0x96000, s4  }
0x8: {  	s19 =	sadd.s32 $0x1800, s1;
	[dreg:$0x5] =	wrdreg s18  }
0x9: {  	s20 =	sadd.s32 $0x1600, s1;
	[dreg:$0x6] =	wrdreg s19;
	s7 =	sadd.s32 s7, s8  }
0xa: {  	s21 =	sadd.s32 $0x1400, s1;
	[dreg:$0x7] =	wrdreg s20;
	s7 =	sshrl.u32 s7, $0x3  }
0xb: {  	s22 =	sadd.s32 $0x1200, s1;
	[dreg:$0x8] =	wrdreg s21;
	s1 =	sadd.s32 s7, s1  }
0xc: {  	[dreg:$0x9] =	wrdreg s22;
	s23 =	sadd.s32 $0x2000, s1  }
0xd: {  	s24 =	sadd.s32 $0x2C00, s1;
	[dreg:$0xa] =	wrdreg s23  }
0xe: {  	s25 =	sadd.s32 $0x3800, s1;
	[dreg:$0xb] =	wrdreg s24  }
0xf: {  	s26 =	sadd.s32 $0x4400, s1;
	[dreg:$0xc] =	wrdreg s25  }
0x10: {  	s28 =	sadd.s32 $0x5000, s1;
	[dreg:$0xd] =	wrdreg s26  }
0x11: {  	s29 =	sadd.s32 $0x5C00, s1;
	[dreg:$0xe] =	wrdreg s28  }
0x12: {  	s30 =	sadd.s32 $0x6800, s1;
	[dreg:$0xf] =	wrdreg s29  }
0x13: {  	s31 =	sadd.s32 $0x6B00, s1;
	[dreg:$0x10] =	wrdreg s30  }
0x14: {  	s7 =	sadd.s32 $0x7700, s1;
	[dreg:$0x11] =	wrdreg s31  }
0x15: {  	s8 =	sadd.s32 $0x8300, s1;
	[dreg:$0x12] =	wrdreg s7  }
0x16: {  	s9 =	sadd.s32 $0x8F00, s1;
	[dreg:$0x13] =	wrdreg s8  }
0x17: {  	s10 =	sadd.s32 $0x9B00, s1;
	[dreg:$0x14] =	wrdreg s9  }
0x18: {  	s11 =	sadd.s32 $0xA700, s1;
	[dreg:$0x15] =	wrdreg s10  }
0x19: {  	s12 =	sadd.s32 $0xB300, s1;
	[dreg:$0x16] =	wrdreg s11  }
0x1a: {  	s13 =	sadd.s32 $0xB600, s1;
	[dreg:$0x17] =	wrdreg s12  }
0x1b: {  	s14 =	sadd.s32 $0xC200, s1;
	[dreg:$0x18] =	wrdreg s13  }
0x1c: {  	s15 =	sadd.s32 $0xCE00, s1;
	[dreg:$0x19] =	wrdreg s14  }
0x1d: {  	s16 =	sadd.s32 $0xDA00, s1;
	[dreg:$0x1a] =	wrdreg s15  }
0x1e: {  	s17 =	sadd.s32 $0xE600, s1;
	[dreg:$0x1b] =	wrdreg s16  }
0x1f: {  	s18 =	sadd.s32 $0xF200, s1;
	[dreg:$0x1c] =	wrdreg s17  }
0x20: {  	s3 =	sshll.u32 s3, $0x4;
	s19 =	sadd.s32 $0xFE00, s1;
	[dreg:$0x1d] =	wrdreg s18  }
0x21: {  	s4 =	sshll.u32 s4, $0x2;
	s20 =	sadd.s32 $0x10100, s1;
	[dreg:$0x1e] =	wrdreg s19  }
0x22: {  	s3 =	sor.u32 s3, s4;
	s21 =	sadd.s32 $0x10D00, s1;
	[dreg:$0x1f] =	wrdreg s20  }
0x23: {  	s3 =	smul.u32 $0xC4, s3;
	s22 =	sadd.s32 $0x11900, s1;
	[smem:$0x7F4] =	sst s21  }
0x24: {  	s5 =	ssub.s32 $0x2, s5;
	[smem:$0x7F5] =	sst s22;
	s24 =	sadd.s32 $0x12500, s1  }
0x25: {  	s3 =	sshrl.u32 s3, $0x3;
	s25 =	sadd.s32 $0x13100, s1;
	[smem:$0x7F6] =	sst s24  }
0x26: {  	s3 =	smul.u32 $0x300, s3;
	s26 =	sadd.s32 $0x13D00, s1;
	[smem:$0x7F7] =	sst s25  }
0x27: {  	s23 =	sshrl.u32 s5, $0x1;
	s1 =	sadd.s32 $0x14900, s1;
	[smem:$0x7F8] =	sst s26  }
0x28: {  	s28 =	simm.s32 $0x600;
	s29 =	simm.s32 $0x800;
	[smem:$0x7F9] =	sst s1  }
0x29: {  	v3 =	vlaneseq.u32;
	s30 =	simm.s32 $0xA00;
	s31 =	simm.s32 $0xC00;
	[smem:$0x7FA] =	sst s28  }
0x2a: {  	vm0 =	vmmov $0xffff;
	vm1 =	vmmov $0xff;
	v1 =	vshrl.u32 v3, $0x3;
	s7 =	simm.s32 $0x6;
	s9 =	simm.s32 $0x1;
	[smem:$0x7FB] =	sst s29  }
0x2b: {  	v0 =	vand.u32 $0x7, v3;
	v2 =	vor.u32 $0x8, v3;
	v4 =	vshrl.u32 v3, $0x2;
	s14 =	simm.s32 $0x7;
	s5 =	ssub.s32 s5, s23;
	[smem:$0x7FC] =	sst s30  }
0x2c: {  	v3 =	vand.u32 $0x3, v3;
	v1 =	vmul.u32 $0x8, v1;
	v4 =	vmul.u32 $0x8, v4;
	s3 =	sadd.s32 s0, s3;
	[smem:$0x7FD] =	sst s31;
	s18 =	smax.u32 s5, $0x1  }
.LBB2_1:
0x2d: {  	s22 =	rddreg [dreg:$0x3]  }
0x2e: {  	s23 =	rddreg [dreg:$0x4]  }
0x2f: {  	s17 =	rddreg [dreg:$0x5]  }
0x30: {  	s20 =	rddreg [dreg:$0x6]  }
0x31: {  	s21 =	sld [smem:$0x7FA]  }
0x32: {  	[tilespmem:s2], [sflag:$0x6] =	stream.linear.gather [hbm4b:s22+s2], $0x200, $0x38;
	[tilespmem:$0x1FA00] =	vst v63  }
0x33: {  	s0 =	simm.s32 $0x200;
	s24 =	rddreg [dreg:$0x7]  }
0x34: {  	[tilespmem:s0], [sflag:$0x6] =	stream.linear.gather [hbm4b:s23+s2], $0x200, $0x38;
	[tilespmem:$0x1FA00] =	vst v63  }
0x35: {  	s19 =	simm.s32 $0x400;
	s25 =	sld [smem:$0x7FB]  }
0x36: {  	[tilespmem:s19], [sflag:$0x6] =	stream.linear.gather [hbm4b:s17+s2], $0x200, $0x38;
	[tilespmem:$0x1FA00] =	vst v63  }
0x37: {  	s26 =	sld [smem:$0x7FC]  }
0x38: {  	[tilespmem:s21], [sflag:$0x6] =	stream.linear.gather [hbm4b:s20+s2], $0x200, $0x38;
	[tilespmem:$0x1FA00] =	vst v63  }
0x39: {  	s29 =	sld [smem:$0x7FD]  }
0x3a: {  	[tilespmem:s25], [sflag:$0x6] =	stream.linear.gather [hbm4b:s24+s2], $0x200, $0x38;
	[tilespmem:$0x1FA00] =	vst v63  }
0x3b: {  	s25 =	rddreg [dreg:$0x8]  }
0x3c: {  	[tilespmem:s26], [sflag:$0x6] =	stream.linear.gather [hbm4b:s25+s2], $0x200, $0x38;
	[tilespmem:$0x1FA00] =	vst v63  }
0x3d: {  	s28 =	rddreg [dreg:$0x9]  }
0x3e: {  	[tilespmem:s29], [sflag:$0x6] =	stream.linear.gather [hbm4b:s28+s2], $0x200, $0x38;
	[tilespmem:$0x1FA00] =	vst v63  }
0x3f: {  	_ =	swait.ge [sflag:s7], $0x200  }
0x40: {  	[sflag:s7] =	ssyncset.done $0x0  }
0x41: {  	[sflag:s7] =	ssyncadd.s32 $0xFFFFFE00  }
0x42: {  	_ =	swait.ge [sflag:s7], $0x200  }
0x43: {  	[sflag:s7] =	ssyncset.done $0x0  }
0x44: {  	[sflag:s7] =	ssyncadd.s32 $0xFFFFFE00  }
0x45: {  	_ =	swait.ge [sflag:s7], $0x200  }
0x46: {  	[sflag:s7] =	ssyncset.done $0x0  }
0x47: {  	[sflag:s7] =	ssyncadd.s32 $0xFFFFFE00  }
0x48: {  	_ =	swait.ge [sflag:s7], $0x200  }
0x49: {  	[sflag:s7] =	ssyncset.done $0x0  }
0x4a: {  	[sflag:s7] =	ssyncadd.s32 $0xFFFFFE00  }
0x4b: {  	_ =	swait.ge [sflag:s7], $0x200  }
0x4c: {  	[sflag:s7] =	ssyncset.done $0x0  }
0x4d: {  	[sflag:s7] =	ssyncadd.s32 $0xFFFFFE00  }
0x4e: {  	_ =	swait.ge [sflag:s7], $0x200  }
0x4f: {  	[sflag:s7] =	ssyncset.done $0x0  }
0x50: {  	[sflag:s7] =	ssyncadd.s32 $0xFFFFFE00  }
0x51: {  	_ =	swait.ge [sflag:s7], $0x200  }
0x52: {  	[sflag:s7] =	ssyncset.done $0x0  }
0x53: {  	[sflag:s7] =	ssyncadd.s32 $0xFFFFFE00  }
0x54: {  	v5 =	vld [tilespmem:$0x0];
	_ =	sdelay $0x4  }
0x55: {  	v6 =	vshrl.u32 v5, $0x3  }
0x56: {  	v6 =	vmul.u32 $0x30, v6  }
0x57: {  	v5 =	vand.u32 $0x7, v5  }
0x58: {  	v5 =	vor.u32 v5, v6  }
0x59: {  	v6 =	vperm.xlane v5, v0;
	_ =	sdelay $0x1  }
0x5a: {  	v6 =	vadd.s32 v1, v6;
	_ =	sdelay $0x3  }
0x5b: {  	s30 =	simm.s32 $0xE00;
	v5 =	vperm.xlane v5, v2  }
0x5c: {  	[tilespmem:s30], [sflag:$0x1] =	stream.indirect_vreg.gather [hbm4b:s3+s2], $0x80, v6, vm0, $0xb8;
	[tilespmem:$0x1FA00] =	vst v63  }
0x5d: {  	s31 =	simm.s32 $0x1600;
	s23 =	sadd.s32 $0x100, s3;
	v5 =	vadd.s32 v1, v5  }
0x5e: {  	[tilespmem:s31], [sflag:$0x1] =	stream.indirect_vreg.gather [hbm4b:s23+s2], $0x80, v6, vm0, $0xb8;
	[tilespmem:$0x1FA00] =	vst v63  }
0x5f: {  	s1 =	simm.s32 $0x1E00;
	s22 =	sadd.s32 $0x200, s3  }
0x60: {  	[tilespmem:s1], [sflag:$0x1] =	stream.indirect_vreg.gather [hbm4b:s22+s2], $0x80, v6, vm0, $0xb8;
	[tilespmem:$0x1FA00] =	vst v63  }
0x61: {  	s4 =	simm.s32 $0x2600  }
0x62: {  	[tilespmem:s4], [sflag:$0x1] =	stream.indirect_vreg.gather [hbm4b:s3+s2], $0x80, v5, vm0, $0xb8;
	[tilespmem:$0x1FA00] =	vst v63  }
0x63: {  	s5 =	simm.s32 $0x2E00  }
0x64: {  	[tilespmem:s5], [sflag:$0x1] =	stream.indirect_vreg.gather [hbm4b:s23+s2], $0x80, v5, vm0, $0xb8;
	[tilespmem:$0x1FA00] =	vst v63  }
0x65: {  	s6 =	simm.s32 $0x3600  }
0x66: {  	[tilespmem:s6], [sflag:$0x1] =	stream.indirect_vreg.gather [hbm4b:s22+s2], $0x80, v5, vm0, $0xb8;
	[tilespmem:$0x1FA00] =	vst v63  }
0x67: {  	v5 =	vld [tilespmem:$0x10];
	_ =	sdelay $0x4  }
0x68: {  	v6 =	vshrl.u32 v5, $0x3  }
0x69: {  	v6 =	vmul.u32 $0x30, v6  }
0x6a: {  	v5 =	vand.u32 $0x7, v5  }
0x6b: {  	v5 =	vor.u32 v5, v6  }
0x6c: {  	v6 =	vperm.xlane v5, v0;
	_ =	sdelay $0x1  }
0x6d: {  	v6 =	vadd.s32 v1, v6;
	_ =	sdelay $0x3  }
0x6e: {  	s8 =	simm.s32 $0x3E00;
	v5 =	vperm.xlane v5, v2  }
0x6f: {  	[tilespmem:s8], [sflag:$0x1] =	stream.indirect_vreg.gather [hbm4b:s3+s2], $0x80, v6, vm0, $0xb8;
	[tilespmem:$0x1FA00] =	vst v63  }
0x70: {  	s10 =	simm.s32 $0x4600;
	v5 =	vadd.s32 v1, v5  }
0x71: {  	[tilespmem:s10], [sflag:$0x1] =	stream.indirect_vreg.gather [hbm4b:s23+s2], $0x80, v6, vm0, $0xb8;
	[tilespmem:$0x1FA00] =	vst v63  }
0x72: {  	s12 =	simm.s32 $0x4E00  }
0x73: {  	[tilespmem:s12], [sflag:$0x1] =	stream.indirect_vreg.gather [hbm4b:s22+s2], $0x80, v6, vm0, $0xb8;
	[tilespmem:$0x1FA00] =	vst v63  }
0x74: {  	s13 =	simm.s32 $0x5600  }
0x75: {  	[tilespmem:s13], [sflag:$0x1] =	stream.indirect_vreg.gather [hbm4b:s3+s2], $0x80, v5, vm0, $0xb8;
	[tilespmem:$0x1FA00] =	vst v63  }
0x76: {  	s16 =	simm.s32 $0x5E00  }
0x77: {  	[tilespmem:s16], [sflag:$0x1] =	stream.indirect_vreg.gather [hbm4b:s23+s2], $0x80, v5, vm0, $0xb8;
	[tilespmem:$0x1FA00] =	vst v63  }
0x78: {  	s17 =	simm.s32 $0x6600  }
0x79: {  	[tilespmem:s17], [sflag:$0x1] =	stream.indirect_vreg.gather [hbm4b:s22+s2], $0x80, v5, vm0, $0xb8;
	[tilespmem:$0x1FA00] =	vst v63  }
0x7a: {  	v5 =	vld [tilespmem:$0x200];
	_ =	sdelay $0x4  }
0x7b: {  	v6 =	vshrl.u32 v5, $0x3  }
0x7c: {  	v6 =	vmul.u32 $0x30, v6  }
0x7d: {  	v5 =	vand.u32 $0x7, v5  }
0x7e: {  	v5 =	vor.u32 v5, v6  }
0x7f: {  	v6 =	vperm.xlane v5, v0;
	_ =	sdelay $0x1  }
0x80: {  	v6 =	vadd.s32 v1, v6;
	_ =	sdelay $0x3  }
0x81: {  	s19 =	simm.s32 $0x6E00;
	v5 =	vperm.xlane v5, v2  }
0x82: {  	[tilespmem:s19], [sflag:$0x2] =	stream.indirect_vreg.gather [hbm4b:s3+s2], $0x80, v6, vm0, $0xb8;
	[tilespmem:$0x1FA00] =	vst v63  }
0x83: {  	s20 =	simm.s32 $0x7600;
	v5 =	vadd.s32 v1, v5  }
0x84: {  	[tilespmem:s20], [sflag:$0x2] =	stream.indirect_vreg.gather [hbm4b:s23+s2], $0x80, v6, vm0, $0xb8;
	[tilespmem:$0x1FA00] =	vst v63  }
0x85: {  	s21 =	simm.s32 $0x7E00  }
0x86: {  	[tilespmem:s21], [sflag:$0x2] =	stream.indirect_vreg.gather [hbm4b:s22+s2], $0x80, v6, vm0, $0xb8;
	[tilespmem:$0x1FA00] =	vst v63  }
0x87: {  	s24 =	simm.s32 $0x8600  }
0x88: {  	[tilespmem:s24], [sflag:$0x2] =	stream.indirect_vreg.gather [hbm4b:s3+s2], $0x80, v5, vm0, $0xb8;
	[tilespmem:$0x1FA00] =	vst v63  }
0x89: {  	s25 =	simm.s32 $0x8E00  }
0x8a: {  	[tilespmem:s25], [sflag:$0x2] =	stream.indirect_vreg.gather [hbm4b:s23+s2], $0x80, v5, vm0, $0xb8;
	[tilespmem:$0x1FA00] =	vst v63  }
0x8b: {  	s26 =	simm.s32 $0x9600  }
0x8c: {  	[tilespmem:s26], [sflag:$0x2] =	stream.indirect_vreg.gather [hbm4b:s22+s2], $0x80, v5, vm0, $0xb8;
	[tilespmem:$0x1FA00] =	vst v63  }
0x8d: {  	v5 =	vld [tilespmem:$0x210];
	_ =	sdelay $0x4  }
0x8e: {  	v6 =	vshrl.u32 v5, $0x3  }
0x8f: {  	v6 =	vmul.u32 $0x30, v6  }
0x90: {  	v5 =	vand.u32 $0x7, v5  }
0x91: {  	v5 =	vor.u32 v5, v6  }
0x92: {  	v6 =	vperm.xlane v5, v0;
	_ =	sdelay $0x1  }
0x93: {  	v6 =	vadd.s32 v1, v6;
	_ =	sdelay $0x3  }
0x94: {  	s28 =	simm.s32 $0x9E00;
	v5 =	vperm.xlane v5, v2  }
0x95: {  	[tilespmem:s28], [sflag:$0x2] =	stream.indirect_vreg.gather [hbm4b:s3+s2], $0x80, v6, vm0, $0xb8;
	[tilespmem:$0x1FA00] =	vst v63  }
0x96: {  	s29 =	simm.s32 $0xA600;
	v5 =	vadd.s32 v1, v5  }
0x97: {  	[tilespmem:s29], [sflag:$0x2] =	stream.indirect_vreg.gather [hbm4b:s23+s2], $0x80, v6, vm0, $0xb8;
	[tilespmem:$0x1FA00] =	vst v63  }
0x98: {  	s30 =	simm.s32 $0xAE00  }
0x99: {  	[tilespmem:s30], [sflag:$0x2] =	stream.indirect_vreg.gather [hbm4b:s22+s2], $0x80, v6, vm0, $0xb8;
	[tilespmem:$0x1FA00] =	vst v63  }
0x9a: {  	s31 =	simm.s32 $0xB600  }
0x9b: {  	[tilespmem:s31], [sflag:$0x2] =	stream.indirect_vreg.gather [hbm4b:s3+s2], $0x80, v5, vm0, $0xb8;
	[tilespmem:$0x1FA00] =	vst v63  }
0x9c: {  	s1 =	simm.s32 $0xBE00  }
0x9d: {  	[tilespmem:s1], [sflag:$0x2] =	stream.indirect_vreg.gather [hbm4b:s23+s2], $0x80, v5, vm0, $0xb8;
	[tilespmem:$0x1FA00] =	vst v63  }
0x9e: {  	s4 =	simm.s32 $0xC600  }
0x9f: {  	[tilespmem:s4], [sflag:$0x2] =	stream.indirect_vreg.gather [hbm4b:s22+s2], $0x80, v5, vm0, $0xb8;
	[tilespmem:$0x1FA00] =	vst v63  }
0xa0: {  	v5 =	vld [tilespmem:$0x400];
	_ =	sdelay $0x4  }
0xa1: {  	v6 =	vshrl.u32 v5, $0x3  }
0xa2: {  	v6 =	vmul.u32 $0x30, v6  }
0xa3: {  	v5 =	vand.u32 $0x7, v5  }
0xa4: {  	v5 =	vor.u32 v5, v6  }
0xa5: {  	v6 =	vperm.xlane v5, v0;
	_ =	sdelay $0x1  }
0xa6: {  	v6 =	vadd.s32 v1, v6;
	_ =	sdelay $0x3  }
0xa7: {  	s5 =	simm.s32 $0xCE00;
	v5 =	vperm.xlane v5, v2  }
0xa8: {  	[tilespmem:s5], [sflag:$0x3] =	stream.indirect_vreg.gather [hbm4b:s3+s2], $0x80, v6, vm0, $0xb8;
	[tilespmem:$0x1FA00] =	vst v63  }
0xa9: {  	s6 =	simm.s32 $0xD600;
	v5 =	vadd.s32 v1, v5  }
0xaa: {  	[tilespmem:s6], [sflag:$0x3] =	stream.indirect_vreg.gather [hbm4b:s23+s2], $0x80, v6, vm0, $0xb8;
	[tilespmem:$0x1FA00] =	vst v63  }
0xab: {  	s8 =	simm.s32 $0xDE00  }
0xac: {  	[tilespmem:s8], [sflag:$0x3] =	stream.indirect_vreg.gather [hbm4b:s22+s2], $0x80, v6, vm0, $0xb8;
	[tilespmem:$0x1FA00] =	vst v63  }
0xad: {  	s10 =	simm.s32 $0xE600  }
0xae: {  	[tilespmem:s10], [sflag:$0x3] =	stream.indirect_vreg.gather [hbm4b:s3+s2], $0x80, v5, vm0, $0xb8;
	[tilespmem:$0x1FA00] =	vst v63  }
0xaf: {  	s16 =	simm.s32 $0xEE00  }
0xb0: {  	[tilespmem:s16], [sflag:$0x3] =	stream.indirect_vreg.gather [hbm4b:s23+s2], $0x80, v5, vm0, $0xb8;
	[tilespmem:$0x1FA00] =	vst v63  }
0xb1: {  	s17 =	simm.s32 $0xF600  }
0xb2: {  	[tilespmem:s17], [sflag:$0x3] =	stream.indirect_vreg.gather [hbm4b:s22+s2], $0x80, v5, vm0, $0xb8;
	[tilespmem:$0x1FA00] =	vst v63  }
0xb3: {  	v5 =	vld [tilespmem:$0x410];
	_ =	sdelay $0x4  }
0xb4: {  	v6 =	vshrl.u32 v5, $0x3  }
0xb5: {  	v6 =	vmul.u32 $0x30, v6  }
0xb6: {  	v5 =	vand.u32 $0x7, v5  }
0xb7: {  	v5 =	vor.u32 v5, v6  }
0xb8: {  	v6 =	vperm.xlane v5, v0;
	_ =	sdelay $0x1  }
0xb9: {  	v6 =	vadd.s32 v1, v6;
	_ =	sdelay $0x3  }
0xba: {  	s19 =	simm.s32 $0xFE00;
	v5 =	vperm.xlane v5, v2  }
0xbb: {  	[tilespmem:s19], [sflag:$0x3] =	stream.indirect_vreg.gather [hbm4b:s3+s2], $0x80, v6, vm0, $0xb8;
	[tilespmem:$0x1FA00] =	vst v63  }
0xbc: {  	s20 =	simm.s32 $0x10600;
	v5 =	vadd.s32 v1, v5  }
0xbd: {  	[tilespmem:s20], [sflag:$0x3] =	stream.indirect_vreg.gather [hbm4b:s23+s2], $0x80, v6, vm0, $0xb8;
	[tilespmem:$0x1FA00] =	vst v63  }
0xbe: {  	s21 =	simm.s32 $0x10E00  }
0xbf: {  	[tilespmem:s21], [sflag:$0x3] =	stream.indirect_vreg.gather [hbm4b:s22+s2], $0x80, v6, vm0, $0xb8;
	[tilespmem:$0x1FA00] =	vst v63  }
0xc0: {  	s24 =	simm.s32 $0x11600  }
0xc1: {  	[tilespmem:s24], [sflag:$0x3] =	stream.indirect_vreg.gather [hbm4b:s3+s2], $0x80, v5, vm0, $0xb8;
	[tilespmem:$0x1FA00] =	vst v63  }
0xc2: {  	s29 =	simm.s32 $0x11E00  }
0xc3: {  	[tilespmem:s29], [sflag:$0x3] =	stream.indirect_vreg.gather [hbm4b:s23+s2], $0x80, v5, vm0, $0xb8;
	[tilespmem:$0x1FA00] =	vst v63  }
0xc4: {  	s30 =	simm.s32 $0x12600  }
0xc5: {  	[tilespmem:s30], [sflag:$0x3] =	stream.indirect_vreg.gather [hbm4b:s22+s2], $0x80, v5, vm0, $0xb8;
	[tilespmem:$0x1FA00] =	vst v63  }
0xc6: {  	v5 =	vld [tilespmem:$0x600];
	_ =	sdelay $0x4  }
0xc7: {  	v6 =	vshrl.u32 v5, $0x3  }
0xc8: {  	v6 =	vmul.u32 $0x30, v6  }
0xc9: {  	v5 =	vand.u32 $0x7, v5  }
0xca: {  	v5 =	vor.u32 v5, v6  }
0xcb: {  	v6 =	vperm.xlane v5, v0;
	_ =	sdelay $0x1  }
0xcc: {  	v6 =	vadd.s32 v1, v6;
	_ =	sdelay $0x3  }
0xcd: {  	s31 =	simm.s32 $0x12E00;
	v5 =	vperm.xlane v5, v2  }
0xce: {  	[tilespmem:s31], [sflag:$0x4] =	stream.indirect_vreg.gather [hbm4b:s3+s2], $0x80, v6, vm0, $0xb8;
	[tilespmem:$0x1FA00] =	vst v63  }
0xcf: {  	s4 =	simm.s32 $0x13600;
	v5 =	vadd.s32 v1, v5  }
0xd0: {  	[tilespmem:s4], [sflag:$0x4] =	stream.indirect_vreg.gather [hbm4b:s23+s2], $0x80, v6, vm0, $0xb8;
	[tilespmem:$0x1FA00] =	vst v63  }
0xd1: {  	s8 =	simm.s32 $0x13E00  }
0xd2: {  	[tilespmem:s8], [sflag:$0x4] =	stream.indirect_vreg.gather [hbm4b:s22+s2], $0x80, v6, vm0, $0xb8;
	[tilespmem:$0x1FA00] =	vst v63  }
0xd3: {  	s10 =	simm.s32 $0x14600  }
0xd4: {  	[tilespmem:s10], [sflag:$0x4] =	stream.indirect_vreg.gather [hbm4b:s3+s2], $0x80, v5, vm0, $0xb8;
	[tilespmem:$0x1FA00] =	vst v63  }
0xd5: {  	s24 =	simm.s32 $0x14E00  }
0xd6: {  	[tilespmem:s24], [sflag:$0x4] =	stream.indirect_vreg.gather [hbm4b:s23+s2], $0x80, v5, vm0, $0xb8;
	[tilespmem:$0x1FA00] =	vst v63  }
0xd7: {  	s29 =	simm.s32 $0x15600  }
0xd8: {  	[tilespmem:s29], [sflag:$0x4] =	stream.indirect_vreg.gather [hbm4b:s22+s2], $0x80, v5, vm0, $0xb8;
	[tilespmem:$0x1FA00] =	vst v63  }
0xd9: {  	v5 =	vld [tilespmem:$0x610];
	_ =	sdelay $0x4  }
0xda: {  	v6 =	vshrl.u32 v5, $0x3  }
0xdb: {  	v6 =	vmul.u32 $0x30, v6  }
0xdc: {  	v5 =	vand.u32 $0x7, v5  }
0xdd: {  	v5 =	vor.u32 v5, v6  }
0xde: {  	v6 =	vperm.xlane v5, v0;
	_ =	sdelay $0x1  }
0xdf: {  	v6 =	vadd.s32 v1, v6;
	_ =	sdelay $0x3  }
0xe0: {  	s30 =	simm.s32 $0x15E00;
	v5 =	vperm.xlane v5, v2  }
0xe1: {  	[tilespmem:s30], [sflag:$0x4] =	stream.indirect_vreg.gather [hbm4b:s3+s2], $0x80, v6, vm0, $0xb8;
	[tilespmem:$0x1FA00] =	vst v63  }
0xe2: {  	s31 =	simm.s32 $0x16600;
	v5 =	vadd.s32 v1, v5  }
0xe3: {  	[tilespmem:s31], [sflag:$0x4] =	stream.indirect_vreg.gather [hbm4b:s23+s2], $0x80, v6, vm0, $0xb8;
	[tilespmem:$0x1FA00] =	vst v63  }
0xe4: {  	s4 =	simm.s32 $0x16E00  }
0xe5: {  	[tilespmem:s4], [sflag:$0x4] =	stream.indirect_vreg.gather [hbm4b:s22+s2], $0x80, v6, vm0, $0xb8;
	[tilespmem:$0x1FA00] =	vst v63  }
0xe6: {  	s8 =	simm.s32 $0x17600  }
0xe7: {  	[tilespmem:s8], [sflag:$0x4] =	stream.indirect_vreg.gather [hbm4b:s3+s2], $0x80, v5, vm0, $0xb8;
	[tilespmem:$0x1FA00] =	vst v63  }
0xe8: {  	s10 =	simm.s32 $0x17E00  }
0xe9: {  	[tilespmem:s10], [sflag:$0x4] =	stream.indirect_vreg.gather [hbm4b:s23+s2], $0x80, v5, vm0, $0xb8;
	[tilespmem:$0x1FA00] =	vst v63  }
0xea: {  	s24 =	simm.s32 $0x18600  }
0xeb: {  	[tilespmem:s24], [sflag:$0x4] =	stream.indirect_vreg.gather [hbm4b:s22+s2], $0x80, v5, vm0, $0xb8;
	[tilespmem:$0x1FA00] =	vst v63  }
0xec: {  	v5 =	vld [tilespmem:$0x800];
	_ =	sdelay $0x4  }
0xed: {  	v6 =	vshrl.u32 v5, $0x3  }
0xee: {  	v6 =	vmul.u32 $0x30, v6  }
0xef: {  	v5 =	vand.u32 $0x7, v5  }
0xf0: {  	v5 =	vor.u32 v5, v6  }
0xf1: {  	v6 =	vperm.xlane v5, v0;
	_ =	sdelay $0x1  }
0xf2: {  	v6 =	vadd.s32 v1, v6;
	_ =	sdelay $0x3  }
0xf3: {  	s29 =	simm.s32 $0x18E00;
	v5 =	vperm.xlane v5, v2  }
0xf4: {  	[tilespmem:s29], [sflag:$0x5] =	stream.indirect_vreg.gather [hbm4b:s3+s2], $0x80, v6, vm0, $0xb8;
	[tilespmem:$0x1FA00] =	vst v63  }
0xf5: {  	s4 =	simm.s32 $0x19600;
	v5 =	vadd.s32 v1, v5  }
0xf6: {  	[tilespmem:s4], [sflag:$0x5] =	stream.indirect_vreg.gather [hbm4b:s23+s2], $0x80, v6, vm0, $0xb8;
	[tilespmem:$0x1FA00] =	vst v63  }
0xf7: {  	s8 =	simm.s32 $0x19E00  }
0xf8: {  	[tilespmem:s8], [sflag:$0x5] =	stream.indirect_vreg.gather [hbm4b:s22+s2], $0x80, v6, vm0, $0xb8;
	[tilespmem:$0x1FA00] =	vst v63  }
0xf9: {  	s10 =	simm.s32 $0x1A600  }
0xfa: {  	[tilespmem:s10], [sflag:$0x5] =	stream.indirect_vreg.gather [hbm4b:s3+s2], $0x80, v5, vm0, $0xb8;
	[tilespmem:$0x1FA00] =	vst v63  }
0xfb: {  	s24 =	simm.s32 $0x1AE00  }
0xfc: {  	[tilespmem:s24], [sflag:$0x5] =	stream.indirect_vreg.gather [hbm4b:s23+s2], $0x80, v5, vm0, $0xb8;
	[tilespmem:$0x1FA00] =	vst v63  }
0xfd: {  	s29 =	simm.s32 $0x1B600  }
0xfe: {  	[tilespmem:s29], [sflag:$0x5] =	stream.indirect_vreg.gather [hbm4b:s22+s2], $0x80, v5, vm0, $0xb8;
	[tilespmem:$0x1FA00] =	vst v63  }
0xff: {  	v5 =	vld [tilespmem:$0x810];
	_ =	sdelay $0x4  }
0x100: {  	v6 =	vshrl.u32 v5, $0x3  }
0x101: {  	v6 =	vmul.u32 $0x30, v6  }
0x102: {  	v5 =	vand.u32 $0x7, v5  }
0x103: {  	v5 =	vor.u32 v5, v6  }
0x104: {  	v6 =	vperm.xlane v5, v0;
	_ =	sdelay $0x1  }
0x105: {  	v6 =	vadd.s32 v1, v6;
	_ =	sdelay $0x3  }
0x106: {  	s4 =	simm.s32 $0x1BE00;
	v5 =	vperm.xlane v5, v2  }
0x107: {  	[tilespmem:s4], [sflag:$0x5] =	stream.indirect_vreg.gather [hbm4b:s3+s2], $0x80, v6, vm0, $0xb8;
	[tilespmem:$0x1FA00] =	vst v63  }
0x108: {  	s8 =	simm.s32 $0x1C600;
	v5 =	vadd.s32 v1, v5  }
0x109: {  	[tilespmem:s8], [sflag:$0x5] =	stream.indirect_vreg.gather [hbm4b:s23+s2], $0x80, v6, vm0, $0xb8;
	[tilespmem:$0x1FA00] =	vst v63  }
0x10a: {  	s10 =	simm.s32 $0x1CE00  }
0x10b: {  	[tilespmem:s10], [sflag:$0x5] =	stream.indirect_vreg.gather [hbm4b:s22+s2], $0x80, v6, vm0, $0xb8;
	[tilespmem:$0x1FA00] =	vst v63  }
0x10c: {  	s24 =	simm.s32 $0x1D600  }
0x10d: {  	[tilespmem:s24], [sflag:$0x5] =	stream.indirect_vreg.gather [hbm4b:s3+s2], $0x80, v5, vm0, $0xb8;
	[tilespmem:$0x1FA00] =	vst v63  }
0x10e: {  	s29 =	simm.s32 $0x1DE00  }
0x10f: {  	[tilespmem:s29], [sflag:$0x5] =	stream.indirect_vreg.gather [hbm4b:s23+s2], $0x80, v5, vm0, $0xb8;
	[tilespmem:$0x1FA00] =	vst v63  }
0x110: {  	s4 =	simm.s32 $0x1E600  }
0x111: {  	[tilespmem:s4], [sflag:$0x5] =	stream.indirect_vreg.gather [hbm4b:s22+s2], $0x80, v5, vm0, $0xb8;
	[tilespmem:$0x1FA00] =	vst v63  }
0x112: {  	_ =	swait.ge [sflag:s9], $0x6000  }
0x113: {  	[sflag:s9] =	ssyncset.done $0x0  }
0x114: {  	s10 =	simm.s32 $0xE00;
	s8 =	rddreg [dreg:$0xa];
	[sflag:s9] =	ssyncadd.s32 $0xFFFFA000  }
0x115: {  	[hbm4b:s8+s2] =	stream.linear.scatter [tilespmem:s10], [sflag:$0x7], $0x6000, $0x38;
	[tilespmem:$0x1FA00] =	vst v63  }
0x116: {  	_ =	swait.ge [sflag:s14], $0x6000  }
0x117: {  	[sflag:s14] =	ssyncset.done $0x0  }
0x118: {  	[sflag:s14] =	ssyncadd.s32 $0xFFFFA000  }
0x119: {  	v5 =	vld [tilespmem:$0xA00];
	_ =	sdelay $0x4  }
0x11a: {  	v6 =	vshrl.u32 v5, $0x3  }
0x11b: {  	v6 =	vmul.u32 $0x30, v6  }
0x11c: {  	v5 =	vand.u32 $0x7, v5  }
0x11d: {  	v5 =	vor.u32 v5, v6  }
0x11e: {  	v6 =	vperm.xlane v5, v0;
	_ =	sdelay $0x1  }
0x11f: {  	v6 =	vadd.s32 v1, v6;
	_ =	sdelay $0x3  }
0x120: {  	v5 =	vperm.xlane v5, v2  }
0x121: {  	[tilespmem:s10], [sflag:$0x1] =	stream.indirect_vreg.gather [hbm4b:s3+s2], $0x80, v6, vm0, $0xb8;
	[tilespmem:$0x1FA00] =	vst v63  }
0x122: {  	s0 =	simm.s32 $0x1600;
	v5 =	vadd.s32 v1, v5  }
0x123: {  	[tilespmem:s0], [sflag:$0x1] =	stream.indirect_vreg.gather [hbm4b:s23+s2], $0x80, v6, vm0, $0xb8;
	[tilespmem:$0x1FA00] =	vst v63  }
0x124: {  	s4 =	simm.s32 $0x1E00  }
0x125: {  	[tilespmem:s4], [sflag:$0x1] =	stream.indirect_vreg.gather [hbm4b:s22+s2], $0x80, v6, vm0, $0xb8;
	[tilespmem:$0x1FA00] =	vst v63  }
0x126: {  	s8 =	simm.s32 $0x2600  }
0x127: {  	[tilespmem:s8], [sflag:$0x1] =	stream.indirect_vreg.gather [hbm4b:s3+s2], $0x80, v5, vm0, $0xb8;
	[tilespmem:$0x1FA00] =	vst v63  }
0x128: {  	s10 =	simm.s32 $0x2E00  }
0x129: {  	[tilespmem:s10], [sflag:$0x1] =	stream.indirect_vreg.gather [hbm4b:s23+s2], $0x80, v5, vm0, $0xb8;
	[tilespmem:$0x1FA00] =	vst v63  }
0x12a: {  	s11 =	simm.s32 $0x3600  }
0x12b: {  	[tilespmem:s11], [sflag:$0x1] =	stream.indirect_vreg.gather [hbm4b:s22+s2], $0x80, v5, vm0, $0xb8;
	[tilespmem:$0x1FA00] =	vst v63  }
0x12c: {  	v5 =	vld [tilespmem:$0xA10];
	_ =	sdelay $0x4  }
0x12d: {  	v6 =	vshrl.u32 v5, $0x3  }
0x12e: {  	v6 =	vmul.u32 $0x30, v6  }
0x12f: {  	v5 =	vand.u32 $0x7, v5  }
0x130: {  	v5 =	vor.u32 v5, v6  }
0x131: {  	v6 =	vperm.xlane v5, v0;
	_ =	sdelay $0x1  }
0x132: {  	v6 =	vadd.s32 v1, v6;
	_ =	sdelay $0x3  }
0x133: {  	s15 =	simm.s32 $0x3E00;
	v5 =	vperm.xlane v5, v2  }
0x134: {  	[tilespmem:s15], [sflag:$0x1] =	stream.indirect_vreg.gather [hbm4b:s3+s2], $0x80, v6, vm0, $0xb8;
	[tilespmem:$0x1FA00] =	vst v63  }
0x135: {  	v5 =	vadd.s32 v1, v5;
	s15 =	simm.s32 $0x4600  }
0x136: {  	[tilespmem:s15], [sflag:$0x1] =	stream.indirect_vreg.gather [hbm4b:s23+s2], $0x80, v6, vm0, $0xb8;
	[tilespmem:$0x1FA00] =	vst v63  }
0x137: {  	s24 =	simm.s32 $0x4E00  }
0x138: {  	[tilespmem:s24], [sflag:$0x1] =	stream.indirect_vreg.gather [hbm4b:s22+s2], $0x80, v6, vm0, $0xb8;
	[tilespmem:$0x1FA00] =	vst v63  }
0x139: {  	s15 =	simm.s32 $0x5600  }
0x13a: {  	[tilespmem:s15], [sflag:$0x1] =	stream.indirect_vreg.gather [hbm4b:s3+s2], $0x80, v5, vm0, $0xb8;
	[tilespmem:$0x1FA00] =	vst v63  }
0x13b: {  	s24 =	simm.s32 $0x5E00  }
0x13c: {  	[tilespmem:s24], [sflag:$0x1] =	stream.indirect_vreg.gather [hbm4b:s23+s2], $0x80, v5, vm0, $0xb8;
	[tilespmem:$0x1FA00] =	vst v63  }
0x13d: {  	s13 =	simm.s32 $0x6600;
	s11 =	simm.s32 $0x2  }
0x13e: {  	[tilespmem:s13], [sflag:$0x1] =	stream.indirect_vreg.gather [hbm4b:s22+s2], $0x80, v5, vm0, $0xb8;
	[tilespmem:$0x1FA00] =	vst v63  }
0x13f: {  	_ =	swait.ge [sflag:s11], $0x6000  }
0x140: {  	[sflag:s11] =	ssyncset.done $0x0  }
0x141: {  	s12 =	simm.s32 $0x6E00;
	s15 =	rddreg [dreg:$0xb];
	[sflag:s11] =	ssyncadd.s32 $0xFFFFA000  }
0x142: {  	[hbm4b:s15+s2] =	stream.linear.scatter [tilespmem:s12], [sflag:$0x8], $0x6000, $0x38;
	[tilespmem:$0x1FA00] =	vst v63  }
0x143: {  	v5 =	vld.msk [tilespmem:$0xC00], $0xf;
	_ =	sdelay $0x4  }
0x144: {  	v6 =	vshrl.u32 v5, $0x3  }
0x145: {  	v6 =	vmul.u32 $0x30, v6  }
0x146: {  	v5 =	vand.u32 $0x7, v5  }
0x147: {  	v5 =	vor.u32 v5, v6  }
0x148: {  	v5 =	vperm.xlane v5, v3;
	_ =	sdelay $0x1  }
0x149: {  	v5 =	vadd.s32 v4, v5;
	_ =	sdelay $0x3  }
0x14a: {  	s24 =	simm.s32 $0x1EE00  }
0x14b: {  	[tilespmem:s24], [sflag:$0x6] =	stream.indirect_vreg.gather [hbm4b:s3+s2], $0x80, v5, vm0, $0xb8;
	[tilespmem:$0x1FA00] =	vst v63  }
0x14c: {  	s12 =	simm.s32 $0x1F600  }
0x14d: {  	[tilespmem:s12], [sflag:$0x6] =	stream.indirect_vreg.gather [hbm4b:s22+s2], $0x80, v5, vm1, $0xb8;
	[tilespmem:$0x1FA00] =	vst v63  }
0x14e: {  	s12 =	simm.s32 $0x3  }
0x14f: {  	_ =	swait.ge [sflag:s12], $0x6000  }
0x150: {  	[sflag:s12] =	ssyncset.done $0x0  }
0x151: {  	s13 =	simm.s32 $0xCE00;
	s15 =	rddreg [dreg:$0xc];
	[sflag:s12] =	ssyncadd.s32 $0xFFFFA000  }
0x152: {  	[hbm4b:s15+s2] =	stream.linear.scatter [tilespmem:s13], [sflag:$0x9], $0x6000, $0x38;
	[tilespmem:$0x1FA00] =	vst v63  }
0x153: {  	s15 =	simm.s32 $0x9  }
0x154: {  	_ =	swait.ge [sflag:s15], $0x6000  }
0x155: {  	[sflag:s15] =	ssyncset.done $0x0  }
0x156: {  	[sflag:s15] =	ssyncadd.s32 $0xFFFFA000  }
0x157: {  	v5 =	vld [tilespmem:$0x80];
	_ =	sdelay $0x4  }
0x158: {  	v6 =	vshrl.u32 v5, $0x3  }
0x159: {  	v6 =	vmul.u32 $0x30, v6  }
0x15a: {  	v5 =	vand.u32 $0x7, v5  }
0x15b: {  	v5 =	vor.u32 v5, v6  }
0x15c: {  	v6 =	vperm.xlane v5, v0;
	_ =	sdelay $0x1  }
0x15d: {  	v6 =	vadd.s32 v1, v6;
	_ =	sdelay $0x3  }
0x15e: {  	v5 =	vperm.xlane v5, v2  }
0x15f: {  	[tilespmem:s13], [sflag:$0x3] =	stream.indirect_vreg.gather [hbm4b:s3+s2], $0x80, v6, vm0, $0xb8;
	[tilespmem:$0x1FA00] =	vst v63  }
0x160: {  	s28 =	simm.s32 $0xD600;
	v5 =	vadd.s32 v1, v5  }
0x161: {  	[tilespmem:s28], [sflag:$0x3] =	stream.indirect_vreg.gather [hbm4b:s23+s2], $0x80, v6, vm0, $0xb8;
	[tilespmem:$0x1FA00] =	vst v63  }
0x162: {  	s25 =	simm.s32 $0xDE00  }
0x163: {  	[tilespmem:s25], [sflag:$0x3] =	stream.indirect_vreg.gather [hbm4b:s22+s2], $0x80, v6, vm0, $0xb8;
	[tilespmem:$0x1FA00] =	vst v63  }
0x164: {  	s26 =	simm.s32 $0xE600  }
0x165: {  	[tilespmem:s26], [sflag:$0x3] =	stream.indirect_vreg.gather [hbm4b:s3+s2], $0x80, v5, vm0, $0xb8;
	[tilespmem:$0x1FA00] =	vst v63  }
0x166: {  	s16 =	simm.s32 $0xEE00  }
0x167: {  	[tilespmem:s16], [sflag:$0x3] =	stream.indirect_vreg.gather [hbm4b:s23+s2], $0x80, v5, vm0, $0xb8;
	[tilespmem:$0x1FA00] =	vst v63  }
0x168: {  	s1 =	simm.s32 $0xF600  }
0x169: {  	[tilespmem:s1], [sflag:$0x3] =	stream.indirect_vreg.gather [hbm4b:s22+s2], $0x80, v5, vm0, $0xb8;
	[tilespmem:$0x1FA00] =	vst v63  }
0x16a: {  	v5 =	vld [tilespmem:$0x90];
	_ =	sdelay $0x4  }
0x16b: {  	v6 =	vshrl.u32 v5, $0x3  }
0x16c: {  	v6 =	vmul.u32 $0x30, v6  }
0x16d: {  	v5 =	vand.u32 $0x7, v5  }
0x16e: {  	v5 =	vor.u32 v5, v6  }
0x16f: {  	v6 =	vperm.xlane v5, v0;
	_ =	sdelay $0x1  }
0x170: {  	v6 =	vadd.s32 v1, v6;
	_ =	sdelay $0x3  }
0x171: {  	s5 =	simm.s32 $0xFE00;
	v5 =	vperm.xlane v5, v2  }
0x172: {  	[tilespmem:s5], [sflag:$0x3] =	stream.indirect_vreg.gather [hbm4b:s3+s2], $0x80, v6, vm0, $0xb8;
	[tilespmem:$0x1FA00] =	vst v63  }
0x173: {  	s17 =	simm.s32 $0x10600;
	v5 =	vadd.s32 v1, v5  }
0x174: {  	[tilespmem:s17], [sflag:$0x3] =	stream.indirect_vreg.gather [hbm4b:s23+s2], $0x80, v6, vm0, $0xb8;
	[tilespmem:$0x1FA00] =	vst v63  }
0x175: {  	s19 =	simm.s32 $0x10E00  }
0x176: {  	[tilespmem:s19], [sflag:$0x3] =	stream.indirect_vreg.gather [hbm4b:s22+s2], $0x80, v6, vm0, $0xb8;
	[tilespmem:$0x1FA00] =	vst v63  }
0x177: {  	s20 =	simm.s32 $0x11600  }
0x178: {  	[tilespmem:s20], [sflag:$0x3] =	stream.indirect_vreg.gather [hbm4b:s3+s2], $0x80, v5, vm0, $0xb8;
	[tilespmem:$0x1FA00] =	vst v63  }
0x179: {  	s21 =	simm.s32 $0x11E00  }
0x17a: {  	[tilespmem:s21], [sflag:$0x3] =	stream.indirect_vreg.gather [hbm4b:s23+s2], $0x80, v5, vm0, $0xb8;
	[tilespmem:$0x1FA00] =	vst v63  }
0x17b: {  	s6 =	simm.s32 $0x12600;
	s13 =	simm.s32 $0x4  }
0x17c: {  	[tilespmem:s6], [sflag:$0x3] =	stream.indirect_vreg.gather [hbm4b:s22+s2], $0x80, v5, vm0, $0xb8;
	[tilespmem:$0x1FA00] =	vst v63  }
0x17d: {  	_ =	swait.ge [sflag:s13], $0x6000  }
0x17e: {  	s26 =	simm.s32 $0x12E00;
	[sflag:s13] =	ssyncset.done $0x0  }
0x17f: {  	s21 =	simm.s32 $0xA;
	s25 =	rddreg [dreg:$0xd];
	[sflag:s13] =	ssyncadd.s32 $0xFFFFA000  }
0x180: {  	[hbm4b:s25+s2] =	stream.linear.scatter [tilespmem:s26], [sflag:$0xA], $0x6000, $0x38;
	[tilespmem:$0x1FA00] =	vst v63  }
0x181: {  	_ =	swait.ge [sflag:s21], $0x6000  }
0x182: {  	[sflag:s21] =	ssyncset.done $0x0  }
0x183: {  	[sflag:s21] =	ssyncadd.s32 $0xFFFFA000  }
0x184: {  	v5 =	vld [tilespmem:$0x280];
	_ =	sdelay $0x4  }
0x185: {  	v6 =	vshrl.u32 v5, $0x3  }
0x186: {  	v6 =	vmul.u32 $0x30, v6  }
0x187: {  	v5 =	vand.u32 $0x7, v5  }
0x188: {  	v5 =	vor.u32 v5, v6  }
0x189: {  	v6 =	vperm.xlane v5, v0;
	_ =	sdelay $0x1  }
0x18a: {  	v6 =	vadd.s32 v1, v6;
	_ =	sdelay $0x3  }
0x18b: {  	v5 =	vperm.xlane v5, v2  }
0x18c: {  	[tilespmem:s26], [sflag:$0x4] =	stream.indirect_vreg.gather [hbm4b:s3+s2], $0x80, v6, vm0, $0xb8;
	[tilespmem:$0x1FA00] =	vst v63  }
0x18d: {  	s28 =	simm.s32 $0x13600;
	v5 =	vadd.s32 v1, v5  }
0x18e: {  	[tilespmem:s28], [sflag:$0x4] =	stream.indirect_vreg.gather [hbm4b:s23+s2], $0x80, v6, vm0, $0xb8;
	[tilespmem:$0x1FA00] =	vst v63  }
0x18f: {  	s5 =	simm.s32 $0x13E00  }
0x190: {  	[tilespmem:s5], [sflag:$0x4] =	stream.indirect_vreg.gather [hbm4b:s22+s2], $0x80, v6, vm0, $0xb8;
	[tilespmem:$0x1FA00] =	vst v63  }
0x191: {  	s6 =	simm.s32 $0x14600  }
0x192: {  	[tilespmem:s6], [sflag:$0x4] =	stream.indirect_vreg.gather [hbm4b:s3+s2], $0x80, v5, vm0, $0xb8;
	[tilespmem:$0x1FA00] =	vst v63  }
0x193: {  	s16 =	simm.s32 $0x14E00  }
0x194: {  	[tilespmem:s16], [sflag:$0x4] =	stream.indirect_vreg.gather [hbm4b:s23+s2], $0x80, v5, vm0, $0xb8;
	[tilespmem:$0x1FA00] =	vst v63  }
0x195: {  	s17 =	simm.s32 $0x15600  }
0x196: {  	[tilespmem:s17], [sflag:$0x4] =	stream.indirect_vreg.gather [hbm4b:s22+s2], $0x80, v5, vm0, $0xb8;
	[tilespmem:$0x1FA00] =	vst v63  }
0x197: {  	v5 =	vld [tilespmem:$0x290];
	_ =	sdelay $0x4  }
0x198: {  	v6 =	vshrl.u32 v5, $0x3  }
0x199: {  	v6 =	vmul.u32 $0x30, v6  }
0x19a: {  	v5 =	vand.u32 $0x7, v5  }
0x19b: {  	v5 =	vor.u32 v5, v6  }
0x19c: {  	v6 =	vperm.xlane v5, v0;
	_ =	sdelay $0x1  }
0x19d: {  	v6 =	vadd.s32 v1, v6;
	_ =	sdelay $0x3  }
0x19e: {  	s30 =	simm.s32 $0x15E00;
	v5 =	vperm.xlane v5, v2  }
0x19f: {  	[tilespmem:s30], [sflag:$0x4] =	stream.indirect_vreg.gather [hbm4b:s3+s2], $0x80, v6, vm0, $0xb8;
	[tilespmem:$0x1FA00] =	vst v63  }
0x1a0: {  	s19 =	simm.s32 $0x16600;
	v5 =	vadd.s32 v1, v5  }
0x1a1: {  	[tilespmem:s19], [sflag:$0x4] =	stream.indirect_vreg.gather [hbm4b:s23+s2], $0x80, v6, vm0, $0xb8;
	[tilespmem:$0x1FA00] =	vst v63  }
0x1a2: {  	s20 =	simm.s32 $0x16E00  }
0x1a3: {  	[tilespmem:s20], [sflag:$0x4] =	stream.indirect_vreg.gather [hbm4b:s22+s2], $0x80, v6, vm0, $0xb8;
	[tilespmem:$0x1FA00] =	vst v63  }
0x1a4: {  	s24 =	simm.s32 $0x17600  }
0x1a5: {  	[tilespmem:s24], [sflag:$0x4] =	stream.indirect_vreg.gather [hbm4b:s3+s2], $0x80, v5, vm0, $0xb8;
	[tilespmem:$0x1FA00] =	vst v63  }
0x1a6: {  	s25 =	simm.s32 $0x17E00  }
0x1a7: {  	[tilespmem:s25], [sflag:$0x4] =	stream.indirect_vreg.gather [hbm4b:s23+s2], $0x80, v5, vm0, $0xb8;
	[tilespmem:$0x1FA00] =	vst v63  }
0x1a8: {  	s31 =	simm.s32 $0x18600;
	s16 =	simm.s32 $0x5  }
0x1a9: {  	[tilespmem:s31], [sflag:$0x4] =	stream.indirect_vreg.gather [hbm4b:s22+s2], $0x80, v5, vm0, $0xb8;
	[tilespmem:$0x1FA00] =	vst v63  }
0x1aa: {  	_ =	swait.ge [sflag:s16], $0x6000  }
0x1ab: {  	s28 =	simm.s32 $0x18E00;
	[sflag:s16] =	ssyncset.done $0x0  }
0x1ac: {  	s17 =	simm.s32 $0xB;
	s26 =	rddreg [dreg:$0xe];
	[sflag:s16] =	ssyncadd.s32 $0xFFFFA000  }
0x1ad: {  	[hbm4b:s26+s2] =	stream.linear.scatter [tilespmem:s28], [sflag:$0xB], $0x6000, $0x38;
	[tilespmem:$0x1FA00] =	vst v63  }
0x1ae: {  	_ =	swait.ge [sflag:s17], $0x6000  }
0x1af: {  	[sflag:s17] =	ssyncset.done $0x0  }
0x1b0: {  	[sflag:s17] =	ssyncadd.s32 $0xFFFFA000  }
0x1b1: {  	v5 =	vld [tilespmem:$0x480];
	_ =	sdelay $0x4  }
0x1b2: {  	v6 =	vshrl.u32 v5, $0x3  }
0x1b3: {  	v6 =	vmul.u32 $0x30, v6  }
0x1b4: {  	v5 =	vand.u32 $0x7, v5  }
0x1b5: {  	v5 =	vor.u32 v5, v6  }
0x1b6: {  	v6 =	vperm.xlane v5, v0;
	_ =	sdelay $0x1  }
0x1b7: {  	v6 =	vadd.s32 v1, v6;
	_ =	sdelay $0x3  }
0x1b8: {  	v5 =	vperm.xlane v5, v2  }
0x1b9: {  	[tilespmem:s28], [sflag:$0x5] =	stream.indirect_vreg.gather [hbm4b:s3+s2], $0x80, v6, vm0, $0xb8;
	[tilespmem:$0x1FA00] =	vst v63  }
0x1ba: {  	s30 =	simm.s32 $0x19600;
	v5 =	vadd.s32 v1, v5  }
0x1bb: {  	[tilespmem:s30], [sflag:$0x5] =	stream.indirect_vreg.gather [hbm4b:s23+s2], $0x80, v6, vm0, $0xb8;
	[tilespmem:$0x1FA00] =	vst v63  }
0x1bc: {  	s31 =	simm.s32 $0x19E00  }
0x1bd: {  	[tilespmem:s31], [sflag:$0x5] =	stream.indirect_vreg.gather [hbm4b:s22+s2], $0x80, v6, vm0, $0xb8;
	[tilespmem:$0x1FA00] =	vst v63  }
0x1be: {  	s19 =	simm.s32 $0x1A600  }
0x1bf: {  	[tilespmem:s19], [sflag:$0x5] =	stream.indirect_vreg.gather [hbm4b:s3+s2], $0x80, v5, vm0, $0xb8;
	[tilespmem:$0x1FA00] =	vst v63  }
0x1c0: {  	s6 =	simm.s32 $0x1AE00  }
0x1c1: {  	[tilespmem:s6], [sflag:$0x5] =	stream.indirect_vreg.gather [hbm4b:s23+s2], $0x80, v5, vm0, $0xb8;
	[tilespmem:$0x1FA00] =	vst v63  }
0x1c2: {  	s20 =	simm.s32 $0x1B600  }
0x1c3: {  	[tilespmem:s20], [sflag:$0x5] =	stream.indirect_vreg.gather [hbm4b:s22+s2], $0x80, v5, vm0, $0xb8;
	[tilespmem:$0x1FA00] =	vst v63  }
0x1c4: {  	v5 =	vld [tilespmem:$0x490];
	_ =	sdelay $0x4  }
0x1c5: {  	v6 =	vshrl.u32 v5, $0x3  }
0x1c6: {  	v6 =	vmul.u32 $0x30, v6  }
0x1c7: {  	v5 =	vand.u32 $0x7, v5  }
0x1c8: {  	v5 =	vor.u32 v5, v6  }
0x1c9: {  	v6 =	vperm.xlane v5, v0;
	_ =	sdelay $0x1  }
0x1ca: {  	v6 =	vadd.s32 v1, v6;
	_ =	sdelay $0x3  }
0x1cb: {  	s24 =	simm.s32 $0x1BE00;
	v5 =	vperm.xlane v5, v2  }
0x1cc: {  	[tilespmem:s24], [sflag:$0x5] =	stream.indirect_vreg.gather [hbm4b:s3+s2], $0x80, v6, vm0, $0xb8;
	[tilespmem:$0x1FA00] =	vst v63  }
0x1cd: {  	s25 =	simm.s32 $0x1C600;
	v5 =	vadd.s32 v1, v5  }
0x1ce: {  	[tilespmem:s25], [sflag:$0x5] =	stream.indirect_vreg.gather [hbm4b:s23+s2], $0x80, v6, vm0, $0xb8;
	[tilespmem:$0x1FA00] =	vst v63  }
0x1cf: {  	s1 =	simm.s32 $0x1CE00  }
0x1d0: {  	[tilespmem:s1], [sflag:$0x5] =	stream.indirect_vreg.gather [hbm4b:s22+s2], $0x80, v6, vm0, $0xb8;
	[tilespmem:$0x1FA00] =	vst v63  }
0x1d1: {  	s26 =	simm.s32 $0x1D600  }
0x1d2: {  	[tilespmem:s26], [sflag:$0x5] =	stream.indirect_vreg.gather [hbm4b:s3+s2], $0x80, v5, vm0, $0xb8;
	[tilespmem:$0x1FA00] =	vst v63  }
0x1d3: {  	s28 =	simm.s32 $0x1DE00  }
0x1d4: {  	[tilespmem:s28], [sflag:$0x5] =	stream.indirect_vreg.gather [hbm4b:s23+s2], $0x80, v5, vm0, $0xb8;
	[tilespmem:$0x1FA00] =	vst v63  }
0x1d5: {  	s30 =	simm.s32 $0x1E600  }
0x1d6: {  	[tilespmem:s30], [sflag:$0x5] =	stream.indirect_vreg.gather [hbm4b:s22+s2], $0x80, v5, vm0, $0xb8;
	[tilespmem:$0x1FA00] =	vst v63  }
0x1d7: {  	_ =	swait.ge [sflag:s9], $0x6000  }
0x1d8: {  	[sflag:s9] =	ssyncset.done $0x0  }
0x1d9: {  	s29 =	simm.s32 $0xE00;
	s31 =	rddreg [dreg:$0xf];
	[sflag:s9] =	ssyncadd.s32 $0xFFFFA000  }
0x1da: {  	[hbm4b:s31+s2] =	stream.linear.scatter [tilespmem:s29], [sflag:$0x7], $0x6000, $0x38;
	[tilespmem:$0x1FA00] =	vst v63  }
0x1db: {  	_ =	swait.ge [sflag:s14], $0x6000  }
0x1dc: {  	[sflag:s14] =	ssyncset.done $0x0  }
0x1dd: {  	[sflag:s14] =	ssyncadd.s32 $0xFFFFA000  }
0x1de: {  	v5 =	vld [tilespmem:$0x680];
	_ =	sdelay $0x4  }
0x1df: {  	v6 =	vshrl.u32 v5, $0x3  }
0x1e0: {  	v6 =	vmul.u32 $0x30, v6  }
0x1e1: {  	v5 =	vand.u32 $0x7, v5  }
0x1e2: {  	v5 =	vor.u32 v5, v6  }
0x1e3: {  	v6 =	vperm.xlane v5, v0;
	_ =	sdelay $0x1  }
0x1e4: {  	v6 =	vadd.s32 v1, v6;
	_ =	sdelay $0x3  }
0x1e5: {  	v5 =	vperm.xlane v5, v2  }
0x1e6: {  	[tilespmem:s29], [sflag:$0x1] =	stream.indirect_vreg.gather [hbm4b:s3+s2], $0x80, v6, vm0, $0xb8;
	[tilespmem:$0x1FA00] =	vst v63  }
0x1e7: {  	v5 =	vadd.s32 v1, v5  }
0x1e8: {  	[tilespmem:s0], [sflag:$0x1] =	stream.indirect_vreg.gather [hbm4b:s23+s2], $0x80, v6, vm0, $0xb8;
	[tilespmem:$0x1FA00] =	vst v63  }
0x1e9: {  	_ = 	snop  }
0x1ea: {  	[tilespmem:s4], [sflag:$0x1] =	stream.indirect_vreg.gather [hbm4b:s22+s2], $0x80, v6, vm0, $0xb8;
	[tilespmem:$0x1FA00] =	vst v63  }
0x1eb: {  	_ = 	snop  }
0x1ec: {  	[tilespmem:s8], [sflag:$0x1] =	stream.indirect_vreg.gather [hbm4b:s3+s2], $0x80, v5, vm0, $0xb8;
	[tilespmem:$0x1FA00] =	vst v63  }
0x1ed: {  	_ = 	snop  }
0x1ee: {  	[tilespmem:s10], [sflag:$0x1] =	stream.indirect_vreg.gather [hbm4b:s23+s2], $0x80, v5, vm0, $0xb8;
	[tilespmem:$0x1FA00] =	vst v63  }
0x1ef: {  	s8 =	simm.s32 $0x3600  }
0x1f0: {  	[tilespmem:s8], [sflag:$0x1] =	stream.indirect_vreg.gather [hbm4b:s22+s2], $0x80, v5, vm0, $0xb8;
	[tilespmem:$0x1FA00] =	vst v63  }
0x1f1: {  	v5 =	vld [tilespmem:$0x690];
	_ =	sdelay $0x4  }
0x1f2: {  	v6 =	vshrl.u32 v5, $0x3  }
0x1f3: {  	v6 =	vmul.u32 $0x30, v6  }
0x1f4: {  	v5 =	vand.u32 $0x7, v5  }
0x1f5: {  	v5 =	vor.u32 v5, v6  }
0x1f6: {  	v6 =	vperm.xlane v5, v0;
	_ =	sdelay $0x1  }
0x1f7: {  	v6 =	vadd.s32 v1, v6;
	_ =	sdelay $0x3  }
0x1f8: {  	s6 =	simm.s32 $0x3E00;
	v5 =	vperm.xlane v5, v2  }
0x1f9: {  	[tilespmem:s6], [sflag:$0x1] =	stream.indirect_vreg.gather [hbm4b:s3+s2], $0x80, v6, vm0, $0xb8;
	[tilespmem:$0x1FA00] =	vst v63  }
0x1fa: {  	s10 =	simm.s32 $0x4600;
	v5 =	vadd.s32 v1, v5  }
0x1fb: {  	[tilespmem:s10], [sflag:$0x1] =	stream.indirect_vreg.gather [hbm4b:s23+s2], $0x80, v6, vm0, $0xb8;
	[tilespmem:$0x1FA00] =	vst v63  }
0x1fc: {  	s10 =	simm.s32 $0x4E00  }
0x1fd: {  	[tilespmem:s10], [sflag:$0x1] =	stream.indirect_vreg.gather [hbm4b:s22+s2], $0x80, v6, vm0, $0xb8;
	[tilespmem:$0x1FA00] =	vst v63  }
0x1fe: {  	s20 =	simm.s32 $0x5600  }
0x1ff: {  	[tilespmem:s20], [sflag:$0x1] =	stream.indirect_vreg.gather [hbm4b:s3+s2], $0x80, v5, vm0, $0xb8;
	[tilespmem:$0x1FA00] =	vst v63  }
0x200: {  	s24 =	simm.s32 $0x5E00  }
0x201: {  	[tilespmem:s24], [sflag:$0x1] =	stream.indirect_vreg.gather [hbm4b:s23+s2], $0x80, v5, vm0, $0xb8;
	[tilespmem:$0x1FA00] =	vst v63  }
0x202: {  	s25 =	simm.s32 $0x6600  }
0x203: {  	[tilespmem:s25], [sflag:$0x1] =	stream.indirect_vreg.gather [hbm4b:s22+s2], $0x80, v5, vm0, $0xb8;
	[tilespmem:$0x1FA00] =	vst v63  }
0x204: {  	s28 =	simm.s32 $0x200;
	_ =	swait.ge [sflag:s7], $0xC00  }
0x205: {  	s29 =	simm.s32 $0x400;
	s0 =	simm.s32 $0x1EE00;
	[sflag:s7] =	ssyncset.done $0x0  }
0x206: {  	s6 =	simm.s32 $0x8;
	s26 =	rddreg [dreg:$0x10];
	[sflag:s7] =	ssyncadd.s32 $0xFFFFF400  }
0x207: {  	[hbm4b:s26+s28] =	stream.strided.scatter [tilespmem:s0], [sflag:$0xC], $0xC00, s29, s28, $0x38;
	[tilespmem:$0x1FA00] =	vst v63  }
0x208: {  	_ =	swait.ge [sflag:s6], $0x6000  }
0x209: {  	[sflag:s6] =	ssyncset.done $0x0  }
0x20a: {  	[sflag:s6] =	ssyncadd.s32 $0xFFFFA000  }
0x20b: {  	v5 =	vld [tilespmem:$0x880];
	_ =	sdelay $0x4  }
0x20c: {  	v6 =	vshrl.u32 v5, $0x3  }
0x20d: {  	v6 =	vmul.u32 $0x30, v6  }
0x20e: {  	v5 =	vand.u32 $0x7, v5  }
0x20f: {  	v5 =	vor.u32 v5, v6  }
0x210: {  	v6 =	vperm.xlane v5, v0;
	_ =	sdelay $0x1  }
0x211: {  	v6 =	vadd.s32 v1, v6;
	_ =	sdelay $0x3  }
0x212: {  	s30 =	simm.s32 $0x6E00;
	v5 =	vperm.xlane v5, v2  }
0x213: {  	[tilespmem:s30], [sflag:$0x2] =	stream.indirect_vreg.gather [hbm4b:s3+s2], $0x80, v6, vm0, $0xb8;
	[tilespmem:$0x1FA00] =	vst v63  }
0x214: {  	s26 =	simm.s32 $0x7600;
	v5 =	vadd.s32 v1, v5  }
0x215: {  	[tilespmem:s26], [sflag:$0x2] =	stream.indirect_vreg.gather [hbm4b:s23+s2], $0x80, v6, vm0, $0xb8;
	[tilespmem:$0x1FA00] =	vst v63  }
0x216: {  	s28 =	simm.s32 $0x7E00  }
0x217: {  	[tilespmem:s28], [sflag:$0x2] =	stream.indirect_vreg.gather [hbm4b:s22+s2], $0x80, v6, vm0, $0xb8;
	[tilespmem:$0x1FA00] =	vst v63  }
0x218: {  	s29 =	simm.s32 $0x8600  }
0x219: {  	[tilespmem:s29], [sflag:$0x2] =	stream.indirect_vreg.gather [hbm4b:s3+s2], $0x80, v5, vm0, $0xb8;
	[tilespmem:$0x1FA00] =	vst v63  }
0x21a: {  	s30 =	simm.s32 $0x8E00  }
0x21b: {  	[tilespmem:s30], [sflag:$0x2] =	stream.indirect_vreg.gather [hbm4b:s23+s2], $0x80, v5, vm0, $0xb8;
	[tilespmem:$0x1FA00] =	vst v63  }
0x21c: {  	s20 =	simm.s32 $0x9600  }
0x21d: {  	[tilespmem:s20], [sflag:$0x2] =	stream.indirect_vreg.gather [hbm4b:s22+s2], $0x80, v5, vm0, $0xb8;
	[tilespmem:$0x1FA00] =	vst v63  }
0x21e: {  	v5 =	vld [tilespmem:$0x890];
	_ =	sdelay $0x4  }
0x21f: {  	v6 =	vshrl.u32 v5, $0x3  }
0x220: {  	v6 =	vmul.u32 $0x30, v6  }
0x221: {  	v5 =	vand.u32 $0x7, v5  }
0x222: {  	v5 =	vor.u32 v5, v6  }
0x223: {  	v6 =	vperm.xlane v5, v0;
	_ =	sdelay $0x1  }
0x224: {  	v6 =	vadd.s32 v1, v6;
	_ =	sdelay $0x3  }
0x225: {  	s31 =	simm.s32 $0x9E00;
	v5 =	vperm.xlane v5, v2  }
0x226: {  	[tilespmem:s31], [sflag:$0x2] =	stream.indirect_vreg.gather [hbm4b:s3+s2], $0x80, v6, vm0, $0xb8;
	[tilespmem:$0x1FA00] =	vst v63  }
0x227: {  	v5 =	vadd.s32 v1, v5;
	s31 =	simm.s32 $0xA600  }
0x228: {  	[tilespmem:s31], [sflag:$0x2] =	stream.indirect_vreg.gather [hbm4b:s23+s2], $0x80, v6, vm0, $0xb8;
	[tilespmem:$0x1FA00] =	vst v63  }
0x229: {  	s24 =	simm.s32 $0xAE00  }
0x22a: {  	[tilespmem:s24], [sflag:$0x2] =	stream.indirect_vreg.gather [hbm4b:s22+s2], $0x80, v6, vm0, $0xb8;
	[tilespmem:$0x1FA00] =	vst v63  }
0x22b: {  	s25 =	simm.s32 $0xB600  }
0x22c: {  	[tilespmem:s25], [sflag:$0x2] =	stream.indirect_vreg.gather [hbm4b:s3+s2], $0x80, v5, vm0, $0xb8;
	[tilespmem:$0x1FA00] =	vst v63  }
0x22d: {  	s25 =	simm.s32 $0xBE00  }
0x22e: {  	[tilespmem:s25], [sflag:$0x2] =	stream.indirect_vreg.gather [hbm4b:s23+s2], $0x80, v5, vm0, $0xb8;
	[tilespmem:$0x1FA00] =	vst v63  }
0x22f: {  	s24 =	simm.s32 $0xC600  }
0x230: {  	[tilespmem:s24], [sflag:$0x2] =	stream.indirect_vreg.gather [hbm4b:s22+s2], $0x80, v5, vm0, $0xb8;
	[tilespmem:$0x1FA00] =	vst v63  }
0x231: {  	_ =	swait.ge [sflag:s12], $0x6000  }
0x232: {  	[sflag:s12] =	ssyncset.done $0x0  }
0x233: {  	s4 =	simm.s32 $0xCE00;
	s24 =	rddreg [dreg:$0x11];
	[sflag:s12] =	ssyncadd.s32 $0xFFFFA000  }
0x234: {  	[hbm4b:s24+s2] =	stream.linear.scatter [tilespmem:s4], [sflag:$0x9], $0x6000, $0x38;
	[tilespmem:$0x1FA00] =	vst v63  }
0x235: {  	_ =	swait.ge [sflag:s15], $0x6000  }
0x236: {  	[sflag:s15] =	ssyncset.done $0x0  }
0x237: {  	[sflag:s15] =	ssyncadd.s32 $0xFFFFA000  }
0x238: {  	v5 =	vld [tilespmem:$0xA80];
	_ =	sdelay $0x4  }
0x239: {  	v6 =	vshrl.u32 v5, $0x3  }
0x23a: {  	v6 =	vmul.u32 $0x30, v6  }
0x23b: {  	v5 =	vand.u32 $0x7, v5  }
0x23c: {  	v5 =	vor.u32 v5, v6  }
0x23d: {  	v6 =	vperm.xlane v5, v0;
	_ =	sdelay $0x1  }
0x23e: {  	v6 =	vadd.s32 v1, v6;
	_ =	sdelay $0x3  }
0x23f: {  	v5 =	vperm.xlane v5, v2  }
0x240: {  	[tilespmem:s4], [sflag:$0x3] =	stream.indirect_vreg.gather [hbm4b:s3+s2], $0x80, v6, vm0, $0xb8;
	[tilespmem:$0x1FA00] =	vst v63  }
0x241: {  	s24 =	simm.s32 $0xD600;
	v5 =	vadd.s32 v1, v5  }
0x242: {  	[tilespmem:s24], [sflag:$0x3] =	stream.indirect_vreg.gather [hbm4b:s23+s2], $0x80, v6, vm0, $0xb8;
	[tilespmem:$0x1FA00] =	vst v63  }
0x243: {  	s24 =	simm.s32 $0xDE00  }
0x244: {  	[tilespmem:s24], [sflag:$0x3] =	stream.indirect_vreg.gather [hbm4b:s22+s2], $0x80, v6, vm0, $0xb8;
	[tilespmem:$0x1FA00] =	vst v63  }
0x245: {  	s24 =	simm.s32 $0xE600  }
0x246: {  	[tilespmem:s24], [sflag:$0x3] =	stream.indirect_vreg.gather [hbm4b:s3+s2], $0x80, v5, vm0, $0xb8;
	[tilespmem:$0x1FA00] =	vst v63  }
0x247: {  	s24 =	simm.s32 $0xEE00  }
0x248: {  	[tilespmem:s24], [sflag:$0x3] =	stream.indirect_vreg.gather [hbm4b:s23+s2], $0x80, v5, vm0, $0xb8;
	[tilespmem:$0x1FA00] =	vst v63  }
0x249: {  	s24 =	simm.s32 $0xF600  }
0x24a: {  	[tilespmem:s24], [sflag:$0x3] =	stream.indirect_vreg.gather [hbm4b:s22+s2], $0x80, v5, vm0, $0xb8;
	[tilespmem:$0x1FA00] =	vst v63  }
0x24b: {  	v5 =	vld [tilespmem:$0xA90];
	_ =	sdelay $0x4  }
0x24c: {  	v6 =	vshrl.u32 v5, $0x3  }
0x24d: {  	v6 =	vmul.u32 $0x30, v6  }
0x24e: {  	v5 =	vand.u32 $0x7, v5  }
0x24f: {  	v5 =	vor.u32 v5, v6  }
0x250: {  	v6 =	vperm.xlane v5, v0;
	_ =	sdelay $0x1  }
0x251: {  	v6 =	vadd.s32 v1, v6;
	_ =	sdelay $0x3  }
0x252: {  	s24 =	simm.s32 $0xFE00;
	v5 =	vperm.xlane v5, v2  }
0x253: {  	[tilespmem:s24], [sflag:$0x3] =	stream.indirect_vreg.gather [hbm4b:s3+s2], $0x80, v6, vm0, $0xb8;
	[tilespmem:$0x1FA00] =	vst v63  }
0x254: {  	v5 =	vadd.s32 v1, v5;
	s24 =	simm.s32 $0x10600  }
0x255: {  	[tilespmem:s24], [sflag:$0x3] =	stream.indirect_vreg.gather [hbm4b:s23+s2], $0x80, v6, vm0, $0xb8;
	[tilespmem:$0x1FA00] =	vst v63  }
0x256: {  	s24 =	simm.s32 $0x10E00  }
0x257: {  	[tilespmem:s24], [sflag:$0x3] =	stream.indirect_vreg.gather [hbm4b:s22+s2], $0x80, v6, vm0, $0xb8;
	[tilespmem:$0x1FA00] =	vst v63  }
0x258: {  	s24 =	simm.s32 $0x11600  }
0x259: {  	[tilespmem:s24], [sflag:$0x3] =	stream.indirect_vreg.gather [hbm4b:s3+s2], $0x80, v5, vm0, $0xb8;
	[tilespmem:$0x1FA00] =	vst v63  }
0x25a: {  	s24 =	simm.s32 $0x11E00  }
0x25b: {  	[tilespmem:s24], [sflag:$0x3] =	stream.indirect_vreg.gather [hbm4b:s23+s2], $0x80, v5, vm0, $0xb8;
	[tilespmem:$0x1FA00] =	vst v63  }
0x25c: {  	s24 =	simm.s32 $0x12600  }
0x25d: {  	[tilespmem:s24], [sflag:$0x3] =	stream.indirect_vreg.gather [hbm4b:s22+s2], $0x80, v5, vm0, $0xb8;
	[tilespmem:$0x1FA00] =	vst v63  }
0x25e: {  	_ =	swait.ge [sflag:s13], $0x6000  }
0x25f: {  	[sflag:s13] =	ssyncset.done $0x0  }
0x260: {  	s4 =	simm.s32 $0x12E00;
	s24 =	rddreg [dreg:$0x12];
	[sflag:s13] =	ssyncadd.s32 $0xFFFFA000  }
0x261: {  	[hbm4b:s24+s2] =	stream.linear.scatter [tilespmem:s4], [sflag:$0xA], $0x6000, $0x38;
	[tilespmem:$0x1FA00] =	vst v63  }
0x262: {  	s4 =	simm.s32 $0xC  }
0x263: {  	_ =	swait.ge [sflag:s4], $0xC00  }
0x264: {  	[sflag:s4] =	ssyncset.done $0x0  }
0x265: {  	[sflag:s4] =	ssyncadd.s32 $0xFFFFF400  }
0x266: {  	v5 =	vld.msk [tilespmem:$0xC80], $0xf;
	_ =	sdelay $0x4  }
0x267: {  	v6 =	vshrl.u32 v5, $0x3  }
0x268: {  	v6 =	vmul.u32 $0x30, v6  }
0x269: {  	v5 =	vand.u32 $0x7, v5  }
0x26a: {  	v5 =	vor.u32 v5, v6  }
0x26b: {  	v5 =	vperm.xlane v5, v3;
	_ =	sdelay $0x1  }
0x26c: {  	v5 =	vadd.s32 v4, v5;
	_ =	sdelay $0x4  }
0x26d: {  	[tilespmem:s0], [sflag:$0x6] =	stream.indirect_vreg.gather [hbm4b:s3+s2], $0x80, v5, vm0, $0xb8;
	[tilespmem:$0x1FA00] =	vst v63  }
0x26e: {  	s24 =	simm.s32 $0x1F600  }
0x26f: {  	[tilespmem:s24], [sflag:$0x6] =	stream.indirect_vreg.gather [hbm4b:s22+s2], $0x80, v5, vm1, $0xb8;
	[tilespmem:$0x1FA00] =	vst v63  }
0x270: {  	_ =	swait.ge [sflag:s16], $0x6000  }
0x271: {  	[sflag:s16] =	ssyncset.done $0x0  }
0x272: {  	s5 =	simm.s32 $0x18E00;
	s0 =	rddreg [dreg:$0x13];
	[sflag:s16] =	ssyncadd.s32 $0xFFFFA000  }
0x273: {  	[hbm4b:s0+s2] =	stream.linear.scatter [tilespmem:s5], [sflag:$0xB], $0x6000, $0x38;
	[tilespmem:$0x1FA00] =	vst v63  }
0x274: {  	_ =	swait.ge [sflag:s17], $0x6000  }
0x275: {  	[sflag:s17] =	ssyncset.done $0x0  }
0x276: {  	[sflag:s17] =	ssyncadd.s32 $0xFFFFA000  }
0x277: {  	v5 =	vld [tilespmem:$0x100];
	_ =	sdelay $0x4  }
0x278: {  	v6 =	vshrl.u32 v5, $0x3  }
0x279: {  	v6 =	vmul.u32 $0x30, v6  }
0x27a: {  	v5 =	vand.u32 $0x7, v5  }
0x27b: {  	v5 =	vor.u32 v5, v6  }
0x27c: {  	v6 =	vperm.xlane v5, v0;
	_ =	sdelay $0x1  }
0x27d: {  	v6 =	vadd.s32 v1, v6;
	_ =	sdelay $0x3  }
0x27e: {  	v5 =	vperm.xlane v5, v2  }
0x27f: {  	[tilespmem:s5], [sflag:$0x5] =	stream.indirect_vreg.gather [hbm4b:s3+s2], $0x80, v6, vm0, $0xb8;
	[tilespmem:$0x1FA00] =	vst v63  }
0x280: {  	s24 =	simm.s32 $0x19600;
	v5 =	vadd.s32 v1, v5  }
0x281: {  	[tilespmem:s24], [sflag:$0x5] =	stream.indirect_vreg.gather [hbm4b:s23+s2], $0x80, v6, vm0, $0xb8;
	[tilespmem:$0x1FA00] =	vst v63  }
0x282: {  	s5 =	simm.s32 $0x19E00  }
0x283: {  	[tilespmem:s5], [sflag:$0x5] =	stream.indirect_vreg.gather [hbm4b:s22+s2], $0x80, v6, vm0, $0xb8;
	[tilespmem:$0x1FA00] =	vst v63  }
0x284: {  	_ = 	snop  }
0x285: {  	[tilespmem:s19], [sflag:$0x5] =	stream.indirect_vreg.gather [hbm4b:s3+s2], $0x80, v5, vm0, $0xb8;
	[tilespmem:$0x1FA00] =	vst v63  }
0x286: {  	s24 =	simm.s32 $0x1AE00  }
0x287: {  	[tilespmem:s24], [sflag:$0x5] =	stream.indirect_vreg.gather [hbm4b:s23+s2], $0x80, v5, vm0, $0xb8;
	[tilespmem:$0x1FA00] =	vst v63  }
0x288: {  	s5 =	simm.s32 $0x1B600  }
0x289: {  	[tilespmem:s5], [sflag:$0x5] =	stream.indirect_vreg.gather [hbm4b:s22+s2], $0x80, v5, vm0, $0xb8;
	[tilespmem:$0x1FA00] =	vst v63  }
0x28a: {  	v5 =	vld [tilespmem:$0x110];
	_ =	sdelay $0x4  }
0x28b: {  	v6 =	vshrl.u32 v5, $0x3  }
0x28c: {  	v6 =	vmul.u32 $0x30, v6  }
0x28d: {  	v5 =	vand.u32 $0x7, v5  }
0x28e: {  	v5 =	vor.u32 v5, v6  }
0x28f: {  	v6 =	vperm.xlane v5, v0;
	_ =	sdelay $0x1  }
0x290: {  	v6 =	vadd.s32 v1, v6;
	_ =	sdelay $0x3  }
0x291: {  	s19 =	simm.s32 $0x1BE00;
	v5 =	vperm.xlane v5, v2  }
0x292: {  	[tilespmem:s19], [sflag:$0x5] =	stream.indirect_vreg.gather [hbm4b:s3+s2], $0x80, v6, vm0, $0xb8;
	[tilespmem:$0x1FA00] =	vst v63  }
0x293: {  	s24 =	simm.s32 $0x1C600;
	v5 =	vadd.s32 v1, v5  }
0x294: {  	[tilespmem:s24], [sflag:$0x5] =	stream.indirect_vreg.gather [hbm4b:s23+s2], $0x80, v6, vm0, $0xb8;
	[tilespmem:$0x1FA00] =	vst v63  }
0x295: {  	_ = 	snop  }
0x296: {  	[tilespmem:s1], [sflag:$0x5] =	stream.indirect_vreg.gather [hbm4b:s22+s2], $0x80, v6, vm0, $0xb8;
	[tilespmem:$0x1FA00] =	vst v63  }
0x297: {  	s5 =	simm.s32 $0x1D600  }
0x298: {  	[tilespmem:s5], [sflag:$0x5] =	stream.indirect_vreg.gather [hbm4b:s3+s2], $0x80, v5, vm0, $0xb8;
	[tilespmem:$0x1FA00] =	vst v63  }
0x299: {  	s19 =	simm.s32 $0x1DE00  }
0x29a: {  	[tilespmem:s19], [sflag:$0x5] =	stream.indirect_vreg.gather [hbm4b:s23+s2], $0x80, v5, vm0, $0xb8;
	[tilespmem:$0x1FA00] =	vst v63  }
0x29b: {  	s24 =	simm.s32 $0x1E600  }
0x29c: {  	[tilespmem:s24], [sflag:$0x5] =	stream.indirect_vreg.gather [hbm4b:s22+s2], $0x80, v5, vm0, $0xb8;
	[tilespmem:$0x1FA00] =	vst v63  }
0x29d: {  	_ =	swait.ge [sflag:s9], $0x6000  }
0x29e: {  	[sflag:s9] =	ssyncset.done $0x0  }
0x29f: {  	s1 =	simm.s32 $0xE00;
	s0 =	rddreg [dreg:$0x14];
	[sflag:s9] =	ssyncadd.s32 $0xFFFFA000  }
0x2a0: {  	[hbm4b:s0+s2] =	stream.linear.scatter [tilespmem:s1], [sflag:$0x7], $0x6000, $0x38;
	[tilespmem:$0x1FA00] =	vst v63  }
0x2a1: {  	_ =	swait.ge [sflag:s14], $0x6000  }
0x2a2: {  	[sflag:s14] =	ssyncset.done $0x0  }
0x2a3: {  	[sflag:s14] =	ssyncadd.s32 $0xFFFFA000  }
0x2a4: {  	v5 =	vld [tilespmem:$0x300];
	_ =	sdelay $0x4  }
0x2a5: {  	v6 =	vshrl.u32 v5, $0x3  }
0x2a6: {  	v6 =	vmul.u32 $0x30, v6  }
0x2a7: {  	v5 =	vand.u32 $0x7, v5  }
0x2a8: {  	v5 =	vor.u32 v5, v6  }
0x2a9: {  	v6 =	vperm.xlane v5, v0;
	_ =	sdelay $0x1  }
0x2aa: {  	v6 =	vadd.s32 v1, v6;
	_ =	sdelay $0x3  }
0x2ab: {  	v5 =	vperm.xlane v5, v2  }
0x2ac: {  	[tilespmem:s1], [sflag:$0x1] =	stream.indirect_vreg.gather [hbm4b:s3+s2], $0x80, v6, vm0, $0xb8;
	[tilespmem:$0x1FA00] =	vst v63  }
0x2ad: {  	s19 =	simm.s32 $0x1600;
	v5 =	vadd.s32 v1, v5  }
0x2ae: {  	[tilespmem:s19], [sflag:$0x1] =	stream.indirect_vreg.gather [hbm4b:s23+s2], $0x80, v6, vm0, $0xb8;
	[tilespmem:$0x1FA00] =	vst v63  }
0x2af: {  	s24 =	simm.s32 $0x1E00  }
0x2b0: {  	[tilespmem:s24], [sflag:$0x1] =	stream.indirect_vreg.gather [hbm4b:s22+s2], $0x80, v6, vm0, $0xb8;
	[tilespmem:$0x1FA00] =	vst v63  }
0x2b1: {  	s1 =	simm.s32 $0x2600  }
0x2b2: {  	[tilespmem:s1], [sflag:$0x1] =	stream.indirect_vreg.gather [hbm4b:s3+s2], $0x80, v5, vm0, $0xb8;
	[tilespmem:$0x1FA00] =	vst v63  }
0x2b3: {  	s5 =	simm.s32 $0x2E00  }
0x2b4: {  	[tilespmem:s5], [sflag:$0x1] =	stream.indirect_vreg.gather [hbm4b:s23+s2], $0x80, v5, vm0, $0xb8;
	[tilespmem:$0x1FA00] =	vst v63  }
0x2b5: {  	_ = 	snop  }
0x2b6: {  	[tilespmem:s8], [sflag:$0x1] =	stream.indirect_vreg.gather [hbm4b:s22+s2], $0x80, v5, vm0, $0xb8;
	[tilespmem:$0x1FA00] =	vst v63  }
0x2b7: {  	v5 =	vld [tilespmem:$0x310];
	_ =	sdelay $0x4  }
0x2b8: {  	v6 =	vshrl.u32 v5, $0x3  }
0x2b9: {  	v6 =	vmul.u32 $0x30, v6  }
0x2ba: {  	v5 =	vand.u32 $0x7, v5  }
0x2bb: {  	v5 =	vor.u32 v5, v6  }
0x2bc: {  	v6 =	vperm.xlane v5, v0;
	_ =	sdelay $0x1  }
0x2bd: {  	v6 =	vadd.s32 v1, v6;
	_ =	sdelay $0x3  }
0x2be: {  	s19 =	simm.s32 $0x3E00;
	v5 =	vperm.xlane v5, v2  }
0x2bf: {  	[tilespmem:s19], [sflag:$0x1] =	stream.indirect_vreg.gather [hbm4b:s3+s2], $0x80, v6, vm0, $0xb8;
	[tilespmem:$0x1FA00] =	vst v63  }
0x2c0: {  	s24 =	simm.s32 $0x4600;
	v5 =	vadd.s32 v1, v5  }
0x2c1: {  	[tilespmem:s24], [sflag:$0x1] =	stream.indirect_vreg.gather [hbm4b:s23+s2], $0x80, v6, vm0, $0xb8;
	[tilespmem:$0x1FA00] =	vst v63  }
0x2c2: {  	_ = 	snop  }
0x2c3: {  	[tilespmem:s10], [sflag:$0x1] =	stream.indirect_vreg.gather [hbm4b:s22+s2], $0x80, v6, vm0, $0xb8;
	[tilespmem:$0x1FA00] =	vst v63  }
0x2c4: {  	s1 =	simm.s32 $0x5600  }
0x2c5: {  	[tilespmem:s1], [sflag:$0x1] =	stream.indirect_vreg.gather [hbm4b:s3+s2], $0x80, v5, vm0, $0xb8;
	[tilespmem:$0x1FA00] =	vst v63  }
0x2c6: {  	s5 =	simm.s32 $0x5E00  }
0x2c7: {  	[tilespmem:s5], [sflag:$0x1] =	stream.indirect_vreg.gather [hbm4b:s23+s2], $0x80, v5, vm0, $0xb8;
	[tilespmem:$0x1FA00] =	vst v63  }
0x2c8: {  	s8 =	simm.s32 $0x6600  }
0x2c9: {  	[tilespmem:s8], [sflag:$0x1] =	stream.indirect_vreg.gather [hbm4b:s22+s2], $0x80, v5, vm0, $0xb8;
	[tilespmem:$0x1FA00] =	vst v63  }
0x2ca: {  	_ =	swait.ge [sflag:s11], $0x6000  }
0x2cb: {  	[sflag:s11] =	ssyncset.done $0x0  }
0x2cc: {  	s19 =	simm.s32 $0x6E00;
	s10 =	rddreg [dreg:$0x15];
	[sflag:s11] =	ssyncadd.s32 $0xFFFFA000  }
0x2cd: {  	[hbm4b:s10+s2] =	stream.linear.scatter [tilespmem:s19], [sflag:$0x8], $0x6000, $0x38;
	[tilespmem:$0x1FA00] =	vst v63  }
0x2ce: {  	_ =	swait.ge [sflag:s6], $0x6000  }
0x2cf: {  	[sflag:s6] =	ssyncset.done $0x0  }
0x2d0: {  	[sflag:s6] =	ssyncadd.s32 $0xFFFFA000  }
0x2d1: {  	v5 =	vld [tilespmem:$0x500];
	_ =	sdelay $0x4  }
0x2d2: {  	v6 =	vshrl.u32 v5, $0x3  }
0x2d3: {  	v6 =	vmul.u32 $0x30, v6  }
0x2d4: {  	v5 =	vand.u32 $0x7, v5  }
0x2d5: {  	v5 =	vor.u32 v5, v6  }
0x2d6: {  	v6 =	vperm.xlane v5, v0;
	_ =	sdelay $0x1  }
0x2d7: {  	v6 =	vadd.s32 v1, v6;
	_ =	sdelay $0x3  }
0x2d8: {  	v5 =	vperm.xlane v5, v2  }
0x2d9: {  	[tilespmem:s19], [sflag:$0x2] =	stream.indirect_vreg.gather [hbm4b:s3+s2], $0x80, v6, vm0, $0xb8;
	[tilespmem:$0x1FA00] =	vst v63  }
0x2da: {  	v5 =	vadd.s32 v1, v5  }
0x2db: {  	[tilespmem:s26], [sflag:$0x2] =	stream.indirect_vreg.gather [hbm4b:s23+s2], $0x80, v6, vm0, $0xb8;
	[tilespmem:$0x1FA00] =	vst v63  }
0x2dc: {  	_ = 	snop  }
0x2dd: {  	[tilespmem:s28], [sflag:$0x2] =	stream.indirect_vreg.gather [hbm4b:s22+s2], $0x80, v6, vm0, $0xb8;
	[tilespmem:$0x1FA00] =	vst v63  }
0x2de: {  	_ = 	snop  }
0x2df: {  	[tilespmem:s29], [sflag:$0x2] =	stream.indirect_vreg.gather [hbm4b:s3+s2], $0x80, v5, vm0, $0xb8;
	[tilespmem:$0x1FA00] =	vst v63  }
0x2e0: {  	_ = 	snop  }
0x2e1: {  	[tilespmem:s30], [sflag:$0x2] =	stream.indirect_vreg.gather [hbm4b:s23+s2], $0x80, v5, vm0, $0xb8;
	[tilespmem:$0x1FA00] =	vst v63  }
0x2e2: {  	_ = 	snop  }
0x2e3: {  	[tilespmem:s20], [sflag:$0x2] =	stream.indirect_vreg.gather [hbm4b:s22+s2], $0x80, v5, vm0, $0xb8;
	[tilespmem:$0x1FA00] =	vst v63  }
0x2e4: {  	v5 =	vld [tilespmem:$0x510];
	_ =	sdelay $0x4  }
0x2e5: {  	v6 =	vshrl.u32 v5, $0x3  }
0x2e6: {  	v6 =	vmul.u32 $0x30, v6  }
0x2e7: {  	v5 =	vand.u32 $0x7, v5  }
0x2e8: {  	v5 =	vor.u32 v5, v6  }
0x2e9: {  	v6 =	vperm.xlane v5, v0;
	_ =	sdelay $0x1  }
0x2ea: {  	v6 =	vadd.s32 v1, v6;
	_ =	sdelay $0x3  }
0x2eb: {  	s20 =	simm.s32 $0x9E00;
	v5 =	vperm.xlane v5, v2  }
0x2ec: {  	[tilespmem:s20], [sflag:$0x2] =	stream.indirect_vreg.gather [hbm4b:s3+s2], $0x80, v6, vm0, $0xb8;
	[tilespmem:$0x1FA00] =	vst v63  }
0x2ed: {  	v5 =	vadd.s32 v1, v5  }
0x2ee: {  	[tilespmem:s31], [sflag:$0x2] =	stream.indirect_vreg.gather [hbm4b:s23+s2], $0x80, v6, vm0, $0xb8;
	[tilespmem:$0x1FA00] =	vst v63  }
0x2ef: {  	s24 =	simm.s32 $0xAE00  }
0x2f0: {  	[tilespmem:s24], [sflag:$0x2] =	stream.indirect_vreg.gather [hbm4b:s22+s2], $0x80, v6, vm0, $0xb8;
	[tilespmem:$0x1FA00] =	vst v63  }
0x2f1: {  	s26 =	simm.s32 $0xB600  }
0x2f2: {  	[tilespmem:s26], [sflag:$0x2] =	stream.indirect_vreg.gather [hbm4b:s3+s2], $0x80, v5, vm0, $0xb8;
	[tilespmem:$0x1FA00] =	vst v63  }
0x2f3: {  	_ = 	snop  }
0x2f4: {  	[tilespmem:s25], [sflag:$0x2] =	stream.indirect_vreg.gather [hbm4b:s23+s2], $0x80, v5, vm0, $0xb8;
	[tilespmem:$0x1FA00] =	vst v63  }
0x2f5: {  	s28 =	simm.s32 $0xC600  }
0x2f6: {  	[tilespmem:s28], [sflag:$0x2] =	stream.indirect_vreg.gather [hbm4b:s22+s2], $0x80, v5, vm0, $0xb8;
	[tilespmem:$0x1FA00] =	vst v63  }
0x2f7: {  	_ =	swait.ge [sflag:s12], $0x6000  }
0x2f8: {  	[sflag:s12] =	ssyncset.done $0x0  }
0x2f9: {  	s30 =	simm.s32 $0xCE00;
	s29 =	rddreg [dreg:$0x16];
	[sflag:s12] =	ssyncadd.s32 $0xFFFFA000  }
0x2fa: {  	[hbm4b:s29+s2] =	stream.linear.scatter [tilespmem:s30], [sflag:$0x9], $0x6000, $0x38;
	[tilespmem:$0x1FA00] =	vst v63  }
0x2fb: {  	_ =	swait.ge [sflag:s15], $0x6000  }
0x2fc: {  	[sflag:s15] =	ssyncset.done $0x0  }
0x2fd: {  	[sflag:s15] =	ssyncadd.s32 $0xFFFFA000  }
0x2fe: {  	v5 =	vld [tilespmem:$0x700];
	_ =	sdelay $0x4  }
0x2ff: {  	v6 =	vshrl.u32 v5, $0x3  }
0x300: {  	v6 =	vmul.u32 $0x30, v6  }
0x301: {  	v5 =	vand.u32 $0x7, v5  }
0x302: {  	v5 =	vor.u32 v5, v6  }
0x303: {  	v6 =	vperm.xlane v5, v0;
	_ =	sdelay $0x1  }
0x304: {  	v6 =	vadd.s32 v1, v6;
	_ =	sdelay $0x3  }
0x305: {  	v5 =	vperm.xlane v5, v2  }
0x306: {  	[tilespmem:s30], [sflag:$0x3] =	stream.indirect_vreg.gather [hbm4b:s3+s2], $0x80, v6, vm0, $0xb8;
	[tilespmem:$0x1FA00] =	vst v63  }
0x307: {  	s31 =	simm.s32 $0xD600;
	v5 =	vadd.s32 v1, v5  }
0x308: {  	[tilespmem:s31], [sflag:$0x3] =	stream.indirect_vreg.gather [hbm4b:s23+s2], $0x80, v6, vm0, $0xb8;
	[tilespmem:$0x1FA00] =	vst v63  }
0x309: {  	s1 =	simm.s32 $0xDE00  }
0x30a: {  	[tilespmem:s1], [sflag:$0x3] =	stream.indirect_vreg.gather [hbm4b:s22+s2], $0x80, v6, vm0, $0xb8;
	[tilespmem:$0x1FA00] =	vst v63  }
0x30b: {  	s5 =	simm.s32 $0xE600  }
0x30c: {  	[tilespmem:s5], [sflag:$0x3] =	stream.indirect_vreg.gather [hbm4b:s3+s2], $0x80, v5, vm0, $0xb8;
	[tilespmem:$0x1FA00] =	vst v63  }
0x30d: {  	s8 =	simm.s32 $0xEE00  }
0x30e: {  	[tilespmem:s8], [sflag:$0x3] =	stream.indirect_vreg.gather [hbm4b:s23+s2], $0x80, v5, vm0, $0xb8;
	[tilespmem:$0x1FA00] =	vst v63  }
0x30f: {  	s10 =	simm.s32 $0xF600  }
0x310: {  	[tilespmem:s10], [sflag:$0x3] =	stream.indirect_vreg.gather [hbm4b:s22+s2], $0x80, v5, vm0, $0xb8;
	[tilespmem:$0x1FA00] =	vst v63  }
0x311: {  	v5 =	vld [tilespmem:$0x710];
	_ =	sdelay $0x4  }
0x312: {  	v6 =	vshrl.u32 v5, $0x3  }
0x313: {  	v6 =	vmul.u32 $0x30, v6  }
0x314: {  	v5 =	vand.u32 $0x7, v5  }
0x315: {  	v5 =	vor.u32 v5, v6  }
0x316: {  	v6 =	vperm.xlane v5, v0;
	_ =	sdelay $0x1  }
0x317: {  	v6 =	vadd.s32 v1, v6;
	_ =	sdelay $0x3  }
0x318: {  	s19 =	simm.s32 $0xFE00;
	v5 =	vperm.xlane v5, v2  }
0x319: {  	[tilespmem:s19], [sflag:$0x3] =	stream.indirect_vreg.gather [hbm4b:s3+s2], $0x80, v6, vm0, $0xb8;
	[tilespmem:$0x1FA00] =	vst v63  }
0x31a: {  	s20 =	simm.s32 $0x10600;
	v5 =	vadd.s32 v1, v5  }
0x31b: {  	[tilespmem:s20], [sflag:$0x3] =	stream.indirect_vreg.gather [hbm4b:s23+s2], $0x80, v6, vm0, $0xb8;
	[tilespmem:$0x1FA00] =	vst v63  }
0x31c: {  	s24 =	simm.s32 $0x10E00  }
0x31d: {  	[tilespmem:s24], [sflag:$0x3] =	stream.indirect_vreg.gather [hbm4b:s22+s2], $0x80, v6, vm0, $0xb8;
	[tilespmem:$0x1FA00] =	vst v63  }
0x31e: {  	s25 =	simm.s32 $0x11600  }
0x31f: {  	[tilespmem:s25], [sflag:$0x3] =	stream.indirect_vreg.gather [hbm4b:s3+s2], $0x80, v5, vm0, $0xb8;
	[tilespmem:$0x1FA00] =	vst v63  }
0x320: {  	s26 =	simm.s32 $0x11E00  }
0x321: {  	[tilespmem:s26], [sflag:$0x3] =	stream.indirect_vreg.gather [hbm4b:s23+s2], $0x80, v5, vm0, $0xb8;
	[tilespmem:$0x1FA00] =	vst v63  }
0x322: {  	s28 =	simm.s32 $0x12600  }
0x323: {  	[tilespmem:s28], [sflag:$0x3] =	stream.indirect_vreg.gather [hbm4b:s22+s2], $0x80, v5, vm0, $0xb8;
	[tilespmem:$0x1FA00] =	vst v63  }
0x324: {  	_ =	swait.ge [sflag:s7], $0xC00  }
0x325: {  	s30 =	simm.s32 $0x200;
	s31 =	simm.s32 $0x400;
	[sflag:s7] =	ssyncset.done $0x0  }
0x326: {  	s1 =	simm.s32 $0x1EE00;
	s29 =	rddreg [dreg:$0x17];
	[sflag:s7] =	ssyncadd.s32 $0xFFFFF400  }
0x327: {  	[hbm4b:s29+s30] =	stream.strided.scatter [tilespmem:s1], [sflag:$0xC], $0xC00, s31, s30, $0x38;
	[tilespmem:$0x1FA00] =	vst v63  }
0x328: {  	_ =	swait.ge [sflag:s21], $0x6000  }
0x329: {  	[sflag:s21] =	ssyncset.done $0x0  }
0x32a: {  	[sflag:s21] =	ssyncadd.s32 $0xFFFFA000  }
0x32b: {  	v5 =	vld [tilespmem:$0x900];
	_ =	sdelay $0x4  }
0x32c: {  	v6 =	vshrl.u32 v5, $0x3  }
0x32d: {  	v6 =	vmul.u32 $0x30, v6  }
0x32e: {  	v5 =	vand.u32 $0x7, v5  }
0x32f: {  	v5 =	vor.u32 v5, v6  }
0x330: {  	v6 =	vperm.xlane v5, v0;
	_ =	sdelay $0x1  }
0x331: {  	v6 =	vadd.s32 v1, v6;
	_ =	sdelay $0x3  }
0x332: {  	s5 =	simm.s32 $0x12E00;
	v5 =	vperm.xlane v5, v2  }
0x333: {  	[tilespmem:s5], [sflag:$0x4] =	stream.indirect_vreg.gather [hbm4b:s3+s2], $0x80, v6, vm0, $0xb8;
	[tilespmem:$0x1FA00] =	vst v63  }
0x334: {  	s28 =	simm.s32 $0x13600;
	v5 =	vadd.s32 v1, v5  }
0x335: {  	[tilespmem:s28], [sflag:$0x4] =	stream.indirect_vreg.gather [hbm4b:s23+s2], $0x80, v6, vm0, $0xb8;
	[tilespmem:$0x1FA00] =	vst v63  }
0x336: {  	s29 =	simm.s32 $0x13E00  }
0x337: {  	[tilespmem:s29], [sflag:$0x4] =	stream.indirect_vreg.gather [hbm4b:s22+s2], $0x80, v6, vm0, $0xb8;
	[tilespmem:$0x1FA00] =	vst v63  }
0x338: {  	s30 =	simm.s32 $0x14600  }
0x339: {  	[tilespmem:s30], [sflag:$0x4] =	stream.indirect_vreg.gather [hbm4b:s3+s2], $0x80, v5, vm0, $0xb8;
	[tilespmem:$0x1FA00] =	vst v63  }
0x33a: {  	s31 =	simm.s32 $0x14E00  }
0x33b: {  	[tilespmem:s31], [sflag:$0x4] =	stream.indirect_vreg.gather [hbm4b:s23+s2], $0x80, v5, vm0, $0xb8;
	[tilespmem:$0x1FA00] =	vst v63  }
0x33c: {  	s19 =	simm.s32 $0x15600  }
0x33d: {  	[tilespmem:s19], [sflag:$0x4] =	stream.indirect_vreg.gather [hbm4b:s22+s2], $0x80, v5, vm0, $0xb8;
	[tilespmem:$0x1FA00] =	vst v63  }
0x33e: {  	v5 =	vld [tilespmem:$0x910];
	_ =	sdelay $0x4  }
0x33f: {  	v6 =	vshrl.u32 v5, $0x3  }
0x340: {  	v6 =	vmul.u32 $0x30, v6  }
0x341: {  	v5 =	vand.u32 $0x7, v5  }
0x342: {  	v5 =	vor.u32 v5, v6  }
0x343: {  	v6 =	vperm.xlane v5, v0;
	_ =	sdelay $0x1  }
0x344: {  	v6 =	vadd.s32 v1, v6;
	_ =	sdelay $0x3  }
0x345: {  	s20 =	simm.s32 $0x15E00;
	v5 =	vperm.xlane v5, v2  }
0x346: {  	[tilespmem:s20], [sflag:$0x4] =	stream.indirect_vreg.gather [hbm4b:s3+s2], $0x80, v6, vm0, $0xb8;
	[tilespmem:$0x1FA00] =	vst v63  }
0x347: {  	s25 =	simm.s32 $0x16600;
	v5 =	vadd.s32 v1, v5  }
0x348: {  	[tilespmem:s25], [sflag:$0x4] =	stream.indirect_vreg.gather [hbm4b:s23+s2], $0x80, v6, vm0, $0xb8;
	[tilespmem:$0x1FA00] =	vst v63  }
0x349: {  	s10 =	simm.s32 $0x16E00  }
0x34a: {  	[tilespmem:s10], [sflag:$0x4] =	stream.indirect_vreg.gather [hbm4b:s22+s2], $0x80, v6, vm0, $0xb8;
	[tilespmem:$0x1FA00] =	vst v63  }
0x34b: {  	s24 =	simm.s32 $0x17600  }
0x34c: {  	[tilespmem:s24], [sflag:$0x4] =	stream.indirect_vreg.gather [hbm4b:s3+s2], $0x80, v5, vm0, $0xb8;
	[tilespmem:$0x1FA00] =	vst v63  }
0x34d: {  	s26 =	simm.s32 $0x17E00  }
0x34e: {  	[tilespmem:s26], [sflag:$0x4] =	stream.indirect_vreg.gather [hbm4b:s23+s2], $0x80, v5, vm0, $0xb8;
	[tilespmem:$0x1FA00] =	vst v63  }
0x34f: {  	s26 =	simm.s32 $0x18600  }
0x350: {  	[tilespmem:s26], [sflag:$0x4] =	stream.indirect_vreg.gather [hbm4b:s22+s2], $0x80, v5, vm0, $0xb8;
	[tilespmem:$0x1FA00] =	vst v63  }
0x351: {  	_ =	swait.ge [sflag:s16], $0x6000  }
0x352: {  	[sflag:s16] =	ssyncset.done $0x0  }
0x353: {  	s10 =	simm.s32 $0x18E00;
	s5 =	rddreg [dreg:$0x18];
	[sflag:s16] =	ssyncadd.s32 $0xFFFFA000  }
0x354: {  	[hbm4b:s5+s2] =	stream.linear.scatter [tilespmem:s10], [sflag:$0xB], $0x6000, $0x38;
	[tilespmem:$0x1FA00] =	vst v63  }
0x355: {  	_ =	swait.ge [sflag:s17], $0x6000  }
0x356: {  	[sflag:s17] =	ssyncset.done $0x0  }
0x357: {  	[sflag:s17] =	ssyncadd.s32 $0xFFFFA000  }
0x358: {  	v5 =	vld [tilespmem:$0xB00];
	_ =	sdelay $0x4  }
0x359: {  	v6 =	vshrl.u32 v5, $0x3  }
0x35a: {  	v6 =	vmul.u32 $0x30, v6  }
0x35b: {  	v5 =	vand.u32 $0x7, v5  }
0x35c: {  	v5 =	vor.u32 v5, v6  }
0x35d: {  	v6 =	vperm.xlane v5, v0;
	_ =	sdelay $0x1  }
0x35e: {  	v6 =	vadd.s32 v1, v6;
	_ =	sdelay $0x3  }
0x35f: {  	v5 =	vperm.xlane v5, v2  }
0x360: {  	[tilespmem:s10], [sflag:$0x5] =	stream.indirect_vreg.gather [hbm4b:s3+s2], $0x80, v6, vm0, $0xb8;
	[tilespmem:$0x1FA00] =	vst v63  }
0x361: {  	s5 =	simm.s32 $0x19600;
	v5 =	vadd.s32 v1, v5  }
0x362: {  	[tilespmem:s5], [sflag:$0x5] =	stream.indirect_vreg.gather [hbm4b:s23+s2], $0x80, v6, vm0, $0xb8;
	[tilespmem:$0x1FA00] =	vst v63  }
0x363: {  	s10 =	simm.s32 $0x19E00  }
0x364: {  	[tilespmem:s10], [sflag:$0x5] =	stream.indirect_vreg.gather [hbm4b:s22+s2], $0x80, v6, vm0, $0xb8;
	[tilespmem:$0x1FA00] =	vst v63  }
0x365: {  	s5 =	simm.s32 $0x1A600  }
0x366: {  	[tilespmem:s5], [sflag:$0x5] =	stream.indirect_vreg.gather [hbm4b:s3+s2], $0x80, v5, vm0, $0xb8;
	[tilespmem:$0x1FA00] =	vst v63  }
0x367: {  	s24 =	simm.s32 $0x1AE00  }
0x368: {  	[tilespmem:s24], [sflag:$0x5] =	stream.indirect_vreg.gather [hbm4b:s23+s2], $0x80, v5, vm0, $0xb8;
	[tilespmem:$0x1FA00] =	vst v63  }
0x369: {  	s10 =	simm.s32 $0x1B600  }
0x36a: {  	[tilespmem:s10], [sflag:$0x5] =	stream.indirect_vreg.gather [hbm4b:s22+s2], $0x80, v5, vm0, $0xb8;
	[tilespmem:$0x1FA00] =	vst v63  }
0x36b: {  	v5 =	vld [tilespmem:$0xB10];
	_ =	sdelay $0x4  }
0x36c: {  	v6 =	vshrl.u32 v5, $0x3  }
0x36d: {  	v6 =	vmul.u32 $0x30, v6  }
0x36e: {  	v5 =	vand.u32 $0x7, v5  }
0x36f: {  	v5 =	vor.u32 v5, v6  }
0x370: {  	v6 =	vperm.xlane v5, v0;
	_ =	sdelay $0x1  }
0x371: {  	v6 =	vadd.s32 v1, v6;
	_ =	sdelay $0x3  }
0x372: {  	s24 =	simm.s32 $0x1BE00;
	v5 =	vperm.xlane v5, v2  }
0x373: {  	[tilespmem:s24], [sflag:$0x5] =	stream.indirect_vreg.gather [hbm4b:s3+s2], $0x80, v6, vm0, $0xb8;
	[tilespmem:$0x1FA00] =	vst v63  }
0x374: {  	s10 =	simm.s32 $0x1C600;
	v5 =	vadd.s32 v1, v5  }
0x375: {  	[tilespmem:s10], [sflag:$0x5] =	stream.indirect_vreg.gather [hbm4b:s23+s2], $0x80, v6, vm0, $0xb8;
	[tilespmem:$0x1FA00] =	vst v63  }
0x376: {  	s10 =	simm.s32 $0x1CE00  }
0x377: {  	[tilespmem:s10], [sflag:$0x5] =	stream.indirect_vreg.gather [hbm4b:s22+s2], $0x80, v6, vm0, $0xb8;
	[tilespmem:$0x1FA00] =	vst v63  }
0x378: {  	s24 =	simm.s32 $0x1D600  }
0x379: {  	[tilespmem:s24], [sflag:$0x5] =	stream.indirect_vreg.gather [hbm4b:s3+s2], $0x80, v5, vm0, $0xb8;
	[tilespmem:$0x1FA00] =	vst v63  }
0x37a: {  	s24 =	simm.s32 $0x1DE00  }
0x37b: {  	[tilespmem:s24], [sflag:$0x5] =	stream.indirect_vreg.gather [hbm4b:s23+s2], $0x80, v5, vm0, $0xb8;
	[tilespmem:$0x1FA00] =	vst v63  }
0x37c: {  	s24 =	simm.s32 $0x1E600  }
0x37d: {  	[tilespmem:s24], [sflag:$0x5] =	stream.indirect_vreg.gather [hbm4b:s22+s2], $0x80, v5, vm0, $0xb8;
	[tilespmem:$0x1FA00] =	vst v63  }
0x37e: {  	_ =	swait.ge [sflag:s9], $0x6000  }
0x37f: {  	[sflag:s9] =	ssyncset.done $0x0  }
0x380: {  	s0 =	simm.s32 $0xE00;
	s24 =	rddreg [dreg:$0x19];
	[sflag:s9] =	ssyncadd.s32 $0xFFFFA000  }
0x381: {  	[hbm4b:s24+s2] =	stream.linear.scatter [tilespmem:s0], [sflag:$0x7], $0x6000, $0x38;
	[tilespmem:$0x1FA00] =	vst v63  }
0x382: {  	_ =	swait.ge [sflag:s4], $0xC00  }
0x383: {  	[sflag:s4] =	ssyncset.done $0x0  }
0x384: {  	[sflag:s4] =	ssyncadd.s32 $0xFFFFF400  }
0x385: {  	v5 =	vld.msk [tilespmem:$0xD00], $0xf;
	_ =	sdelay $0x4  }
0x386: {  	v6 =	vshrl.u32 v5, $0x3  }
0x387: {  	v6 =	vmul.u32 $0x30, v6  }
0x388: {  	v5 =	vand.u32 $0x7, v5  }
0x389: {  	v5 =	vor.u32 v5, v6  }
0x38a: {  	v5 =	vperm.xlane v5, v3;
	_ =	sdelay $0x1  }
0x38b: {  	v5 =	vadd.s32 v4, v5;
	_ =	sdelay $0x4  }
0x38c: {  	[tilespmem:s1], [sflag:$0x6] =	stream.indirect_vreg.gather [hbm4b:s3+s2], $0x80, v5, vm0, $0xb8;
	[tilespmem:$0x1FA00] =	vst v63  }
0x38d: {  	s24 =	simm.s32 $0x1F600  }
0x38e: {  	[tilespmem:s24], [sflag:$0x6] =	stream.indirect_vreg.gather [hbm4b:s22+s2], $0x80, v5, vm1, $0xb8;
	[tilespmem:$0x1FA00] =	vst v63  }
0x38f: {  	_ =	swait.ge [sflag:s11], $0x6000  }
0x390: {  	[sflag:s11] =	ssyncset.done $0x0  }
0x391: {  	s1 =	simm.s32 $0x6E00;
	s0 =	rddreg [dreg:$0x1a];
	[sflag:s11] =	ssyncadd.s32 $0xFFFFA000  }
0x392: {  	[hbm4b:s0+s2] =	stream.linear.scatter [tilespmem:s1], [sflag:$0x8], $0x6000, $0x38;
	[tilespmem:$0x1FA00] =	vst v63  }
0x393: {  	_ =	swait.ge [sflag:s6], $0x6000  }
0x394: {  	[sflag:s6] =	ssyncset.done $0x0  }
0x395: {  	[sflag:s6] =	ssyncadd.s32 $0xFFFFA000  }
0x396: {  	v5 =	vld [tilespmem:$0x180];
	_ =	sdelay $0x4  }
0x397: {  	v6 =	vshrl.u32 v5, $0x3  }
0x398: {  	v6 =	vmul.u32 $0x30, v6  }
0x399: {  	v5 =	vand.u32 $0x7, v5  }
0x39a: {  	v5 =	vor.u32 v5, v6  }
0x39b: {  	v6 =	vperm.xlane v5, v0;
	_ =	sdelay $0x1  }
0x39c: {  	v6 =	vadd.s32 v1, v6;
	_ =	sdelay $0x3  }
0x39d: {  	v5 =	vperm.xlane v5, v2  }
0x39e: {  	[tilespmem:s1], [sflag:$0x2] =	stream.indirect_vreg.gather [hbm4b:s3+s2], $0x80, v6, vm0, $0xb8;
	[tilespmem:$0x1FA00] =	vst v63  }
0x39f: {  	s24 =	simm.s32 $0x7600;
	v5 =	vadd.s32 v1, v5  }
0x3a0: {  	[tilespmem:s24], [sflag:$0x2] =	stream.indirect_vreg.gather [hbm4b:s23+s2], $0x80, v6, vm0, $0xb8;
	[tilespmem:$0x1FA00] =	vst v63  }
0x3a1: {  	s24 =	simm.s32 $0x7E00  }
0x3a2: {  	[tilespmem:s24], [sflag:$0x2] =	stream.indirect_vreg.gather [hbm4b:s22+s2], $0x80, v6, vm0, $0xb8;
	[tilespmem:$0x1FA00] =	vst v63  }
0x3a3: {  	s24 =	simm.s32 $0x8600  }
0x3a4: {  	[tilespmem:s24], [sflag:$0x2] =	stream.indirect_vreg.gather [hbm4b:s3+s2], $0x80, v5, vm0, $0xb8;
	[tilespmem:$0x1FA00] =	vst v63  }
0x3a5: {  	s24 =	simm.s32 $0x8E00  }
0x3a6: {  	[tilespmem:s24], [sflag:$0x2] =	stream.indirect_vreg.gather [hbm4b:s23+s2], $0x80, v5, vm0, $0xb8;
	[tilespmem:$0x1FA00] =	vst v63  }
0x3a7: {  	s24 =	simm.s32 $0x9600  }
0x3a8: {  	[tilespmem:s24], [sflag:$0x2] =	stream.indirect_vreg.gather [hbm4b:s22+s2], $0x80, v5, vm0, $0xb8;
	[tilespmem:$0x1FA00] =	vst v63  }
0x3a9: {  	v5 =	vld [tilespmem:$0x190];
	_ =	sdelay $0x4  }
0x3aa: {  	v6 =	vshrl.u32 v5, $0x3  }
0x3ab: {  	v6 =	vmul.u32 $0x30, v6  }
0x3ac: {  	v5 =	vand.u32 $0x7, v5  }
0x3ad: {  	v5 =	vor.u32 v5, v6  }
0x3ae: {  	v6 =	vperm.xlane v5, v0;
	_ =	sdelay $0x1  }
0x3af: {  	v6 =	vadd.s32 v1, v6;
	_ =	sdelay $0x3  }
0x3b0: {  	s24 =	simm.s32 $0x9E00;
	v5 =	vperm.xlane v5, v2  }
0x3b1: {  	[tilespmem:s24], [sflag:$0x2] =	stream.indirect_vreg.gather [hbm4b:s3+s2], $0x80, v6, vm0, $0xb8;
	[tilespmem:$0x1FA00] =	vst v63  }
0x3b2: {  	v5 =	vadd.s32 v1, v5;
	s24 =	simm.s32 $0xA600  }
0x3b3: {  	[tilespmem:s24], [sflag:$0x2] =	stream.indirect_vreg.gather [hbm4b:s23+s2], $0x80, v6, vm0, $0xb8;
	[tilespmem:$0x1FA00] =	vst v63  }
0x3b4: {  	s24 =	simm.s32 $0xAE00  }
0x3b5: {  	[tilespmem:s24], [sflag:$0x2] =	stream.indirect_vreg.gather [hbm4b:s22+s2], $0x80, v6, vm0, $0xb8;
	[tilespmem:$0x1FA00] =	vst v63  }
0x3b6: {  	s24 =	simm.s32 $0xB600  }
0x3b7: {  	[tilespmem:s24], [sflag:$0x2] =	stream.indirect_vreg.gather [hbm4b:s3+s2], $0x80, v5, vm0, $0xb8;
	[tilespmem:$0x1FA00] =	vst v63  }
0x3b8: {  	s24 =	simm.s32 $0xBE00  }
0x3b9: {  	[tilespmem:s24], [sflag:$0x2] =	stream.indirect_vreg.gather [hbm4b:s23+s2], $0x80, v5, vm0, $0xb8;
	[tilespmem:$0x1FA00] =	vst v63  }
0x3ba: {  	s24 =	simm.s32 $0xC600  }
0x3bb: {  	[tilespmem:s24], [sflag:$0x2] =	stream.indirect_vreg.gather [hbm4b:s22+s2], $0x80, v5, vm0, $0xb8;
	[tilespmem:$0x1FA00] =	vst v63  }
0x3bc: {  	_ =	swait.ge [sflag:s12], $0x6000  }
0x3bd: {  	[sflag:s12] =	ssyncset.done $0x0  }
0x3be: {  	s1 =	simm.s32 $0xCE00;
	s24 =	rddreg [dreg:$0x1b];
	[sflag:s12] =	ssyncadd.s32 $0xFFFFA000  }
0x3bf: {  	[hbm4b:s24+s2] =	stream.linear.scatter [tilespmem:s1], [sflag:$0x9], $0x6000, $0x38;
	[tilespmem:$0x1FA00] =	vst v63  }
0x3c0: {  	_ =	swait.ge [sflag:s15], $0x6000  }
0x3c1: {  	[sflag:s15] =	ssyncset.done $0x0  }
0x3c2: {  	[sflag:s15] =	ssyncadd.s32 $0xFFFFA000  }
0x3c3: {  	v5 =	vld [tilespmem:$0x380];
	_ =	sdelay $0x4  }
0x3c4: {  	v6 =	vshrl.u32 v5, $0x3  }
0x3c5: {  	v6 =	vmul.u32 $0x30, v6  }
0x3c6: {  	v5 =	vand.u32 $0x7, v5  }
0x3c7: {  	v5 =	vor.u32 v5, v6  }
0x3c8: {  	v6 =	vperm.xlane v5, v0;
	_ =	sdelay $0x1  }
0x3c9: {  	v6 =	vadd.s32 v1, v6;
	_ =	sdelay $0x3  }
0x3ca: {  	v5 =	vperm.xlane v5, v2  }
0x3cb: {  	[tilespmem:s1], [sflag:$0x3] =	stream.indirect_vreg.gather [hbm4b:s3+s2], $0x80, v6, vm0, $0xb8;
	[tilespmem:$0x1FA00] =	vst v63  }
0x3cc: {  	s24 =	simm.s32 $0xD600;
	v5 =	vadd.s32 v1, v5  }
0x3cd: {  	[tilespmem:s24], [sflag:$0x3] =	stream.indirect_vreg.gather [hbm4b:s23+s2], $0x80, v6, vm0, $0xb8;
	[tilespmem:$0x1FA00] =	vst v63  }
0x3ce: {  	s24 =	simm.s32 $0xDE00  }
0x3cf: {  	[tilespmem:s24], [sflag:$0x3] =	stream.indirect_vreg.gather [hbm4b:s22+s2], $0x80, v6, vm0, $0xb8;
	[tilespmem:$0x1FA00] =	vst v63  }
0x3d0: {  	s24 =	simm.s32 $0xE600  }
0x3d1: {  	[tilespmem:s24], [sflag:$0x3] =	stream.indirect_vreg.gather [hbm4b:s3+s2], $0x80, v5, vm0, $0xb8;
	[tilespmem:$0x1FA00] =	vst v63  }
0x3d2: {  	s24 =	simm.s32 $0xEE00  }
0x3d3: {  	[tilespmem:s24], [sflag:$0x3] =	stream.indirect_vreg.gather [hbm4b:s23+s2], $0x80, v5, vm0, $0xb8;
	[tilespmem:$0x1FA00] =	vst v63  }
0x3d4: {  	s24 =	simm.s32 $0xF600  }
0x3d5: {  	[tilespmem:s24], [sflag:$0x3] =	stream.indirect_vreg.gather [hbm4b:s22+s2], $0x80, v5, vm0, $0xb8;
	[tilespmem:$0x1FA00] =	vst v63  }
0x3d6: {  	v5 =	vld [tilespmem:$0x390];
	_ =	sdelay $0x4  }
0x3d7: {  	v6 =	vshrl.u32 v5, $0x3  }
0x3d8: {  	v6 =	vmul.u32 $0x30, v6  }
0x3d9: {  	v5 =	vand.u32 $0x7, v5  }
0x3da: {  	v5 =	vor.u32 v5, v6  }
0x3db: {  	v6 =	vperm.xlane v5, v0;
	_ =	sdelay $0x1  }
0x3dc: {  	v6 =	vadd.s32 v1, v6;
	_ =	sdelay $0x3  }
0x3dd: {  	s24 =	simm.s32 $0xFE00;
	v5 =	vperm.xlane v5, v2  }
0x3de: {  	[tilespmem:s24], [sflag:$0x3] =	stream.indirect_vreg.gather [hbm4b:s3+s2], $0x80, v6, vm0, $0xb8;
	[tilespmem:$0x1FA00] =	vst v63  }
0x3df: {  	v5 =	vadd.s32 v1, v5;
	s24 =	simm.s32 $0x10600  }
0x3e0: {  	[tilespmem:s24], [sflag:$0x3] =	stream.indirect_vreg.gather [hbm4b:s23+s2], $0x80, v6, vm0, $0xb8;
	[tilespmem:$0x1FA00] =	vst v63  }
0x3e1: {  	s24 =	simm.s32 $0x10E00  }
0x3e2: {  	[tilespmem:s24], [sflag:$0x3] =	stream.indirect_vreg.gather [hbm4b:s22+s2], $0x80, v6, vm0, $0xb8;
	[tilespmem:$0x1FA00] =	vst v63  }
0x3e3: {  	s24 =	simm.s32 $0x11600  }
0x3e4: {  	[tilespmem:s24], [sflag:$0x3] =	stream.indirect_vreg.gather [hbm4b:s3+s2], $0x80, v5, vm0, $0xb8;
	[tilespmem:$0x1FA00] =	vst v63  }
0x3e5: {  	s24 =	simm.s32 $0x11E00  }
0x3e6: {  	[tilespmem:s24], [sflag:$0x3] =	stream.indirect_vreg.gather [hbm4b:s23+s2], $0x80, v5, vm0, $0xb8;
	[tilespmem:$0x1FA00] =	vst v63  }
0x3e7: {  	s8 =	simm.s32 $0x12600  }
0x3e8: {  	[tilespmem:s8], [sflag:$0x3] =	stream.indirect_vreg.gather [hbm4b:s22+s2], $0x80, v5, vm0, $0xb8;
	[tilespmem:$0x1FA00] =	vst v63  }
0x3e9: {  	_ =	swait.ge [sflag:s13], $0x6000  }
0x3ea: {  	[sflag:s13] =	ssyncset.done $0x0  }
0x3eb: {  	s1 =	simm.s32 $0x12E00;
	s8 =	rddreg [dreg:$0x1c];
	[sflag:s13] =	ssyncadd.s32 $0xFFFFA000  }
0x3ec: {  	[hbm4b:s8+s2] =	stream.linear.scatter [tilespmem:s1], [sflag:$0xA], $0x6000, $0x38;
	[tilespmem:$0x1FA00] =	vst v63  }
0x3ed: {  	_ =	swait.ge [sflag:s21], $0x6000  }
0x3ee: {  	[sflag:s21] =	ssyncset.done $0x0  }
0x3ef: {  	[sflag:s21] =	ssyncadd.s32 $0xFFFFA000  }
0x3f0: {  	v5 =	vld [tilespmem:$0x580];
	_ =	sdelay $0x4  }
0x3f1: {  	v6 =	vshrl.u32 v5, $0x3  }
0x3f2: {  	v6 =	vmul.u32 $0x30, v6  }
0x3f3: {  	v5 =	vand.u32 $0x7, v5  }
0x3f4: {  	v5 =	vor.u32 v5, v6  }
0x3f5: {  	v6 =	vperm.xlane v5, v0;
	_ =	sdelay $0x1  }
0x3f6: {  	v6 =	vadd.s32 v1, v6;
	_ =	sdelay $0x3  }
0x3f7: {  	v5 =	vperm.xlane v5, v2  }
0x3f8: {  	[tilespmem:s1], [sflag:$0x4] =	stream.indirect_vreg.gather [hbm4b:s3+s2], $0x80, v6, vm0, $0xb8;
	[tilespmem:$0x1FA00] =	vst v63  }
0x3f9: {  	v5 =	vadd.s32 v1, v5  }
0x3fa: {  	[tilespmem:s28], [sflag:$0x4] =	stream.indirect_vreg.gather [hbm4b:s23+s2], $0x80, v6, vm0, $0xb8;
	[tilespmem:$0x1FA00] =	vst v63  }
0x3fb: {  	_ = 	snop  }
0x3fc: {  	[tilespmem:s29], [sflag:$0x4] =	stream.indirect_vreg.gather [hbm4b:s22+s2], $0x80, v6, vm0, $0xb8;
	[tilespmem:$0x1FA00] =	vst v63  }
0x3fd: {  	_ = 	snop  }
0x3fe: {  	[tilespmem:s30], [sflag:$0x4] =	stream.indirect_vreg.gather [hbm4b:s3+s2], $0x80, v5, vm0, $0xb8;
	[tilespmem:$0x1FA00] =	vst v63  }
0x3ff: {  	_ = 	snop  }
0x400: {  	[tilespmem:s31], [sflag:$0x4] =	stream.indirect_vreg.gather [hbm4b:s23+s2], $0x80, v5, vm0, $0xb8;
	[tilespmem:$0x1FA00] =	vst v63  }
0x401: {  	_ = 	snop  }
0x402: {  	[tilespmem:s19], [sflag:$0x4] =	stream.indirect_vreg.gather [hbm4b:s22+s2], $0x80, v5, vm0, $0xb8;
	[tilespmem:$0x1FA00] =	vst v63  }
0x403: {  	v5 =	vld [tilespmem:$0x590];
	_ =	sdelay $0x4  }
0x404: {  	v6 =	vshrl.u32 v5, $0x3  }
0x405: {  	v6 =	vmul.u32 $0x30, v6  }
0x406: {  	v5 =	vand.u32 $0x7, v5  }
0x407: {  	v5 =	vor.u32 v5, v6  }
0x408: {  	v6 =	vperm.xlane v5, v0;
	_ =	sdelay $0x1  }
0x409: {  	v6 =	vadd.s32 v1, v6;
	_ =	sdelay $0x3  }
0x40a: {  	v5 =	vperm.xlane v5, v2  }
0x40b: {  	[tilespmem:s20], [sflag:$0x4] =	stream.indirect_vreg.gather [hbm4b:s3+s2], $0x80, v6, vm0, $0xb8;
	[tilespmem:$0x1FA00] =	vst v63  }
0x40c: {  	v5 =	vadd.s32 v1, v5  }
0x40d: {  	[tilespmem:s25], [sflag:$0x4] =	stream.indirect_vreg.gather [hbm4b:s23+s2], $0x80, v6, vm0, $0xb8;
	[tilespmem:$0x1FA00] =	vst v63  }
0x40e: {  	s19 =	simm.s32 $0x16E00  }
0x40f: {  	[tilespmem:s19], [sflag:$0x4] =	stream.indirect_vreg.gather [hbm4b:s22+s2], $0x80, v6, vm0, $0xb8;
	[tilespmem:$0x1FA00] =	vst v63  }
0x410: {  	s20 =	simm.s32 $0x17600  }
0x411: {  	[tilespmem:s20], [sflag:$0x4] =	stream.indirect_vreg.gather [hbm4b:s3+s2], $0x80, v5, vm0, $0xb8;
	[tilespmem:$0x1FA00] =	vst v63  }
0x412: {  	s24 =	simm.s32 $0x17E00  }
0x413: {  	[tilespmem:s24], [sflag:$0x4] =	stream.indirect_vreg.gather [hbm4b:s23+s2], $0x80, v5, vm0, $0xb8;
	[tilespmem:$0x1FA00] =	vst v63  }
0x414: {  	_ = 	snop  }
0x415: {  	[tilespmem:s26], [sflag:$0x4] =	stream.indirect_vreg.gather [hbm4b:s22+s2], $0x80, v5, vm0, $0xb8;
	[tilespmem:$0x1FA00] =	vst v63  }
0x416: {  	_ =	swait.ge [sflag:s16], $0x6000  }
0x417: {  	[sflag:s16] =	ssyncset.done $0x0  }
0x418: {  	s26 =	simm.s32 $0x18E00;
	s25 =	rddreg [dreg:$0x1d];
	[sflag:s16] =	ssyncadd.s32 $0xFFFFA000  }
0x419: {  	[hbm4b:s25+s2] =	stream.linear.scatter [tilespmem:s26], [sflag:$0xB], $0x6000, $0x38;
	[tilespmem:$0x1FA00] =	vst v63  }
0x41a: {  	_ =	swait.ge [sflag:s17], $0x6000  }
0x41b: {  	[sflag:s17] =	ssyncset.done $0x0  }
0x41c: {  	[sflag:s17] =	ssyncadd.s32 $0xFFFFA000  }
0x41d: {  	v5 =	vld [tilespmem:$0x780];
	_ =	sdelay $0x4  }
0x41e: {  	v6 =	vshrl.u32 v5, $0x3  }
0x41f: {  	v6 =	vmul.u32 $0x30, v6  }
0x420: {  	v5 =	vand.u32 $0x7, v5  }
0x421: {  	v5 =	vor.u32 v5, v6  }
0x422: {  	v6 =	vperm.xlane v5, v0;
	_ =	sdelay $0x1  }
0x423: {  	v6 =	vadd.s32 v1, v6;
	_ =	sdelay $0x3  }
0x424: {  	v5 =	vperm.xlane v5, v2  }
0x425: {  	[tilespmem:s26], [sflag:$0x5] =	stream.indirect_vreg.gather [hbm4b:s3+s2], $0x80, v6, vm0, $0xb8;
	[tilespmem:$0x1FA00] =	vst v63  }
0x426: {  	s28 =	simm.s32 $0x19600;
	v5 =	vadd.s32 v1, v5  }
0x427: {  	[tilespmem:s28], [sflag:$0x5] =	stream.indirect_vreg.gather [hbm4b:s23+s2], $0x80, v6, vm0, $0xb8;
	[tilespmem:$0x1FA00] =	vst v63  }
0x428: {  	s29 =	simm.s32 $0x19E00  }
0x429: {  	[tilespmem:s29], [sflag:$0x5] =	stream.indirect_vreg.gather [hbm4b:s22+s2], $0x80, v6, vm0, $0xb8;
	[tilespmem:$0x1FA00] =	vst v63  }
0x42a: {  	_ = 	snop  }
0x42b: {  	[tilespmem:s5], [sflag:$0x5] =	stream.indirect_vreg.gather [hbm4b:s3+s2], $0x80, v5, vm0, $0xb8;
	[tilespmem:$0x1FA00] =	vst v63  }
0x42c: {  	s30 =	simm.s32 $0x1AE00  }
0x42d: {  	[tilespmem:s30], [sflag:$0x5] =	stream.indirect_vreg.gather [hbm4b:s23+s2], $0x80, v5, vm0, $0xb8;
	[tilespmem:$0x1FA00] =	vst v63  }
0x42e: {  	s31 =	simm.s32 $0x1B600  }
0x42f: {  	[tilespmem:s31], [sflag:$0x5] =	stream.indirect_vreg.gather [hbm4b:s22+s2], $0x80, v5, vm0, $0xb8;
	[tilespmem:$0x1FA00] =	vst v63  }
0x430: {  	v5 =	vld [tilespmem:$0x790];
	_ =	sdelay $0x4  }
0x431: {  	v6 =	vshrl.u32 v5, $0x3  }
0x432: {  	v6 =	vmul.u32 $0x30, v6  }
0x433: {  	v5 =	vand.u32 $0x7, v5  }
0x434: {  	v5 =	vor.u32 v5, v6  }
0x435: {  	v6 =	vperm.xlane v5, v0;
	_ =	sdelay $0x1  }
0x436: {  	v6 =	vadd.s32 v1, v6;
	_ =	sdelay $0x3  }
0x437: {  	s5 =	simm.s32 $0x1BE00;
	v5 =	vperm.xlane v5, v2  }
0x438: {  	[tilespmem:s5], [sflag:$0x5] =	stream.indirect_vreg.gather [hbm4b:s3+s2], $0x80, v6, vm0, $0xb8;
	[tilespmem:$0x1FA00] =	vst v63  }
0x439: {  	s19 =	simm.s32 $0x1C600;
	v5 =	vadd.s32 v1, v5  }
0x43a: {  	[tilespmem:s19], [sflag:$0x5] =	stream.indirect_vreg.gather [hbm4b:s23+s2], $0x80, v6, vm0, $0xb8;
	[tilespmem:$0x1FA00] =	vst v63  }
0x43b: {  	_ = 	snop  }
0x43c: {  	[tilespmem:s10], [sflag:$0x5] =	stream.indirect_vreg.gather [hbm4b:s22+s2], $0x80, v6, vm0, $0xb8;
	[tilespmem:$0x1FA00] =	vst v63  }
0x43d: {  	s24 =	simm.s32 $0x1D600  }
0x43e: {  	[tilespmem:s24], [sflag:$0x5] =	stream.indirect_vreg.gather [hbm4b:s3+s2], $0x80, v5, vm0, $0xb8;
	[tilespmem:$0x1FA00] =	vst v63  }
0x43f: {  	s25 =	simm.s32 $0x1DE00  }
0x440: {  	[tilespmem:s25], [sflag:$0x5] =	stream.indirect_vreg.gather [hbm4b:s23+s2], $0x80, v5, vm0, $0xb8;
	[tilespmem:$0x1FA00] =	vst v63  }
0x441: {  	s26 =	simm.s32 $0x1E600  }
0x442: {  	[tilespmem:s26], [sflag:$0x5] =	stream.indirect_vreg.gather [hbm4b:s22+s2], $0x80, v5, vm0, $0xb8;
	[tilespmem:$0x1FA00] =	vst v63  }
0x443: {  	_ =	swait.ge [sflag:s7], $0xC00  }
0x444: {  	s1 =	simm.s32 $0x400;
	s29 =	simm.s32 $0x1EE00;
	[sflag:s7] =	ssyncset.done $0x0  }
0x445: {  	s19 =	simm.s32 $0x200;
	s28 =	rddreg [dreg:$0x1e];
	[sflag:s7] =	ssyncadd.s32 $0xFFFFF400  }
0x446: {  	[hbm4b:s28+s19] =	stream.strided.scatter [tilespmem:s29], [sflag:$0xC], $0xC00, s1, s19, $0x38;
	[tilespmem:$0x1FA00] =	vst v63  }
0x447: {  	_ =	swait.ge [sflag:s14], $0x6000  }
0x448: {  	[sflag:s14] =	ssyncset.done $0x0  }
0x449: {  	[sflag:s14] =	ssyncadd.s32 $0xFFFFA000  }
0x44a: {  	v5 =	vld [tilespmem:$0x980];
	_ =	sdelay $0x4  }
0x44b: {  	v6 =	vshrl.u32 v5, $0x3  }
0x44c: {  	v6 =	vmul.u32 $0x30, v6  }
0x44d: {  	v5 =	vand.u32 $0x7, v5  }
0x44e: {  	v5 =	vor.u32 v5, v6  }
0x44f: {  	v6 =	vperm.xlane v5, v0;
	_ =	sdelay $0x1  }
0x450: {  	v6 =	vadd.s32 v1, v6;
	_ =	sdelay $0x3  }
0x451: {  	s10 =	simm.s32 $0xE00;
	v5 =	vperm.xlane v5, v2  }
0x452: {  	[tilespmem:s10], [sflag:$0x1] =	stream.indirect_vreg.gather [hbm4b:s3+s2], $0x80, v6, vm0, $0xb8;
	[tilespmem:$0x1FA00] =	vst v63  }
0x453: {  	s30 =	simm.s32 $0x1600;
	v5 =	vadd.s32 v1, v5  }
0x454: {  	[tilespmem:s30], [sflag:$0x1] =	stream.indirect_vreg.gather [hbm4b:s23+s2], $0x80, v6, vm0, $0xb8;
	[tilespmem:$0x1FA00] =	vst v63  }
0x455: {  	s31 =	simm.s32 $0x1E00  }
0x456: {  	[tilespmem:s31], [sflag:$0x1] =	stream.indirect_vreg.gather [hbm4b:s22+s2], $0x80, v6, vm0, $0xb8;
	[tilespmem:$0x1FA00] =	vst v63  }
0x457: {  	s24 =	simm.s32 $0x2600  }
0x458: {  	[tilespmem:s24], [sflag:$0x1] =	stream.indirect_vreg.gather [hbm4b:s3+s2], $0x80, v5, vm0, $0xb8;
	[tilespmem:$0x1FA00] =	vst v63  }
0x459: {  	s25 =	simm.s32 $0x2E00  }
0x45a: {  	[tilespmem:s25], [sflag:$0x1] =	stream.indirect_vreg.gather [hbm4b:s23+s2], $0x80, v5, vm0, $0xb8;
	[tilespmem:$0x1FA00] =	vst v63  }
0x45b: {  	s26 =	simm.s32 $0x3600  }
0x45c: {  	[tilespmem:s26], [sflag:$0x1] =	stream.indirect_vreg.gather [hbm4b:s22+s2], $0x80, v5, vm0, $0xb8;
	[tilespmem:$0x1FA00] =	vst v63  }
0x45d: {  	v5 =	vld [tilespmem:$0x990];
	_ =	sdelay $0x4  }
0x45e: {  	v6 =	vshrl.u32 v5, $0x3  }
0x45f: {  	v6 =	vmul.u32 $0x30, v6  }
0x460: {  	v5 =	vand.u32 $0x7, v5  }
0x461: {  	v5 =	vor.u32 v5, v6  }
0x462: {  	v6 =	vperm.xlane v5, v0;
	_ =	sdelay $0x1  }
0x463: {  	v6 =	vadd.s32 v1, v6;
	_ =	sdelay $0x3  }
0x464: {  	s28 =	simm.s32 $0x3E00;
	v5 =	vperm.xlane v5, v2  }
0x465: {  	[tilespmem:s28], [sflag:$0x1] =	stream.indirect_vreg.gather [hbm4b:s3+s2], $0x80, v6, vm0, $0xb8;
	[tilespmem:$0x1FA00] =	vst v63  }
0x466: {  	s29 =	simm.s32 $0x4600;
	v5 =	vadd.s32 v1, v5  }
0x467: {  	[tilespmem:s29], [sflag:$0x1] =	stream.indirect_vreg.gather [hbm4b:s23+s2], $0x80, v6, vm0, $0xb8;
	[tilespmem:$0x1FA00] =	vst v63  }
0x468: {  	s30 =	simm.s32 $0x4E00  }
0x469: {  	[tilespmem:s30], [sflag:$0x1] =	stream.indirect_vreg.gather [hbm4b:s22+s2], $0x80, v6, vm0, $0xb8;
	[tilespmem:$0x1FA00] =	vst v63  }
0x46a: {  	s31 =	simm.s32 $0x5600  }
0x46b: {  	[tilespmem:s31], [sflag:$0x1] =	stream.indirect_vreg.gather [hbm4b:s3+s2], $0x80, v5, vm0, $0xb8;
	[tilespmem:$0x1FA00] =	vst v63  }
0x46c: {  	s24 =	simm.s32 $0x5E00  }
0x46d: {  	[tilespmem:s24], [sflag:$0x1] =	stream.indirect_vreg.gather [hbm4b:s23+s2], $0x80, v5, vm0, $0xb8;
	[tilespmem:$0x1FA00] =	vst v63  }
0x46e: {  	s25 =	simm.s32 $0x6600  }
0x46f: {  	[tilespmem:s25], [sflag:$0x1] =	stream.indirect_vreg.gather [hbm4b:s22+s2], $0x80, v5, vm0, $0xb8;
	[tilespmem:$0x1FA00] =	vst v63  }
0x470: {  	_ =	swait.ge [sflag:s11], $0x6000  }
0x471: {  	[sflag:s11] =	ssyncset.done $0x0  }
0x472: {  	s0 =	simm.s32 $0x6E00;
	s26 =	rddreg [dreg:$0x1f];
	[sflag:s11] =	ssyncadd.s32 $0xFFFFA000  }
0x473: {  	[hbm4b:s26+s2] =	stream.linear.scatter [tilespmem:s0], [sflag:$0x8], $0x6000, $0x38;
	[tilespmem:$0x1FA00] =	vst v63  }
0x474: {  	_ =	swait.ge [sflag:s6], $0x6000  }
0x475: {  	[sflag:s6] =	ssyncset.done $0x0  }
0x476: {  	[sflag:s6] =	ssyncadd.s32 $0xFFFFA000  }
0x477: {  	v5 =	vld [tilespmem:$0xB80];
	_ =	sdelay $0x4  }
0x478: {  	v6 =	vshrl.u32 v5, $0x3  }
0x479: {  	v6 =	vmul.u32 $0x30, v6  }
0x47a: {  	v5 =	vand.u32 $0x7, v5  }
0x47b: {  	v5 =	vor.u32 v5, v6  }
0x47c: {  	v6 =	vperm.xlane v5, v0;
	_ =	sdelay $0x1  }
0x47d: {  	v6 =	vadd.s32 v1, v6;
	_ =	sdelay $0x3  }
0x47e: {  	s0 =	simm.s32 $0x6E00;
	v5 =	vperm.xlane v5, v2  }
0x47f: {  	[tilespmem:s0], [sflag:$0x2] =	stream.indirect_vreg.gather [hbm4b:s3+s2], $0x80, v6, vm0, $0xb8;
	[tilespmem:$0x1FA00] =	vst v63  }
0x480: {  	s28 =	simm.s32 $0x7600;
	v5 =	vadd.s32 v1, v5  }
0x481: {  	[tilespmem:s28], [sflag:$0x2] =	stream.indirect_vreg.gather [hbm4b:s23+s2], $0x80, v6, vm0, $0xb8;
	[tilespmem:$0x1FA00] =	vst v63  }
0x482: {  	s29 =	simm.s32 $0x7E00  }
0x483: {  	[tilespmem:s29], [sflag:$0x2] =	stream.indirect_vreg.gather [hbm4b:s22+s2], $0x80, v6, vm0, $0xb8;
	[tilespmem:$0x1FA00] =	vst v63  }
0x484: {  	s30 =	simm.s32 $0x8600  }
0x485: {  	[tilespmem:s30], [sflag:$0x2] =	stream.indirect_vreg.gather [hbm4b:s3+s2], $0x80, v5, vm0, $0xb8;
	[tilespmem:$0x1FA00] =	vst v63  }
0x486: {  	s31 =	simm.s32 $0x8E00  }
0x487: {  	[tilespmem:s31], [sflag:$0x2] =	stream.indirect_vreg.gather [hbm4b:s23+s2], $0x80, v5, vm0, $0xb8;
	[tilespmem:$0x1FA00] =	vst v63  }
0x488: {  	s24 =	simm.s32 $0x9600  }
0x489: {  	[tilespmem:s24], [sflag:$0x2] =	stream.indirect_vreg.gather [hbm4b:s22+s2], $0x80, v5, vm0, $0xb8;
	[tilespmem:$0x1FA00] =	vst v63  }
0x48a: {  	v5 =	vld [tilespmem:$0xB90];
	_ =	sdelay $0x4  }
0x48b: {  	v6 =	vshrl.u32 v5, $0x3  }
0x48c: {  	v6 =	vmul.u32 $0x30, v6  }
0x48d: {  	v5 =	vand.u32 $0x7, v5  }
0x48e: {  	v5 =	vor.u32 v5, v6  }
0x48f: {  	v6 =	vperm.xlane v5, v0;
	_ =	sdelay $0x1  }
0x490: {  	v6 =	vadd.s32 v1, v6;
	_ =	sdelay $0x3  }
0x491: {  	s25 =	simm.s32 $0x9E00;
	v5 =	vperm.xlane v5, v2  }
0x492: {  	[tilespmem:s25], [sflag:$0x2] =	stream.indirect_vreg.gather [hbm4b:s3+s2], $0x80, v6, vm0, $0xb8;
	[tilespmem:$0x1FA00] =	vst v63  }
0x493: {  	s26 =	simm.s32 $0xA600;
	v5 =	vadd.s32 v1, v5  }
0x494: {  	[tilespmem:s26], [sflag:$0x2] =	stream.indirect_vreg.gather [hbm4b:s23+s2], $0x80, v6, vm0, $0xb8;
	[tilespmem:$0x1FA00] =	vst v63  }
0x495: {  	s28 =	simm.s32 $0xAE00  }
0x496: {  	[tilespmem:s28], [sflag:$0x2] =	stream.indirect_vreg.gather [hbm4b:s22+s2], $0x80, v6, vm0, $0xb8;
	[tilespmem:$0x1FA00] =	vst v63  }
0x497: {  	s29 =	simm.s32 $0xB600  }
0x498: {  	[tilespmem:s29], [sflag:$0x2] =	stream.indirect_vreg.gather [hbm4b:s3+s2], $0x80, v5, vm0, $0xb8;
	[tilespmem:$0x1FA00] =	vst v63  }
0x499: {  	s30 =	simm.s32 $0xBE00  }
0x49a: {  	[tilespmem:s30], [sflag:$0x2] =	stream.indirect_vreg.gather [hbm4b:s23+s2], $0x80, v5, vm0, $0xb8;
	[tilespmem:$0x1FA00] =	vst v63  }
0x49b: {  	s31 =	simm.s32 $0xC600  }
0x49c: {  	[tilespmem:s31], [sflag:$0x2] =	stream.indirect_vreg.gather [hbm4b:s22+s2], $0x80, v5, vm0, $0xb8;
	[tilespmem:$0x1FA00] =	vst v63  }
0x49d: {  	_ =	swait.ge [sflag:s12], $0x6000  }
0x49e: {  	s5 =	sld [smem:$0x7F4]  }
0x49f: {  	[sflag:s12] =	ssyncset.done $0x0  }
0x4a0: {  	[sflag:s12] =	ssyncadd.s32 $0xFFFFA000;
	s12 =	simm.s32 $0xCE00  }
0x4a1: {  	[hbm4b:s5+s2] =	stream.linear.scatter [tilespmem:s12], [sflag:$0x9], $0x6000, $0x38;
	[tilespmem:$0x1FA00] =	vst v63  }
0x4a2: {  	_ =	swait.ge [sflag:s4], $0xC00  }
0x4a3: {  	[sflag:s4] =	ssyncset.done $0x0  }
0x4a4: {  	[sflag:s4] =	ssyncadd.s32 $0xFFFFF400  }
0x4a5: {  	v5 =	vld.msk [tilespmem:$0xD80], $0xf;
	_ =	sdelay $0x4  }
0x4a6: {  	v6 =	vshrl.u32 v5, $0x3  }
0x4a7: {  	v6 =	vmul.u32 $0x30, v6  }
0x4a8: {  	v5 =	vand.u32 $0x7, v5  }
0x4a9: {  	v5 =	vor.u32 v5, v6  }
0x4aa: {  	v5 =	vperm.xlane v5, v3;
	_ =	sdelay $0x1  }
0x4ab: {  	v5 =	vadd.s32 v4, v5;
	_ =	sdelay $0x3  }
0x4ac: {  	s24 =	simm.s32 $0x1EE00  }
0x4ad: {  	[tilespmem:s24], [sflag:$0x6] =	stream.indirect_vreg.gather [hbm4b:s3+s2], $0x80, v5, vm0, $0xb8;
	[tilespmem:$0x1FA00] =	vst v63  }
0x4ae: {  	s25 =	simm.s32 $0x1F600  }
0x4af: {  	[tilespmem:s25], [sflag:$0x6] =	stream.indirect_vreg.gather [hbm4b:s22+s2], $0x80, v5, vm1, $0xb8;
	[tilespmem:$0x1FA00] =	vst v63  }
0x4b0: {  	_ =	swait.ge [sflag:s13], $0x6000  }
0x4b1: {  	s26 =	sld [smem:$0x7F5]  }
0x4b2: {  	[sflag:s13] =	ssyncset.done $0x0  }
0x4b3: {  	s8 =	simm.s32 $0x12E00;
	[sflag:s13] =	ssyncadd.s32 $0xFFFFA000  }
0x4b4: {  	[hbm4b:s26+s2] =	stream.linear.scatter [tilespmem:s8], [sflag:$0xA], $0x6000, $0x38;
	[tilespmem:$0x1FA00] =	vst v63  }
0x4b5: {  	_ =	swait.ge [sflag:s16], $0x6000  }
0x4b6: {  	s28 =	sld [smem:$0x7F6]  }
0x4b7: {  	[sflag:s16] =	ssyncset.done $0x0  }
0x4b8: {  	s20 =	simm.s32 $0x18E00;
	[sflag:s16] =	ssyncadd.s32 $0xFFFFA000  }
0x4b9: {  	[hbm4b:s28+s2] =	stream.linear.scatter [tilespmem:s20], [sflag:$0xB], $0x6000, $0x38;
	[tilespmem:$0x1FA00] =	vst v63  }
0x4ba: {  	_ =	swait.ge [sflag:s9], $0x6000  }
0x4bb: {  	s29 =	sld [smem:$0x7F7]  }
0x4bc: {  	[sflag:s9] =	ssyncset.done $0x0  }
0x4bd: {  	[sflag:s9] =	ssyncadd.s32 $0xFFFFA000  }
0x4be: {  	[hbm4b:s29+s2] =	stream.linear.scatter [tilespmem:s10], [sflag:$0x7], $0x6000, $0x38;
	[tilespmem:$0x1FA00] =	vst v63  }
0x4bf: {  	_ =	swait.ge [sflag:s11], $0x6000  }
0x4c0: {  	s30 =	sld [smem:$0x7F8]  }
0x4c1: {  	[sflag:s11] =	ssyncset.done $0x0  }
0x4c2: {  	[sflag:s11] =	ssyncadd.s32 $0xFFFFA000  }
0x4c3: {  	[hbm4b:s30+s2] =	stream.linear.scatter [tilespmem:s0], [sflag:$0x8], $0x6000, $0x38;
	[tilespmem:$0x1FA00] =	vst v63  }
0x4c4: {  	_ =	swait.ge [sflag:s7], $0xC00  }
0x4c5: {  	s31 =	sld [smem:$0x7F9]  }
0x4c6: {  	[sflag:s7] =	ssyncset.done $0x0  }
0x4c7: {  	[sflag:s7] =	ssyncadd.s32 $0xFFFFF400  }
0x4c8: {  	[hbm4b:s31+s19] =	stream.strided.scatter [tilespmem:s24], [sflag:$0xC], $0xC00, s1, s19, $0x38;
	[tilespmem:$0x1FA00] =	vst v63  }
0x4c9: {  	_ =	swait.ge [sflag:s15], $0x6000  }
0x4ca: {  	[sflag:s15] =	ssyncset.done $0x0  }
0x4cb: {  	[sflag:s15] =	ssyncadd.s32 $0xFFFFA000  }
0x4cc: {  	_ =	swait.ge [sflag:s21], $0x6000  }
0x4cd: {  	[sflag:s21] =	ssyncset.done $0x0  }
0x4ce: {  	[sflag:s21] =	ssyncadd.s32 $0xFFFFA000  }
0x4cf: {  	_ =	swait.ge [sflag:s17], $0x6000  }
0x4d0: {  	[sflag:s17] =	ssyncset.done $0x0  }
0x4d1: {  	[sflag:s17] =	ssyncadd.s32 $0xFFFFA000  }
0x4d2: {  	_ =	swait.ge [sflag:s14], $0x6000  }
0x4d3: {  	[sflag:s14] =	ssyncset.done $0x0  }
0x4d4: {  	[sflag:s14] =	ssyncadd.s32 $0xFFFFA000  }
0x4d5: {  	p0 =	sne.s32 s18, $0x1;
	_ =	swait.ge [sflag:s6], $0x6000  }
.Ltmp0:
0x4d6: {  	[sflag:s6] =	ssyncset.done $0x0;
	(pc) =	sbr.rel @p0 .LBB2_1-.Ltmp0, $4  }
0x4d7: {  	[sflag:s6] =	ssyncadd.s32 $0xFFFFA000  }
0x4d8: {  	_ =	swait.ge [sflag:s4], $0xC00  }
0x4d9: {  	[sflag:s4] =	ssyncset.done $0x0  }
0x4da: {  	s18 =	sadd.s32 $0xFFFFFFFF, s18;
	[sflag:s4] =	ssyncadd.s32 $0xFFFFF400  }
0x4db: {  	_ =	sfence.sel $0x180000  }
0x4dc: {  	[bflag:$0x0] =	sbarrier.arrive $0xFFFF  }
0x4dd: {  	_ =	strace $0x90000047  }
0x4de: {  	s0 =	stileid.u32;
	[bflag:$0x2] =	sbarrier.arrive $0xFFFF  }
0x4df: {  	p0 =	sne.s32 s0, $0x0;
	s0 =	rddreg [dreg:$0x2]  }
0x4e0: {  	s0 =	sadd.s32 @!p0 $0x100000, s0  }
0x4e1: {  	[sflag:s0] =	ssyncadd.tile.s32 @!p0 $0x1;
	_ =	shalt  }
.Lfunc_end2:
_tile_overlayer_lowered:
.L_overlay_start_2:
0x4e2: {  	(tag) =	ssettag $0x2  }
0x4e3: {  	s0 =	rddreg [dreg:$0x0];
	s2 =	stileid.u32  }
0x4e4: {  	s1 =	rddreg [dreg:$0x1];
	p0 =	sne.s32 s2, $0x0  }
0x4e5: {  	s3 =	rddreg [dreg:$0x2];
	[bflag:$0x3] =	sbarrier.arrive $0xFFFF;
	s2 =	simm.s32 @!p0 $0x1C0D  }
0x4e6: {  	[timem:s3], [sflag:s2] =	dma.local @!p0 [hbm:s0], s1  }
0x4e7: {  	s0 =	simm.s32 @!p0 $0xD  }
0x4e8: {  	_ =	swait.ge @!p0 [sflag:s0], s1  }
0x4e9: {  	s1 =	ssub.s32 @!p0 $0x0, s1;
	[sflag:s0] =	ssyncset.done @!p0 $0x0  }
0x4ea: {  	[sflag:s0] =	ssyncadd.s32 @!p0 s1  }
0x4eb: {  	[bflag:$0x3] =	sbarrier.arrive $0xFFFF  }
0x4ec: {  	_ =	shalt  }

</sc_bundles>
